<compile_context>
chip_gen: v7x
topology: tpu7x:2x2x1
jax: 0.10.2.dev20260603
libtpu: 0.0.44.dev20260713+nightly
codegen_flags: <defaults>
</compile_context>

<pallas_src>
import dataclasses

import jax
import jax.numpy as jnp
from jax import lax
from jax.experimental import pallas as pl
from jax.experimental.pallas import tpu as pltpu
from jax.experimental.pallas import tpu_sc as plsc

N_SEG = 100_000
N_SPECIES = 100
SCALE_PAD = 112

NC = 2
NS = 16
L = 16
NW = NC * NS
APT = 1_600_000 // NW
BLK = 2_000
NBLK = APT // BLK
ACC_PAD = 102_400
SLC = ACC_PAD // NS


def _sc_body(le_hbm, z_hbm, seg_hbm, s1_hbm, s2_hbm, out_hbm,
             scale_v, s2_v,
             le_a, z_a, seg_a,
             le_b, z_b, seg_b,
             le_c, z_c, seg_c,
             le_d, z_d, seg_d,
             le_e, z_e, seg_e,
             e_0, ss_0, e_1, ss_1, e_2, ss_2, e_3, ss_3,
             zero_v, acc_sh,
             in_sem_a, in_sem_b, in_sem_c, in_sem_d, in_sem_e,
             sc_sem_0, sc_sem_1, sc_sem_2, sc_sem_3):
    cid = lax.axis_index("c")
    sid = lax.axis_index("s")
    wid = cid * NS + sid
    base0 = wid * APT

    in_slots = [(le_a, z_a, seg_a, in_sem_a),
                (le_b, z_b, seg_b, in_sem_b),
                (le_c, z_c, seg_c, in_sem_c),
                (le_d, z_d, seg_d, in_sem_d),
                (le_e, z_e, seg_e, in_sem_e)]
    NIN = len(in_slots)
    sc_slots = [(e_0, ss_0, sc_sem_0), (e_1, ss_1, sc_sem_1),
                (e_2, ss_2, sc_sem_2), (e_3, ss_3, sc_sem_3)]
    NSC = len(sc_slots)

    def start_in(slot, b):
        le_v, z_v, seg_v, isem = slot
        base = base0 + b * BLK
        pltpu.async_copy(le_hbm.at[pl.ds(base, BLK)], le_v, isem)
        pltpu.async_copy(z_hbm.at[pl.ds(base, BLK)], z_v, isem)
        pltpu.async_copy(seg_hbm.at[pl.ds(base, BLK)], seg_v, isem)

    start_in(in_slots[0], 0)
    start_in(in_slots[1], 1)
    start_in(in_slots[2], 2)
    start_in(in_slots[3], 3)

    pltpu.sync_copy(s1_hbm, scale_v.at[pl.ds(0, N_SPECIES)])
    pltpu.sync_copy(s2_hbm, s2_v.at[pl.ds(0, N_SPECIES)])

    @pl.loop(0, SCALE_PAD, step=L)
    def _(i):
        scale_v[pl.ds(i, L)] = scale_v[pl.ds(i, L)] * s2_v[pl.ds(i, L)]

    @pl.loop(0, SLC, step=L)
    def _(i):
        zero_v[pl.ds(i, L)] = jnp.zeros((L,), jnp.float32)

    pltpu.sync_copy(zero_v, acc_sh.at[pl.ds(sid * SLC, SLC)])
    plsc.subcore_barrier()

    def wait_in(slot, b):
        le_v, z_v, seg_v, isem = slot
        base = base0 + b * BLK
        pltpu.make_async_copy(le_hbm.at[pl.ds(base, BLK)], le_v, isem).wait()
        pltpu.make_async_copy(z_hbm.at[pl.ds(base, BLK)], z_v, isem).wait()
        pltpu.make_async_copy(seg_hbm.at[pl.ds(base, BLK)], seg_v, isem).wait()

    def compute(islot, kslot):
        le_v, z_v, seg_v, _ = islot
        e_v, ss_v, _ = kslot

        @pl.loop(0, BLK, step=L)
        def _(i):
            z = z_v[pl.ds(i, L)]
            sv = plsc.load_gather(scale_v, [z])
            e_v[pl.ds(i, L)] = le_v[pl.ds(i, L)] * sv
            ss_v[pl.ds(i, L)] = seg_v[pl.ds(i, L)]

    def start_scat(kslot):
        e_v, ss_v, ssem = kslot
        pltpu.async_copy(e_v, acc_sh.at[ss_v], ssem, add=True)

    def wait_scat(kslot):
        e_v, ss_v, ssem = kslot
        pltpu.make_async_copy(e_v, acc_sh.at[ss_v], ssem).wait()

    pending = [False] * NSC
    for b in range(NBLK):
        ci, k = b % NIN, b % NSC
        if b + 4 < NBLK:
            start_in(in_slots[(b + 4) % NIN], b + 4)
        wait_in(in_slots[ci], b)
        if pending[k]:
            wait_scat(sc_slots[k])
            pending[k] = False
        compute(in_slots[ci], sc_slots[k])
        start_scat(sc_slots[k])
        pending[k] = True
    for k in range(NSC):
        if pending[k]:
            wait_scat(sc_slots[k])

    plsc.subcore_barrier()
    pltpu.sync_copy(acc_sh.at[pl.ds(sid * SLC, SLC)],
                    out_hbm.at[cid, pl.ds(sid * SLC, SLC)])


def _combine_body(p_ref, o_ref):
    o_ref[...] = p_ref[0, :N_SEG] + p_ref[1, :N_SEG]


@jax.jit
def _impl(local_energies, Z, segment_ids, scale1, scale2):
    mesh = plsc.VectorSubcoreMesh(core_axis_name="c", subcore_axis_name="s")
    cp = pltpu.CompilerParams()
    if "needs_layout_passes" in pltpu.CompilerParams.__dataclass_fields__:
        cp = dataclasses.replace(cp, needs_layout_passes=False)
    sc_call = pl.kernel(
        _sc_body,
        out_type=jax.ShapeDtypeStruct((NC, ACC_PAD), jnp.float32),
        mesh=mesh,
        scratch_types=[
            pltpu.VMEM((SCALE_PAD,), jnp.float32),
            pltpu.VMEM((SCALE_PAD,), jnp.float32),
            pltpu.VMEM((BLK,), jnp.float32),
            pltpu.VMEM((BLK,), jnp.int32),
            pltpu.VMEM((BLK,), jnp.int32),
            pltpu.VMEM((BLK,), jnp.float32),
            pltpu.VMEM((BLK,), jnp.int32),
            pltpu.VMEM((BLK,), jnp.int32),
            pltpu.VMEM((BLK,), jnp.float32),
            pltpu.VMEM((BLK,), jnp.int32),
            pltpu.VMEM((BLK,), jnp.int32),
            pltpu.VMEM((BLK,), jnp.float32),
            pltpu.VMEM((BLK,), jnp.int32),
            pltpu.VMEM((BLK,), jnp.int32),
            pltpu.VMEM((BLK,), jnp.float32),
            pltpu.VMEM((BLK,), jnp.int32),
            pltpu.VMEM((BLK,), jnp.int32),
            pltpu.VMEM((BLK,), jnp.float32),
            pltpu.VMEM((BLK,), jnp.int32),
            pltpu.VMEM((BLK,), jnp.float32),
            pltpu.VMEM((BLK,), jnp.int32),
            pltpu.VMEM((BLK,), jnp.float32),
            pltpu.VMEM((BLK,), jnp.int32),
            pltpu.VMEM((BLK,), jnp.float32),
            pltpu.VMEM((BLK,), jnp.int32),
            pltpu.VMEM((SLC,), jnp.float32),
            pltpu.VMEM_SHARED((ACC_PAD,), jnp.float32),
            pltpu.SemaphoreType.DMA,
            pltpu.SemaphoreType.DMA,
            pltpu.SemaphoreType.DMA,
            pltpu.SemaphoreType.DMA,
            pltpu.SemaphoreType.DMA,
            pltpu.SemaphoreType.DMA,
            pltpu.SemaphoreType.DMA,
            pltpu.SemaphoreType.DMA,
            pltpu.SemaphoreType.DMA,
        ],
        compiler_params=cp,
    )
    partial = sc_call(local_energies, Z, segment_ids, scale1, scale2)
    return pl.pallas_call(
        _combine_body,
        out_shape=jax.ShapeDtypeStruct((N_SEG,), jnp.float32),
    )(partial)


def kernel(local_energies, Z, segment_ids, scale1, scale2):
    return _impl(local_energies, Z, segment_ids, scale1, scale2)

# --- scband reference (transcript-rebuilt; emitter-appended) ---
"""Pipeline reference for scband-graph-pesmodel-36472862278244 (READ-ONLY COPY).

The authoritative reference and input builder live on the scoring server;
editing this copy changes nothing except your own understanding.
"""

import jax, jax.numpy as jnp
import numpy as np

N_ATOMS = 1600000
NUM_STRUCTURES = 100000
N_SPECIES = 100


def setup_inputs(seed: int = 0) -> dict:
    key = jax.random.key(seed)
    k1, k2, k3, k4, k5 = jax.random.split(key, 5)
    # per-atom (standardized) local energies, as produced by predict_local_energies(...).squeeze()
    local_energies = jax.random.normal(k1, (N_ATOMS,), dtype=jnp.float32)
    # atomic numbers (species) for each atom
    Z = jax.random.randint(k2, (N_ATOMS,), 0, N_SPECIES, dtype=jnp.int32)
    # structure membership of each atom (the `batch` vector of AtomicGraphBatch), sorted
    segment_ids = jnp.sort(jax.random.randint(k3, (N_ATOMS,), 0, NUM_STRUCTURES, dtype=jnp.int32))
    # learned per-species scales of the two chained PerAtomScale transforms
    scale1 = jax.random.uniform(k4, (N_SPECIES,), dtype=jnp.float32, minval=0.5, maxval=1.5)
    scale2 = jax.random.uniform(k5, (N_SPECIES,), dtype=jnp.float32, minval=0.5, maxval=1.5)
    return {
        "local_energies": local_energies,
        "Z": Z,
        "segment_ids": segment_ids,
        "scale1": scale1,
        "scale2": scale2,
    }


def reference(local_energies, Z, segment_ids, scale1, scale2):
    # EnergySummation.forward:
    #   local_transform = Chain([PerAtomScale(), PerAtomScale()]).inverse
    #   -> multiply each atom's local energy by the per-species scales (inverse of division)
    e = local_energies * jnp.take(scale1, Z, axis=0)
    e = e * jnp.take(scale2, Z, axis=0)
    # sum_per_structure: segment-sum of local energies over the structure index
    total_E = jax.ops.segment_sum(e, segment_ids, num_segments=NUM_STRUCTURES)
    # total_transform is Identity by default
    return total_E

if __name__ == "__main__":
    import jax
    _d = setup_inputs()
    print(jax.jit(kernel)(*tuple(_d.values())))

</pallas_src>

<mosaic_0001>
#map = affine_map<(d0, d1) -> (0)>
#map1 = affine_map<(d0, d1) -> (0, 0)>
module attributes {stable_mosaic.version = 14 : i64} {
  func.func @_sc_body(%arg0: i32, %arg1: i32, %arg2: memref<1600000xf32, #tpu.memory_space<hbm>>, %arg3: memref<1600000xi32, #tpu.memory_space<hbm>>, %arg4: memref<1600000xi32, #tpu.memory_space<hbm>>, %arg5: memref<100xf32, #tpu.memory_space<hbm>>, %arg6: memref<100xf32, #tpu.memory_space<hbm>>, %arg7: memref<2x102400xf32, #tpu.memory_space<hbm>>, %arg8: memref<112xf32, #tpu.memory_space<vmem>>, %arg9: memref<112xf32, #tpu.memory_space<vmem>>, %arg10: memref<2000xf32, #tpu.memory_space<vmem>>, %arg11: memref<2000xi32, #tpu.memory_space<vmem>>, %arg12: memref<2000xi32, #tpu.memory_space<vmem>>, %arg13: memref<2000xf32, #tpu.memory_space<vmem>>, %arg14: memref<2000xi32, #tpu.memory_space<vmem>>, %arg15: memref<2000xi32, #tpu.memory_space<vmem>>, %arg16: memref<2000xf32, #tpu.memory_space<vmem>>, %arg17: memref<2000xi32, #tpu.memory_space<vmem>>, %arg18: memref<2000xi32, #tpu.memory_space<vmem>>, %arg19: memref<2000xf32, #tpu.memory_space<vmem>>, %arg20: memref<2000xi32, #tpu.memory_space<vmem>>, %arg21: memref<2000xi32, #tpu.memory_space<vmem>>, %arg22: memref<2000xf32, #tpu.memory_space<vmem>>, %arg23: memref<2000xi32, #tpu.memory_space<vmem>>, %arg24: memref<2000xi32, #tpu.memory_space<vmem>>, %arg25: memref<2000xf32, #tpu.memory_space<vmem>>, %arg26: memref<2000xi32, #tpu.memory_space<vmem>>, %arg27: memref<2000xf32, #tpu.memory_space<vmem>>, %arg28: memref<2000xi32, #tpu.memory_space<vmem>>, %arg29: memref<2000xf32, #tpu.memory_space<vmem>>, %arg30: memref<2000xi32, #tpu.memory_space<vmem>>, %arg31: memref<2000xf32, #tpu.memory_space<vmem>>, %arg32: memref<2000xi32, #tpu.memory_space<vmem>>, %arg33: memref<6400xf32, #tpu.memory_space<vmem>>, %arg34: memref<102400xf32, #tpu.memory_space<vmem_shared>>, %arg35: memref<!tpu.dma_semaphore, #tpu.memory_space<semaphore_mem>>, %arg36: memref<!tpu.dma_semaphore, #tpu.memory_space<semaphore_mem>>, %arg37: memref<!tpu.dma_semaphore, #tpu.memory_space<semaphore_mem>>, %arg38: memref<!tpu.dma_semaphore, #tpu.memory_space<semaphore_mem>>, %arg39: memref<!tpu.dma_semaphore, #tpu.memory_space<semaphore_mem>>, %arg40: memref<!tpu.dma_semaphore, #tpu.memory_space<semaphore_mem>>, %arg41: memref<!tpu.dma_semaphore, #tpu.memory_space<semaphore_mem>>, %arg42: memref<!tpu.dma_semaphore, #tpu.memory_space<semaphore_mem>>, %arg43: memref<!tpu.dma_semaphore, #tpu.memory_space<semaphore_mem>>) attributes {dimension_semantics = [#tpu.dimension_semantics<core_parallel>, #tpu.dimension_semantics<subcore_parallel>], iteration_bounds = array<i64: 2, 16>, scalar_prefetch = 0 : i64, scratch_operands = 36 : i64, tpu.core_type = #tpu.core_type<sc_vector_subcore>, window_params = [{transform_indices = #map}, {transform_indices = #map}, {transform_indices = #map}, {transform_indices = #map}, {transform_indices = #map}, {transform_indices = #map1}]} {
    %mul3A = arith.constant 16 : i32
    %mul3A_0 = arith.muli %arg0, %mul3A : i32
    %add3A = arith.addi %mul3A_0, %arg1 : i32
    %mul3A_1 = arith.constant 50000 : i32
    %mul3A_2 = arith.muli %add3A, %mul3A_1 : i32
    %add3A_3 = arith.constant 0 : i32
    %add3A_4 = arith.addi %mul3A_2, %add3A_3 : i32
    %dma_start3A = tpu.memref_slice %arg2[%add3A_4] : memref<1600000xf32, #tpu.memory_space<hbm>> -> memref<2000xf32, #tpu.memory_space<hbm>>
    %dma_start3A_5 = tpu.memref_slice %arg2[%add3A_4] : memref<1600000xf32, #tpu.memory_space<hbm>> -> memref<2000xf32, #tpu.memory_space<hbm>>
    tpu.enqueue_dma source(%dma_start3A_5 : memref<2000xf32, #tpu.memory_space<hbm>>) target(%arg10 : memref<2000xf32, #tpu.memory_space<vmem>>) target_semaphore(%arg35 : memref<!tpu.dma_semaphore, #tpu.memory_space<semaphore_mem>>)
    %dma_start3A_6 = tpu.memref_slice %arg3[%add3A_4] : memref<1600000xi32, #tpu.memory_space<hbm>> -> memref<2000xi32, #tpu.memory_space<hbm>>
    %dma_start3A_7 = tpu.memref_slice %arg3[%add3A_4] : memref<1600000xi32, #tpu.memory_space<hbm>> -> memref<2000xi32, #tpu.memory_space<hbm>>
    tpu.enqueue_dma source(%dma_start3A_7 : memref<2000xi32, #tpu.memory_space<hbm>>) target(%arg11 : memref<2000xi32, #tpu.memory_space<vmem>>) target_semaphore(%arg35 : memref<!tpu.dma_semaphore, #tpu.memory_space<semaphore_mem>>)
    %dma_start3A_8 = tpu.memref_slice %arg4[%add3A_4] : memref<1600000xi32, #tpu.memory_space<hbm>> -> memref<2000xi32, #tpu.memory_space<hbm>>
    %dma_start3A_9 = tpu.memref_slice %arg4[%add3A_4] : memref<1600000xi32, #tpu.memory_space<hbm>> -> memref<2000xi32, #tpu.memory_space<hbm>>
    tpu.enqueue_dma source(%dma_start3A_9 : memref<2000xi32, #tpu.memory_space<hbm>>) target(%arg12 : memref<2000xi32, #tpu.memory_space<vmem>>) target_semaphore(%arg35 : memref<!tpu.dma_semaphore, #tpu.memory_space<semaphore_mem>>)
    %add3A_10 = arith.constant 2000 : i32
    %add3A_11 = arith.addi %mul3A_2, %add3A_10 : i32
    %dma_start3A_12 = tpu.memref_slice %arg2[%add3A_11] : memref<1600000xf32, #tpu.memory_space<hbm>> -> memref<2000xf32, #tpu.memory_space<hbm>>
    %dma_start3A_13 = tpu.memref_slice %arg2[%add3A_11] : memref<1600000xf32, #tpu.memory_space<hbm>> -> memref<2000xf32, #tpu.memory_space<hbm>>
    tpu.enqueue_dma source(%dma_start3A_13 : memref<2000xf32, #tpu.memory_space<hbm>>) target(%arg13 : memref<2000xf32, #tpu.memory_space<vmem>>) target_semaphore(%arg36 : memref<!tpu.dma_semaphore, #tpu.memory_space<semaphore_mem>>)
    %dma_start3A_14 = tpu.memref_slice %arg3[%add3A_11] : memref<1600000xi32, #tpu.memory_space<hbm>> -> memref<2000xi32, #tpu.memory_space<hbm>>
    %dma_start3A_15 = tpu.memref_slice %arg3[%add3A_11] : memref<1600000xi32, #tpu.memory_space<hbm>> -> memref<2000xi32, #tpu.memory_space<hbm>>
    tpu.enqueue_dma source(%dma_start3A_15 : memref<2000xi32, #tpu.memory_space<hbm>>) target(%arg14 : memref<2000xi32, #tpu.memory_space<vmem>>) target_semaphore(%arg36 : memref<!tpu.dma_semaphore, #tpu.memory_space<semaphore_mem>>)
    %dma_start3A_16 = tpu.memref_slice %arg4[%add3A_11] : memref<1600000xi32, #tpu.memory_space<hbm>> -> memref<2000xi32, #tpu.memory_space<hbm>>
    %dma_start3A_17 = tpu.memref_slice %arg4[%add3A_11] : memref<1600000xi32, #tpu.memory_space<hbm>> -> memref<2000xi32, #tpu.memory_space<hbm>>
    tpu.enqueue_dma source(%dma_start3A_17 : memref<2000xi32, #tpu.memory_space<hbm>>) target(%arg15 : memref<2000xi32, #tpu.memory_space<vmem>>) target_semaphore(%arg36 : memref<!tpu.dma_semaphore, #tpu.memory_space<semaphore_mem>>)
    %add3A_18 = arith.constant 4000 : i32
    %add3A_19 = arith.addi %mul3A_2, %add3A_18 : i32
    %dma_start3A_20 = tpu.memref_slice %arg2[%add3A_19] : memref<1600000xf32, #tpu.memory_space<hbm>> -> memref<2000xf32, #tpu.memory_space<hbm>>
    %dma_start3A_21 = tpu.memref_slice %arg2[%add3A_19] : memref<1600000xf32, #tpu.memory_space<hbm>> -> memref<2000xf32, #tpu.memory_space<hbm>>
    tpu.enqueue_dma source(%dma_start3A_21 : memref<2000xf32, #tpu.memory_space<hbm>>) target(%arg16 : memref<2000xf32, #tpu.memory_space<vmem>>) target_semaphore(%arg37 : memref<!tpu.dma_semaphore, #tpu.memory_space<semaphore_mem>>)
    %dma_start3A_22 = tpu.memref_slice %arg3[%add3A_19] : memref<1600000xi32, #tpu.memory_space<hbm>> -> memref<2000xi32, #tpu.memory_space<hbm>>
    %dma_start3A_23 = tpu.memref_slice %arg3[%add3A_19] : memref<1600000xi32, #tpu.memory_space<hbm>> -> memref<2000xi32, #tpu.memory_space<hbm>>
    tpu.enqueue_dma source(%dma_start3A_23 : memref<2000xi32, #tpu.memory_space<hbm>>) target(%arg17 : memref<2000xi32, #tpu.memory_space<vmem>>) target_semaphore(%arg37 : memref<!tpu.dma_semaphore, #tpu.memory_space<semaphore_mem>>)
    %dma_start3A_24 = tpu.memref_slice %arg4[%add3A_19] : memref<1600000xi32, #tpu.memory_space<hbm>> -> memref<2000xi32, #tpu.memory_space<hbm>>
    %dma_start3A_25 = tpu.memref_slice %arg4[%add3A_19] : memref<1600000xi32, #tpu.memory_space<hbm>> -> memref<2000xi32, #tpu.memory_space<hbm>>
    tpu.enqueue_dma source(%dma_start3A_25 : memref<2000xi32, #tpu.memory_space<hbm>>) target(%arg18 : memref<2000xi32, #tpu.memory_space<vmem>>) target_semaphore(%arg37 : memref<!tpu.dma_semaphore, #tpu.memory_space<semaphore_mem>>)
    %add3A_26 = arith.constant 6000 : i32
    %add3A_27 = arith.addi %mul3A_2, %add3A_26 : i32
    %dma_start3A_28 = tpu.memref_slice %arg2[%add3A_27] : memref<1600000xf32, #tpu.memory_space<hbm>> -> memref<2000xf32, #tpu.memory_space<hbm>>
    %dma_start3A_29 = tpu.memref_slice %arg2[%add3A_27] : memref<1600000xf32, #tpu.memory_space<hbm>> -> memref<2000xf32, #tpu.memory_space<hbm>>
    tpu.enqueue_dma source(%dma_start3A_29 : memref<2000xf32, #tpu.memory_space<hbm>>) target(%arg19 : memref<2000xf32, #tpu.memory_space<vmem>>) target_semaphore(%arg38 : memref<!tpu.dma_semaphore, #tpu.memory_space<semaphore_mem>>)
    %dma_start3A_30 = tpu.memref_slice %arg3[%add3A_27] : memref<1600000xi32, #tpu.memory_space<hbm>> -> memref<2000xi32, #tpu.memory_space<hbm>>
    %dma_start3A_31 = tpu.memref_slice %arg3[%add3A_27] : memref<1600000xi32, #tpu.memory_space<hbm>> -> memref<2000xi32, #tpu.memory_space<hbm>>
    tpu.enqueue_dma source(%dma_start3A_31 : memref<2000xi32, #tpu.memory_space<hbm>>) target(%arg20 : memref<2000xi32, #tpu.memory_space<vmem>>) target_semaphore(%arg38 : memref<!tpu.dma_semaphore, #tpu.memory_space<semaphore_mem>>)
    %dma_start3A_32 = tpu.memref_slice %arg4[%add3A_27] : memref<1600000xi32, #tpu.memory_space<hbm>> -> memref<2000xi32, #tpu.memory_space<hbm>>
    %dma_start3A_33 = tpu.memref_slice %arg4[%add3A_27] : memref<1600000xi32, #tpu.memory_space<hbm>> -> memref<2000xi32, #tpu.memory_space<hbm>>
    tpu.enqueue_dma source(%dma_start3A_33 : memref<2000xi32, #tpu.memory_space<hbm>>) target(%arg21 : memref<2000xi32, #tpu.memory_space<vmem>>) target_semaphore(%arg38 : memref<!tpu.dma_semaphore, #tpu.memory_space<semaphore_mem>>)
    "tpu.region"() ({
      %run_scoped3A = tpu.sem_alloc : memref<!tpu.dma_semaphore, #tpu.memory_space<semaphore_mem>>
      %dma_start3A_642 = arith.constant 0 : i32
      %dma_start3A_643 = tpu.memref_slice %arg8[%dma_start3A_642] : memref<112xf32, #tpu.memory_space<vmem>> -> memref<100xf32, #tpu.memory_space<vmem>>
      %dma_start3A_644 = arith.constant 0 : i32
      %dma_start3A_645 = tpu.memref_slice %arg8[%dma_start3A_644] : memref<112xf32, #tpu.memory_space<vmem>> -> memref<100xf32, #tpu.memory_space<vmem>>
      tpu.enqueue_dma source(%arg5 : memref<100xf32, #tpu.memory_space<hbm>>) target(%dma_start3A_645 : memref<100xf32, #tpu.memory_space<vmem>>) target_semaphore(%run_scoped3A : memref<!tpu.dma_semaphore, #tpu.memory_space<semaphore_mem>>)
      %dma_wait3A_646 = arith.constant 0 : i32
      %dma_wait3A_647 = tpu.memref_slice %arg8[%dma_wait3A_646] : memref<112xf32, #tpu.memory_space<vmem>> -> memref<100xf32, #tpu.memory_space<vmem>>
      %dma_wait3A_648 = arith.constant 0 : i32
      %dma_wait3A_649 = tpu.memref_slice %arg8[%dma_wait3A_648] : memref<112xf32, #tpu.memory_space<vmem>> -> memref<100xf32, #tpu.memory_space<vmem>>
      tpu.wait_dma2 semaphore(%run_scoped3A : memref<!tpu.dma_semaphore, #tpu.memory_space<semaphore_mem>>) src(%arg5 : memref<100xf32, #tpu.memory_space<hbm>>) dst(%dma_wait3A_649 : memref<100xf32, #tpu.memory_space<vmem>>)
      tpu.yield
    }) : () -> ()
    "tpu.region"() ({
      %run_scoped3A = tpu.sem_alloc : memref<!tpu.dma_semaphore, #tpu.memory_space<semaphore_mem>>
      %dma_start3A_642 = arith.constant 0 : i32
      %dma_start3A_643 = tpu.memref_slice %arg9[%dma_start3A_642] : memref<112xf32, #tpu.memory_space<vmem>> -> memref<100xf32, #tpu.memory_space<vmem>>
      %dma_start3A_644 = arith.constant 0 : i32
      %dma_start3A_645 = tpu.memref_slice %arg9[%dma_start3A_644] : memref<112xf32, #tpu.memory_space<vmem>> -> memref<100xf32, #tpu.memory_space<vmem>>
      tpu.enqueue_dma source(%arg6 : memref<100xf32, #tpu.memory_space<hbm>>) target(%dma_start3A_645 : memref<100xf32, #tpu.memory_space<vmem>>) target_semaphore(%run_scoped3A : memref<!tpu.dma_semaphore, #tpu.memory_space<semaphore_mem>>)
      %dma_wait3A_646 = arith.constant 0 : i32
      %dma_wait3A_647 = tpu.memref_slice %arg9[%dma_wait3A_646] : memref<112xf32, #tpu.memory_space<vmem>> -> memref<100xf32, #tpu.memory_space<vmem>>
      %dma_wait3A_648 = arith.constant 0 : i32
      %dma_wait3A_649 = tpu.memref_slice %arg9[%dma_wait3A_648] : memref<112xf32, #tpu.memory_space<vmem>> -> memref<100xf32, #tpu.memory_space<vmem>>
      tpu.wait_dma2 semaphore(%run_scoped3A : memref<!tpu.dma_semaphore, #tpu.memory_space<semaphore_mem>>) src(%arg6 : memref<100xf32, #tpu.memory_space<hbm>>) dst(%dma_wait3A_649 : memref<100xf32, #tpu.memory_space<vmem>>)
      tpu.yield
    }) : () -> ()
    %scan3A = arith.constant 0 : i32
    %scan3A_34 = arith.constant 7 : i32
    %scan3A_35 = arith.addi %scan3A, %scan3A_34 : i32
    %scan3A_36 = arith.constant 1 : i32
    scf.for %scan3A_642 = %scan3A to %scan3A_35 step %scan3A_36  : i32 {
      %mul3A_643 = arith.constant 16 : i32
      %mul3A_644 = arith.muli %scan3A_642, %mul3A_643 : i32
      %add3A_645 = arith.constant 0 : i32
      %add3A_646 = arith.addi %add3A_645, %mul3A_644 : i32
      %get3A = arith.index_cast %add3A_646 : i32 to index
      %get3A_647 = tpu.vector_load %arg8[%get3A] {strides = array<i32>} : memref<112xf32, #tpu.memory_space<vmem>>, vector<16xf32>,
      %get3A_648 = arith.index_cast %add3A_646 : i32 to index
      %get3A_649 = tpu.vector_load %arg9[%get3A_648] {strides = array<i32>} : memref<112xf32, #tpu.memory_space<vmem>>, vector<16xf32>,
      %mul3A_650 = arith.mulf %get3A_647, %get3A_649 : vector<16xf32>
      %swap3A = arith.index_cast %add3A_646 : i32 to index
      %swap3A_651 = tpu.vector_load %arg8[%swap3A] {strides = array<i32>} : memref<112xf32, #tpu.memory_space<vmem>>, vector<16xf32>,
      tpu.vector_store %arg8[%swap3A], %mul3A_650 {strides = array<i32>} : memref<112xf32, #tpu.memory_space<vmem>>, vector<16xf32>,
    }
    %scan3A_37 = arith.constant 7 : i32
    %scan3A_38 = arith.constant 0 : i32
    %scan3A_39 = arith.constant 400 : i32
    %scan3A_40 = arith.addi %scan3A_38, %scan3A_39 : i32
    %scan3A_41 = arith.constant 1 : i32
    scf.for %scan3A_642 = %scan3A_38 to %scan3A_40 step %scan3A_41  : i32 {
      %mul3A_643 = arith.constant 16 : i32
      %mul3A_644 = arith.muli %scan3A_642, %mul3A_643 : i32
      %add3A_645 = arith.constant 0 : i32
      %add3A_646 = arith.addi %add3A_645, %mul3A_644 : i32
      %broadcast_in_dim3A = arith.constant 0.000000e+00 : f32
      %broadcast_in_dim3A_647 = vector.broadcast %broadcast_in_dim3A : f32 to vector<16xf32>
      %swap3A = arith.index_cast %add3A_646 : i32 to index
      %swap3A_648 = tpu.vector_load %arg33[%swap3A] {strides = array<i32>} : memref<6400xf32, #tpu.memory_space<vmem>>, vector<16xf32>,
      tpu.vector_store %arg33[%swap3A], %broadcast_in_dim3A_647 {strides = array<i32>} : memref<6400xf32, #tpu.memory_space<vmem>>, vector<16xf32>,
    }
    %scan3A_42 = arith.constant 400 : i32
    %mul3A_43 = arith.constant 6400 : i32
    %mul3A_44 = arith.muli %arg1, %mul3A_43 : i32
    "tpu.region"() ({
      %run_scoped3A = tpu.sem_alloc : memref<!tpu.dma_semaphore, #tpu.memory_space<semaphore_mem>>
      %dma_start3A_642 = tpu.memref_slice %arg34[%mul3A_44] : memref<102400xf32, #tpu.memory_space<vmem_shared>> -> memref<6400xf32, #tpu.memory_space<vmem_shared>>
      %dma_start3A_643 = tpu.memref_slice %arg34[%mul3A_44] : memref<102400xf32, #tpu.memory_space<vmem_shared>> -> memref<6400xf32, #tpu.memory_space<vmem_shared>>
      tpu.enqueue_dma source(%arg33 : memref<6400xf32, #tpu.memory_space<vmem>>) target(%dma_start3A_643 : memref<6400xf32, #tpu.memory_space<vmem_shared>>) target_semaphore(%run_scoped3A : memref<!tpu.dma_semaphore, #tpu.memory_space<semaphore_mem>>)
      %dma_wait3A_644 = tpu.memref_slice %arg34[%mul3A_44] : memref<102400xf32, #tpu.memory_space<vmem_shared>> -> memref<6400xf32, #tpu.memory_space<vmem_shared>>
      %dma_wait3A_645 = tpu.memref_slice %arg34[%mul3A_44] : memref<102400xf32, #tpu.memory_space<vmem_shared>> -> memref<6400xf32, #tpu.memory_space<vmem_shared>>
      tpu.wait_dma2 semaphore(%run_scoped3A : memref<!tpu.dma_semaphore, #tpu.memory_space<semaphore_mem>>) src(%arg33 : memref<6400xf32, #tpu.memory_space<vmem>>) dst(%dma_wait3A_645 : memref<6400xf32, #tpu.memory_space<vmem_shared>>)
      tpu.yield
    }) : () -> ()
    %barrier3A = arith.constant 0 : index
    tpu.barrier barrier_id(%barrier3A)
    %add3A_45 = arith.constant 8000 : i32
    %add3A_46 = arith.addi %mul3A_2, %add3A_45 : i32
    %dma_start3A_47 = tpu.memref_slice %arg2[%add3A_46] : memref<1600000xf32, #tpu.memory_space<hbm>> -> memref<2000xf32, #tpu.memory_space<hbm>>
    %dma_start3A_48 = tpu.memref_slice %arg2[%add3A_46] : memref<1600000xf32, #tpu.memory_space<hbm>> -> memref<2000xf32, #tpu.memory_space<hbm>>
    tpu.enqueue_dma source(%dma_start3A_48 : memref<2000xf32, #tpu.memory_space<hbm>>) target(%arg22 : memref<2000xf32, #tpu.memory_space<vmem>>) target_semaphore(%arg39 : memref<!tpu.dma_semaphore, #tpu.memory_space<semaphore_mem>>)
    %dma_start3A_49 = tpu.memref_slice %arg3[%add3A_46] : memref<1600000xi32, #tpu.memory_space<hbm>> -> memref<2000xi32, #tpu.memory_space<hbm>>
    %dma_start3A_50 = tpu.memref_slice %arg3[%add3A_46] : memref<1600000xi32, #tpu.memory_space<hbm>> -> memref<2000xi32, #tpu.memory_space<hbm>>
    tpu.enqueue_dma source(%dma_start3A_50 : memref<2000xi32, #tpu.memory_space<hbm>>) target(%arg23 : memref<2000xi32, #tpu.memory_space<vmem>>) target_semaphore(%arg39 : memref<!tpu.dma_semaphore, #tpu.memory_space<semaphore_mem>>)
    %dma_start3A_51 = tpu.memref_slice %arg4[%add3A_46] : memref<1600000xi32, #tpu.memory_space<hbm>> -> memref<2000xi32, #tpu.memory_space<hbm>>
    %dma_start3A_52 = tpu.memref_slice %arg4[%add3A_46] : memref<1600000xi32, #tpu.memory_space<hbm>> -> memref<2000xi32, #tpu.memory_space<hbm>>
    tpu.enqueue_dma source(%dma_start3A_52 : memref<2000xi32, #tpu.memory_space<hbm>>) target(%arg24 : memref<2000xi32, #tpu.memory_space<vmem>>) target_semaphore(%arg39 : memref<!tpu.dma_semaphore, #tpu.memory_space<semaphore_mem>>)
    %add3A_53 = arith.constant 0 : i32
    %add3A_54 = arith.addi %mul3A_2, %add3A_53 : i32
    %dma_wait3A = tpu.memref_slice %arg2[%add3A_54] : memref<1600000xf32, #tpu.memory_space<hbm>> -> memref<2000xf32, #tpu.memory_space<hbm>>
    %dma_wait3A_55 = tpu.memref_slice %arg2[%add3A_54] : memref<1600000xf32, #tpu.memory_space<hbm>> -> memref<2000xf32, #tpu.memory_space<hbm>>
    tpu.wait_dma2 semaphore(%arg35 : memref<!tpu.dma_semaphore, #tpu.memory_space<semaphore_mem>>) src(%dma_wait3A_55 : memref<2000xf32, #tpu.memory_space<hbm>>) dst(%arg10 : memref<2000xf32, #tpu.memory_space<vmem>>)
    %dma_wait3A_56 = tpu.memref_slice %arg3[%add3A_54] : memref<1600000xi32, #tpu.memory_space<hbm>> -> memref<2000xi32, #tpu.memory_space<hbm>>
    %dma_wait3A_57 = tpu.memref_slice %arg3[%add3A_54] : memref<1600000xi32, #tpu.memory_space<hbm>> -> memref<2000xi32, #tpu.memory_space<hbm>>
    tpu.wait_dma2 semaphore(%arg35 : memref<!tpu.dma_semaphore, #tpu.memory_space<semaphore_mem>>) src(%dma_wait3A_57 : memref<2000xi32, #tpu.memory_space<hbm>>) dst(%arg11 : memref<2000xi32, #tpu.memory_space<vmem>>)
    %dma_wait3A_58 = tpu.memref_slice %arg4[%add3A_54] : memref<1600000xi32, #tpu.memory_space<hbm>> -> memref<2000xi32, #tpu.memory_space<hbm>>
    %dma_wait3A_59 = tpu.memref_slice %arg4[%add3A_54] : memref<1600000xi32, #tpu.memory_space<hbm>> -> memref<2000xi32, #tpu.memory_space<hbm>>
    tpu.wait_dma2 semaphore(%arg35 : memref<!tpu.dma_semaphore, #tpu.memory_space<semaphore_mem>>) src(%dma_wait3A_59 : memref<2000xi32, #tpu.memory_space<hbm>>) dst(%arg12 : memref<2000xi32, #tpu.memory_space<vmem>>)
    %scan3A_60 = arith.constant 0 : i32
    %scan3A_61 = arith.constant 125 : i32
    %scan3A_62 = arith.addi %scan3A_60, %scan3A_61 : i32
    %scan3A_63 = arith.constant 1 : i32
    scf.for %scan3A_642 = %scan3A_60 to %scan3A_62 step %scan3A_63  : i32 {
      %mul3A_643 = arith.constant 16 : i32
      %mul3A_644 = arith.muli %scan3A_642, %mul3A_643 : i32
      %add3A_645 = arith.constant 0 : i32
      %add3A_646 = arith.addi %add3A_645, %mul3A_644 : i32
      %get3A = arith.index_cast %add3A_646 : i32 to index
      %get3A_647 = tpu.vector_load %arg11[%get3A] {strides = array<i32>} : memref<2000xi32, #tpu.memory_space<vmem>>, vector<16xi32>,
      %gather3A = tpu.vector_load_idx %arg8[%get3A_647] : memref<112xf32, #tpu.memory_space<vmem>>[vector<16xi32>], vector<16xf32>,
      %get3A_648 = arith.index_cast %add3A_646 : i32 to index
      %get3A_649 = tpu.vector_load %arg10[%get3A_648] {strides = array<i32>} : memref<2000xf32, #tpu.memory_space<vmem>>, vector<16xf32>,
      %mul3A_650 = arith.mulf %get3A_649, %gather3A : vector<16xf32>
      %swap3A = arith.index_cast %add3A_646 : i32 to index
      %swap3A_651 = tpu.vector_load %arg25[%swap3A] {strides = array<i32>} : memref<2000xf32, #tpu.memory_space<vmem>>, vector<16xf32>,
      tpu.vector_store %arg25[%swap3A], %mul3A_650 {strides = array<i32>} : memref<2000xf32, #tpu.memory_space<vmem>>, vector<16xf32>,
      %get3A_652 = arith.index_cast %add3A_646 : i32 to index
      %get3A_653 = tpu.vector_load %arg12[%get3A_652] {strides = array<i32>} : memref<2000xi32, #tpu.memory_space<vmem>>, vector<16xi32>,
      %swap3A_654 = arith.index_cast %add3A_646 : i32 to index
      %swap3A_655 = tpu.vector_load %arg26[%swap3A_654] {strides = array<i32>} : memref<2000xi32, #tpu.memory_space<vmem>>, vector<16xi32>,
      tpu.vector_store %arg26[%swap3A_654], %get3A_653 {strides = array<i32>} : memref<2000xi32, #tpu.memory_space<vmem>>, vector<16xi32>,
    }
    %scan3A_64 = arith.constant 125 : i32
    %dma_start3A_65 = arith.constant 0 : i32
    %dma_start3A_66 = tpu.memref_slice %arg34[%dma_start3A_65] : memref<102400xf32, #tpu.memory_space<vmem_shared>> -> memref<102400xf32, #tpu.memory_space<vmem_shared>>
    tpu.enqueue_indirect_dma source(%arg25 : memref<2000xf32, #tpu.memory_space<vmem>>) target(%dma_start3A_66 : memref<102400xf32, #tpu.memory_space<vmem_shared>>) offsets(%arg26 : memref<2000xi32, #tpu.memory_space<vmem>>) semaphore(%arg40 : memref<!tpu.dma_semaphore, #tpu.memory_space<semaphore_mem>>) {add = true}
    %add3A_67 = arith.constant 10000 : i32
    %add3A_68 = arith.addi %mul3A_2, %add3A_67 : i32
    %dma_start3A_69 = tpu.memref_slice %arg2[%add3A_68] : memref<1600000xf32, #tpu.memory_space<hbm>> -> memref<2000xf32, #tpu.memory_space<hbm>>
    %dma_start3A_70 = tpu.memref_slice %arg2[%add3A_68] : memref<1600000xf32, #tpu.memory_space<hbm>> -> memref<2000xf32, #tpu.memory_space<hbm>>
    tpu.enqueue_dma source(%dma_start3A_70 : memref<2000xf32, #tpu.memory_space<hbm>>) target(%arg10 : memref<2000xf32, #tpu.memory_space<vmem>>) target_semaphore(%arg35 : memref<!tpu.dma_semaphore, #tpu.memory_space<semaphore_mem>>)
    %dma_start3A_71 = tpu.memref_slice %arg3[%add3A_68] : memref<1600000xi32, #tpu.memory_space<hbm>> -> memref<2000xi32, #tpu.memory_space<hbm>>
    %dma_start3A_72 = tpu.memref_slice %arg3[%add3A_68] : memref<1600000xi32, #tpu.memory_space<hbm>> -> memref<2000xi32, #tpu.memory_space<hbm>>
    tpu.enqueue_dma source(%dma_start3A_72 : memref<2000xi32, #tpu.memory_space<hbm>>) target(%arg11 : memref<2000xi32, #tpu.memory_space<vmem>>) target_semaphore(%arg35 : memref<!tpu.dma_semaphore, #tpu.memory_space<semaphore_mem>>)
    %dma_start3A_73 = tpu.memref_slice %arg4[%add3A_68] : memref<1600000xi32, #tpu.memory_space<hbm>> -> memref<2000xi32, #tpu.memory_space<hbm>>
    %dma_start3A_74 = tpu.memref_slice %arg4[%add3A_68] : memref<1600000xi32, #tpu.memory_space<hbm>> -> memref<2000xi32, #tpu.memory_space<hbm>>
    tpu.enqueue_dma source(%dma_start3A_74 : memref<2000xi32, #tpu.memory_space<hbm>>) target(%arg12 : memref<2000xi32, #tpu.memory_space<vmem>>) target_semaphore(%arg35 : memref<!tpu.dma_semaphore, #tpu.memory_space<semaphore_mem>>)
    %add3A_75 = arith.constant 2000 : i32
    %add3A_76 = arith.addi %mul3A_2, %add3A_75 : i32
    %dma_wait3A_77 = tpu.memref_slice %arg2[%add3A_76] : memref<1600000xf32, #tpu.memory_space<hbm>> -> memref<2000xf32, #tpu.memory_space<hbm>>
    %dma_wait3A_78 = tpu.memref_slice %arg2[%add3A_76] : memref<1600000xf32, #tpu.memory_space<hbm>> -> memref<2000xf32, #tpu.memory_space<hbm>>
    tpu.wait_dma2 semaphore(%arg36 : memref<!tpu.dma_semaphore, #tpu.memory_space<semaphore_mem>>) src(%dma_wait3A_78 : memref<2000xf32, #tpu.memory_space<hbm>>) dst(%arg13 : memref<2000xf32, #tpu.memory_space<vmem>>)
    %dma_wait3A_79 = tpu.memref_slice %arg3[%add3A_76] : memref<1600000xi32, #tpu.memory_space<hbm>> -> memref<2000xi32, #tpu.memory_space<hbm>>
    %dma_wait3A_80 = tpu.memref_slice %arg3[%add3A_76] : memref<1600000xi32, #tpu.memory_space<hbm>> -> memref<2000xi32, #tpu.memory_space<hbm>>
    tpu.wait_dma2 semaphore(%arg36 : memref<!tpu.dma_semaphore, #tpu.memory_space<semaphore_mem>>) src(%dma_wait3A_80 : memref<2000xi32, #tpu.memory_space<hbm>>) dst(%arg14 : memref<2000xi32, #tpu.memory_space<vmem>>)
    %dma_wait3A_81 = tpu.memref_slice %arg4[%add3A_76] : memref<1600000xi32, #tpu.memory_space<hbm>> -> memref<2000xi32, #tpu.memory_space<hbm>>
    %dma_wait3A_82 = tpu.memref_slice %arg4[%add3A_76] : memref<1600000xi32, #tpu.memory_space<hbm>> -> memref<2000xi32, #tpu.memory_space<hbm>>
    tpu.wait_dma2 semaphore(%arg36 : memref<!tpu.dma_semaphore, #tpu.memory_space<semaphore_mem>>) src(%dma_wait3A_82 : memref<2000xi32, #tpu.memory_space<hbm>>) dst(%arg15 : memref<2000xi32, #tpu.memory_space<vmem>>)
    %scan3A_83 = arith.constant 0 : i32
    %scan3A_84 = arith.constant 125 : i32
    %scan3A_85 = arith.addi %scan3A_83, %scan3A_84 : i32
    %scan3A_86 = arith.constant 1 : i32
    scf.for %scan3A_642 = %scan3A_83 to %scan3A_85 step %scan3A_86  : i32 {
      %mul3A_643 = arith.constant 16 : i32
      %mul3A_644 = arith.muli %scan3A_642, %mul3A_643 : i32
      %add3A_645 = arith.constant 0 : i32
      %add3A_646 = arith.addi %add3A_645, %mul3A_644 : i32
      %get3A = arith.index_cast %add3A_646 : i32 to index
      %get3A_647 = tpu.vector_load %arg14[%get3A] {strides = array<i32>} : memref<2000xi32, #tpu.memory_space<vmem>>, vector<16xi32>,
      %gather3A = tpu.vector_load_idx %arg8[%get3A_647] : memref<112xf32, #tpu.memory_space<vmem>>[vector<16xi32>], vector<16xf32>,
      %get3A_648 = arith.index_cast %add3A_646 : i32 to index
      %get3A_649 = tpu.vector_load %arg13[%get3A_648] {strides = array<i32>} : memref<2000xf32, #tpu.memory_space<vmem>>, vector<16xf32>,
      %mul3A_650 = arith.mulf %get3A_649, %gather3A : vector<16xf32>
      %swap3A = arith.index_cast %add3A_646 : i32 to index
      %swap3A_651 = tpu.vector_load %arg27[%swap3A] {strides = array<i32>} : memref<2000xf32, #tpu.memory_space<vmem>>, vector<16xf32>,
      tpu.vector_store %arg27[%swap3A], %mul3A_650 {strides = array<i32>} : memref<2000xf32, #tpu.memory_space<vmem>>, vector<16xf32>,
      %get3A_652 = arith.index_cast %add3A_646 : i32 to index
      %get3A_653 = tpu.vector_load %arg15[%get3A_652] {strides = array<i32>} : memref<2000xi32, #tpu.memory_space<vmem>>, vector<16xi32>,
      %swap3A_654 = arith.index_cast %add3A_646 : i32 to index
      %swap3A_655 = tpu.vector_load %arg28[%swap3A_654] {strides = array<i32>} : memref<2000xi32, #tpu.memory_space<vmem>>, vector<16xi32>,
      tpu.vector_store %arg28[%swap3A_654], %get3A_653 {strides = array<i32>} : memref<2000xi32, #tpu.memory_space<vmem>>, vector<16xi32>,
    }
    %scan3A_87 = arith.constant 125 : i32
    %dma_start3A_88 = arith.constant 0 : i32
    %dma_start3A_89 = tpu.memref_slice %arg34[%dma_start3A_88] : memref<102400xf32, #tpu.memory_space<vmem_shared>> -> memref<102400xf32, #tpu.memory_space<vmem_shared>>
    tpu.enqueue_indirect_dma source(%arg27 : memref<2000xf32, #tpu.memory_space<vmem>>) target(%dma_start3A_89 : memref<102400xf32, #tpu.memory_space<vmem_shared>>) offsets(%arg28 : memref<2000xi32, #tpu.memory_space<vmem>>) semaphore(%arg41 : memref<!tpu.dma_semaphore, #tpu.memory_space<semaphore_mem>>) {add = true}
    %add3A_90 = arith.constant 12000 : i32
    %add3A_91 = arith.addi %mul3A_2, %add3A_90 : i32
    %dma_start3A_92 = tpu.memref_slice %arg2[%add3A_91] : memref<1600000xf32, #tpu.memory_space<hbm>> -> memref<2000xf32, #tpu.memory_space<hbm>>
    %dma_start3A_93 = tpu.memref_slice %arg2[%add3A_91] : memref<1600000xf32, #tpu.memory_space<hbm>> -> memref<2000xf32, #tpu.memory_space<hbm>>
    tpu.enqueue_dma source(%dma_start3A_93 : memref<2000xf32, #tpu.memory_space<hbm>>) target(%arg13 : memref<2000xf32, #tpu.memory_space<vmem>>) target_semaphore(%arg36 : memref<!tpu.dma_semaphore, #tpu.memory_space<semaphore_mem>>)
    %dma_start3A_94 = tpu.memref_slice %arg3[%add3A_91] : memref<1600000xi32, #tpu.memory_space<hbm>> -> memref<2000xi32, #tpu.memory_space<hbm>>
    %dma_start3A_95 = tpu.memref_slice %arg3[%add3A_91] : memref<1600000xi32, #tpu.memory_space<hbm>> -> memref<2000xi32, #tpu.memory_space<hbm>>
    tpu.enqueue_dma source(%dma_start3A_95 : memref<2000xi32, #tpu.memory_space<hbm>>) target(%arg14 : memref<2000xi32, #tpu.memory_space<vmem>>) target_semaphore(%arg36 : memref<!tpu.dma_semaphore, #tpu.memory_space<semaphore_mem>>)
    %dma_start3A_96 = tpu.memref_slice %arg4[%add3A_91] : memref<1600000xi32, #tpu.memory_space<hbm>> -> memref<2000xi32, #tpu.memory_space<hbm>>
    %dma_start3A_97 = tpu.memref_slice %arg4[%add3A_91] : memref<1600000xi32, #tpu.memory_space<hbm>> -> memref<2000xi32, #tpu.memory_space<hbm>>
    tpu.enqueue_dma source(%dma_start3A_97 : memref<2000xi32, #tpu.memory_space<hbm>>) target(%arg15 : memref<2000xi32, #tpu.memory_space<vmem>>) target_semaphore(%arg36 : memref<!tpu.dma_semaphore, #tpu.memory_space<semaphore_mem>>)
    %add3A_98 = arith.constant 4000 : i32
    %add3A_99 = arith.addi %mul3A_2, %add3A_98 : i32
    %dma_wait3A_100 = tpu.memref_slice %arg2[%add3A_99] : memref<1600000xf32, #tpu.memory_space<hbm>> -> memref<2000xf32, #tpu.memory_space<hbm>>
    %dma_wait3A_101 = tpu.memref_slice %arg2[%add3A_99] : memref<1600000xf32, #tpu.memory_space<hbm>> -> memref<2000xf32, #tpu.memory_space<hbm>>
    tpu.wait_dma2 semaphore(%arg37 : memref<!tpu.dma_semaphore, #tpu.memory_space<semaphore_mem>>) src(%dma_wait3A_101 : memref<2000xf32, #tpu.memory_space<hbm>>) dst(%arg16 : memref<2000xf32, #tpu.memory_space<vmem>>)
    %dma_wait3A_102 = tpu.memref_slice %arg3[%add3A_99] : memref<1600000xi32, #tpu.memory_space<hbm>> -> memref<2000xi32, #tpu.memory_space<hbm>>
    %dma_wait3A_103 = tpu.memref_slice %arg3[%add3A_99] : memref<1600000xi32, #tpu.memory_space<hbm>> -> memref<2000xi32, #tpu.memory_space<hbm>>
    tpu.wait_dma2 semaphore(%arg37 : memref<!tpu.dma_semaphore, #tpu.memory_space<semaphore_mem>>) src(%dma_wait3A_103 : memref<2000xi32, #tpu.memory_space<hbm>>) dst(%arg17 : memref<2000xi32, #tpu.memory_space<vmem>>)
    %dma_wait3A_104 = tpu.memref_slice %arg4[%add3A_99] : memref<1600000xi32, #tpu.memory_space<hbm>> -> memref<2000xi32, #tpu.memory_space<hbm>>
    %dma_wait3A_105 = tpu.memref_slice %arg4[%add3A_99] : memref<1600000xi32, #tpu.memory_space<hbm>> -> memref<2000xi32, #tpu.memory_space<hbm>>
    tpu.wait_dma2 semaphore(%arg37 : memref<!tpu.dma_semaphore, #tpu.memory_space<semaphore_mem>>) src(%dma_wait3A_105 : memref<2000xi32, #tpu.memory_space<hbm>>) dst(%arg18 : memref<2000xi32, #tpu.memory_space<vmem>>)
    %scan3A_106 = arith.constant 0 : i32
    %scan3A_107 = arith.constant 125 : i32
    %scan3A_108 = arith.addi %scan3A_106, %scan3A_107 : i32
    %scan3A_109 = arith.constant 1 : i32
    scf.for %scan3A_642 = %scan3A_106 to %scan3A_108 step %scan3A_109  : i32 {
      %mul3A_643 = arith.constant 16 : i32
      %mul3A_644 = arith.muli %scan3A_642, %mul3A_643 : i32
      %add3A_645 = arith.constant 0 : i32
      %add3A_646 = arith.addi %add3A_645, %mul3A_644 : i32
      %get3A = arith.index_cast %add3A_646 : i32 to index
      %get3A_647 = tpu.vector_load %arg17[%get3A] {strides = array<i32>} : memref<2000xi32, #tpu.memory_space<vmem>>, vector<16xi32>,
      %gather3A = tpu.vector_load_idx %arg8[%get3A_647] : memref<112xf32, #tpu.memory_space<vmem>>[vector<16xi32>], vector<16xf32>,
      %get3A_648 = arith.index_cast %add3A_646 : i32 to index
      %get3A_649 = tpu.vector_load %arg16[%get3A_648] {strides = array<i32>} : memref<2000xf32, #tpu.memory_space<vmem>>, vector<16xf32>,
      %mul3A_650 = arith.mulf %get3A_649, %gather3A : vector<16xf32>
      %swap3A = arith.index_cast %add3A_646 : i32 to index
      %swap3A_651 = tpu.vector_load %arg29[%swap3A] {strides = array<i32>} : memref<2000xf32, #tpu.memory_space<vmem>>, vector<16xf32>,
      tpu.vector_store %arg29[%swap3A], %mul3A_650 {strides = array<i32>} : memref<2000xf32, #tpu.memory_space<vmem>>, vector<16xf32>,
      %get3A_652 = arith.index_cast %add3A_646 : i32 to index
      %get3A_653 = tpu.vector_load %arg18[%get3A_652] {strides = array<i32>} : memref<2000xi32, #tpu.memory_space<vmem>>, vector<16xi32>,
      %swap3A_654 = arith.index_cast %add3A_646 : i32 to index
      %swap3A_655 = tpu.vector_load %arg30[%swap3A_654] {strides = array<i32>} : memref<2000xi32, #tpu.memory_space<vmem>>, vector<16xi32>,
      tpu.vector_store %arg30[%swap3A_654], %get3A_653 {strides = array<i32>} : memref<2000xi32, #tpu.memory_space<vmem>>, vector<16xi32>,
    }
    %scan3A_110 = arith.constant 125 : i32
    %dma_start3A_111 = arith.constant 0 : i32
    %dma_start3A_112 = tpu.memref_slice %arg34[%dma_start3A_111] : memref<102400xf32, #tpu.memory_space<vmem_shared>> -> memref<102400xf32, #tpu.memory_space<vmem_shared>>
    tpu.enqueue_indirect_dma source(%arg29 : memref<2000xf32, #tpu.memory_space<vmem>>) target(%dma_start3A_112 : memref<102400xf32, #tpu.memory_space<vmem_shared>>) offsets(%arg30 : memref<2000xi32, #tpu.memory_space<vmem>>) semaphore(%arg42 : memref<!tpu.dma_semaphore, #tpu.memory_space<semaphore_mem>>) {add = true}
    %add3A_113 = arith.constant 14000 : i32
    %add3A_114 = arith.addi %mul3A_2, %add3A_113 : i32
    %dma_start3A_115 = tpu.memref_slice %arg2[%add3A_114] : memref<1600000xf32, #tpu.memory_space<hbm>> -> memref<2000xf32, #tpu.memory_space<hbm>>
    %dma_start3A_116 = tpu.memref_slice %arg2[%add3A_114] : memref<1600000xf32, #tpu.memory_space<hbm>> -> memref<2000xf32, #tpu.memory_space<hbm>>
    tpu.enqueue_dma source(%dma_start3A_116 : memref<2000xf32, #tpu.memory_space<hbm>>) target(%arg16 : memref<2000xf32, #tpu.memory_space<vmem>>) target_semaphore(%arg37 : memref<!tpu.dma_semaphore, #tpu.memory_space<semaphore_mem>>)
    %dma_start3A_117 = tpu.memref_slice %arg3[%add3A_114] : memref<1600000xi32, #tpu.memory_space<hbm>> -> memref<2000xi32, #tpu.memory_space<hbm>>
    %dma_start3A_118 = tpu.memref_slice %arg3[%add3A_114] : memref<1600000xi32, #tpu.memory_space<hbm>> -> memref<2000xi32, #tpu.memory_space<hbm>>
    tpu.enqueue_dma source(%dma_start3A_118 : memref<2000xi32, #tpu.memory_space<hbm>>) target(%arg17 : memref<2000xi32, #tpu.memory_space<vmem>>) target_semaphore(%arg37 : memref<!tpu.dma_semaphore, #tpu.memory_space<semaphore_mem>>)
    %dma_start3A_119 = tpu.memref_slice %arg4[%add3A_114] : memref<1600000xi32, #tpu.memory_space<hbm>> -> memref<2000xi32, #tpu.memory_space<hbm>>
    %dma_start3A_120 = tpu.memref_slice %arg4[%add3A_114] : memref<1600000xi32, #tpu.memory_space<hbm>> -> memref<2000xi32, #tpu.memory_space<hbm>>
    tpu.enqueue_dma source(%dma_start3A_120 : memref<2000xi32, #tpu.memory_space<hbm>>) target(%arg18 : memref<2000xi32, #tpu.memory_space<vmem>>) target_semaphore(%arg37 : memref<!tpu.dma_semaphore, #tpu.memory_space<semaphore_mem>>)
    %add3A_121 = arith.constant 6000 : i32
    %add3A_122 = arith.addi %mul3A_2, %add3A_121 : i32
    %dma_wait3A_123 = tpu.memref_slice %arg2[%add3A_122] : memref<1600000xf32, #tpu.memory_space<hbm>> -> memref<2000xf32, #tpu.memory_space<hbm>>
    %dma_wait3A_124 = tpu.memref_slice %arg2[%add3A_122] : memref<1600000xf32, #tpu.memory_space<hbm>> -> memref<2000xf32, #tpu.memory_space<hbm>>
    tpu.wait_dma2 semaphore(%arg38 : memref<!tpu.dma_semaphore, #tpu.memory_space<semaphore_mem>>) src(%dma_wait3A_124 : memref<2000xf32, #tpu.memory_space<hbm>>) dst(%arg19 : memref<2000xf32, #tpu.memory_space<vmem>>)
    %dma_wait3A_125 = tpu.memref_slice %arg3[%add3A_122] : memref<1600000xi32, #tpu.memory_space<hbm>> -> memref<2000xi32, #tpu.memory_space<hbm>>
    %dma_wait3A_126 = tpu.memref_slice %arg3[%add3A_122] : memref<1600000xi32, #tpu.memory_space<hbm>> -> memref<2000xi32, #tpu.memory_space<hbm>>
    tpu.wait_dma2 semaphore(%arg38 : memref<!tpu.dma_semaphore, #tpu.memory_space<semaphore_mem>>) src(%dma_wait3A_126 : memref<2000xi32, #tpu.memory_space<hbm>>) dst(%arg20 : memref<2000xi32, #tpu.memory_space<vmem>>)
    %dma_wait3A_127 = tpu.memref_slice %arg4[%add3A_122] : memref<1600000xi32, #tpu.memory_space<hbm>> -> memref<2000xi32, #tpu.memory_space<hbm>>
    %dma_wait3A_128 = tpu.memref_slice %arg4[%add3A_122] : memref<1600000xi32, #tpu.memory_space<hbm>> -> memref<2000xi32, #tpu.memory_space<hbm>>
    tpu.wait_dma2 semaphore(%arg38 : memref<!tpu.dma_semaphore, #tpu.memory_space<semaphore_mem>>) src(%dma_wait3A_128 : memref<2000xi32, #tpu.memory_space<hbm>>) dst(%arg21 : memref<2000xi32, #tpu.memory_space<vmem>>)
    %scan3A_129 = arith.constant 0 : i32
    %scan3A_130 = arith.constant 125 : i32
    %scan3A_131 = arith.addi %scan3A_129, %scan3A_130 : i32
    %scan3A_132 = arith.constant 1 : i32
    scf.for %scan3A_642 = %scan3A_129 to %scan3A_131 step %scan3A_132  : i32 {
      %mul3A_643 = arith.constant 16 : i32
      %mul3A_644 = arith.muli %scan3A_642, %mul3A_643 : i32
      %add3A_645 = arith.constant 0 : i32
      %add3A_646 = arith.addi %add3A_645, %mul3A_644 : i32
      %get3A = arith.index_cast %add3A_646 : i32 to index
      %get3A_647 = tpu.vector_load %arg20[%get3A] {strides = array<i32>} : memref<2000xi32, #tpu.memory_space<vmem>>, vector<16xi32>,
      %gather3A = tpu.vector_load_idx %arg8[%get3A_647] : memref<112xf32, #tpu.memory_space<vmem>>[vector<16xi32>], vector<16xf32>,
      %get3A_648 = arith.index_cast %add3A_646 : i32 to index
      %get3A_649 = tpu.vector_load %arg19[%get3A_648] {strides = array<i32>} : memref<2000xf32, #tpu.memory_space<vmem>>, vector<16xf32>,
      %mul3A_650 = arith.mulf %get3A_649, %gather3A : vector<16xf32>
      %swap3A = arith.index_cast %add3A_646 : i32 to index
      %swap3A_651 = tpu.vector_load %arg31[%swap3A] {strides = array<i32>} : memref<2000xf32, #tpu.memory_space<vmem>>, vector<16xf32>,
      tpu.vector_store %arg31[%swap3A], %mul3A_650 {strides = array<i32>} : memref<2000xf32, #tpu.memory_space<vmem>>, vector<16xf32>,
      %get3A_652 = arith.index_cast %add3A_646 : i32 to index
      %get3A_653 = tpu.vector_load %arg21[%get3A_652] {strides = array<i32>} : memref<2000xi32, #tpu.memory_space<vmem>>, vector<16xi32>,
      %swap3A_654 = arith.index_cast %add3A_646 : i32 to index
      %swap3A_655 = tpu.vector_load %arg32[%swap3A_654] {strides = array<i32>} : memref<2000xi32, #tpu.memory_space<vmem>>, vector<16xi32>,
      tpu.vector_store %arg32[%swap3A_654], %get3A_653 {strides = array<i32>} : memref<2000xi32, #tpu.memory_space<vmem>>, vector<16xi32>,
    }
    %scan3A_133 = arith.constant 125 : i32
    %dma_start3A_134 = arith.constant 0 : i32
    %dma_start3A_135 = tpu.memref_slice %arg34[%dma_start3A_134] : memref<102400xf32, #tpu.memory_space<vmem_shared>> -> memref<102400xf32, #tpu.memory_space<vmem_shared>>
    tpu.enqueue_indirect_dma source(%arg31 : memref<2000xf32, #tpu.memory_space<vmem>>) target(%dma_start3A_135 : memref<102400xf32, #tpu.memory_space<vmem_shared>>) offsets(%arg32 : memref<2000xi32, #tpu.memory_space<vmem>>) semaphore(%arg43 : memref<!tpu.dma_semaphore, #tpu.memory_space<semaphore_mem>>) {add = true}
    %add3A_136 = arith.constant 16000 : i32
    %add3A_137 = arith.addi %mul3A_2, %add3A_136 : i32
    %dma_start3A_138 = tpu.memref_slice %arg2[%add3A_137] : memref<1600000xf32, #tpu.memory_space<hbm>> -> memref<2000xf32, #tpu.memory_space<hbm>>
    %dma_start3A_139 = tpu.memref_slice %arg2[%add3A_137] : memref<1600000xf32, #tpu.memory_space<hbm>> -> memref<2000xf32, #tpu.memory_space<hbm>>
    tpu.enqueue_dma source(%dma_start3A_139 : memref<2000xf32, #tpu.memory_space<hbm>>) target(%arg19 : memref<2000xf32, #tpu.memory_space<vmem>>) target_semaphore(%arg38 : memref<!tpu.dma_semaphore, #tpu.memory_space<semaphore_mem>>)
    %dma_start3A_140 = tpu.memref_slice %arg3[%add3A_137] : memref<1600000xi32, #tpu.memory_space<hbm>> -> memref<2000xi32, #tpu.memory_space<hbm>>
    %dma_start3A_141 = tpu.memref_slice %arg3[%add3A_137] : memref<1600000xi32, #tpu.memory_space<hbm>> -> memref<2000xi32, #tpu.memory_space<hbm>>
    tpu.enqueue_dma source(%dma_start3A_141 : memref<2000xi32, #tpu.memory_space<hbm>>) target(%arg20 : memref<2000xi32, #tpu.memory_space<vmem>>) target_semaphore(%arg38 : memref<!tpu.dma_semaphore, #tpu.memory_space<semaphore_mem>>)
    %dma_start3A_142 = tpu.memref_slice %arg4[%add3A_137] : memref<1600000xi32, #tpu.memory_space<hbm>> -> memref<2000xi32, #tpu.memory_space<hbm>>
    %dma_start3A_143 = tpu.memref_slice %arg4[%add3A_137] : memref<1600000xi32, #tpu.memory_space<hbm>> -> memref<2000xi32, #tpu.memory_space<hbm>>
    tpu.enqueue_dma source(%dma_start3A_143 : memref<2000xi32, #tpu.memory_space<hbm>>) target(%arg21 : memref<2000xi32, #tpu.memory_space<vmem>>) target_semaphore(%arg38 : memref<!tpu.dma_semaphore, #tpu.memory_space<semaphore_mem>>)
    %add3A_144 = arith.constant 8000 : i32
    %add3A_145 = arith.addi %mul3A_2, %add3A_144 : i32
    %dma_wait3A_146 = tpu.memref_slice %arg2[%add3A_145] : memref<1600000xf32, #tpu.memory_space<hbm>> -> memref<2000xf32, #tpu.memory_space<hbm>>
    %dma_wait3A_147 = tpu.memref_slice %arg2[%add3A_145] : memref<1600000xf32, #tpu.memory_space<hbm>> -> memref<2000xf32, #tpu.memory_space<hbm>>
    tpu.wait_dma2 semaphore(%arg39 : memref<!tpu.dma_semaphore, #tpu.memory_space<semaphore_mem>>) src(%dma_wait3A_147 : memref<2000xf32, #tpu.memory_space<hbm>>) dst(%arg22 : memref<2000xf32, #tpu.memory_space<vmem>>)
    %dma_wait3A_148 = tpu.memref_slice %arg3[%add3A_145] : memref<1600000xi32, #tpu.memory_space<hbm>> -> memref<2000xi32, #tpu.memory_space<hbm>>
    %dma_wait3A_149 = tpu.memref_slice %arg3[%add3A_145] : memref<1600000xi32, #tpu.memory_space<hbm>> -> memref<2000xi32, #tpu.memory_space<hbm>>
    tpu.wait_dma2 semaphore(%arg39 : memref<!tpu.dma_semaphore, #tpu.memory_space<semaphore_mem>>) src(%dma_wait3A_149 : memref<2000xi32, #tpu.memory_space<hbm>>) dst(%arg23 : memref<2000xi32, #tpu.memory_space<vmem>>)
    %dma_wait3A_150 = tpu.memref_slice %arg4[%add3A_145] : memref<1600000xi32, #tpu.memory_space<hbm>> -> memref<2000xi32, #tpu.memory_space<hbm>>
    %dma_wait3A_151 = tpu.memref_slice %arg4[%add3A_145] : memref<1600000xi32, #tpu.memory_space<hbm>> -> memref<2000xi32, #tpu.memory_space<hbm>>
    tpu.wait_dma2 semaphore(%arg39 : memref<!tpu.dma_semaphore, #tpu.memory_space<semaphore_mem>>) src(%dma_wait3A_151 : memref<2000xi32, #tpu.memory_space<hbm>>) dst(%arg24 : memref<2000xi32, #tpu.memory_space<vmem>>)
    %dma_wait3A_152 = arith.constant 0 : i32
    %dma_wait3A_153 = tpu.memref_slice %arg34[%dma_wait3A_152] : memref<102400xf32, #tpu.memory_space<vmem_shared>> -> memref<102400xf32, #tpu.memory_space<vmem_shared>>
    tpu.wait_indirect_dma semaphore(%arg40 : memref<!tpu.dma_semaphore, #tpu.memory_space<semaphore_mem>>) src(%arg25 : memref<2000xf32, #tpu.memory_space<vmem>>) dst(%dma_wait3A_153 : memref<102400xf32, #tpu.memory_space<vmem_shared>>)
    %scan3A_154 = arith.constant 0 : i32
    %scan3A_155 = arith.constant 125 : i32
    %scan3A_156 = arith.addi %scan3A_154, %scan3A_155 : i32
    %scan3A_157 = arith.constant 1 : i32
    scf.for %scan3A_642 = %scan3A_154 to %scan3A_156 step %scan3A_157  : i32 {
      %mul3A_643 = arith.constant 16 : i32
      %mul3A_644 = arith.muli %scan3A_642, %mul3A_643 : i32
      %add3A_645 = arith.constant 0 : i32
      %add3A_646 = arith.addi %add3A_645, %mul3A_644 : i32
      %get3A = arith.index_cast %add3A_646 : i32 to index
      %get3A_647 = tpu.vector_load %arg23[%get3A] {strides = array<i32>} : memref<2000xi32, #tpu.memory_space<vmem>>, vector<16xi32>,
      %gather3A = tpu.vector_load_idx %arg8[%get3A_647] : memref<112xf32, #tpu.memory_space<vmem>>[vector<16xi32>], vector<16xf32>,
      %get3A_648 = arith.index_cast %add3A_646 : i32 to index
      %get3A_649 = tpu.vector_load %arg22[%get3A_648] {strides = array<i32>} : memref<2000xf32, #tpu.memory_space<vmem>>, vector<16xf32>,
      %mul3A_650 = arith.mulf %get3A_649, %gather3A : vector<16xf32>
      %swap3A = arith.index_cast %add3A_646 : i32 to index
      %swap3A_651 = tpu.vector_load %arg25[%swap3A] {strides = array<i32>} : memref<2000xf32, #tpu.memory_space<vmem>>, vector<16xf32>,
      tpu.vector_store %arg25[%swap3A], %mul3A_650 {strides = array<i32>} : memref<2000xf32, #tpu.memory_space<vmem>>, vector<16xf32>,
      %get3A_652 = arith.index_cast %add3A_646 : i32 to index
      %get3A_653 = tpu.vector_load %arg24[%get3A_652] {strides = array<i32>} : memref<2000xi32, #tpu.memory_space<vmem>>, vector<16xi32>,
      %swap3A_654 = arith.index_cast %add3A_646 : i32 to index
      %swap3A_655 = tpu.vector_load %arg26[%swap3A_654] {strides = array<i32>} : memref<2000xi32, #tpu.memory_space<vmem>>, vector<16xi32>,
      tpu.vector_store %arg26[%swap3A_654], %get3A_653 {strides = array<i32>} : memref<2000xi32, #tpu.memory_space<vmem>>, vector<16xi32>,
    }
    %scan3A_158 = arith.constant 125 : i32
    %dma_start3A_159 = arith.constant 0 : i32
    %dma_start3A_160 = tpu.memref_slice %arg34[%dma_start3A_159] : memref<102400xf32, #tpu.memory_space<vmem_shared>> -> memref<102400xf32, #tpu.memory_space<vmem_shared>>
    tpu.enqueue_indirect_dma source(%arg25 : memref<2000xf32, #tpu.memory_space<vmem>>) target(%dma_start3A_160 : memref<102400xf32, #tpu.memory_space<vmem_shared>>) offsets(%arg26 : memref<2000xi32, #tpu.memory_space<vmem>>) semaphore(%arg40 : memref<!tpu.dma_semaphore, #tpu.memory_space<semaphore_mem>>) {add = true}
    %add3A_161 = arith.constant 18000 : i32
    %add3A_162 = arith.addi %mul3A_2, %add3A_161 : i32
    %dma_start3A_163 = tpu.memref_slice %arg2[%add3A_162] : memref<1600000xf32, #tpu.memory_space<hbm>> -> memref<2000xf32, #tpu.memory_space<hbm>>
    %dma_start3A_164 = tpu.memref_slice %arg2[%add3A_162] : memref<1600000xf32, #tpu.memory_space<hbm>> -> memref<2000xf32, #tpu.memory_space<hbm>>
    tpu.enqueue_dma source(%dma_start3A_164 : memref<2000xf32, #tpu.memory_space<hbm>>) target(%arg22 : memref<2000xf32, #tpu.memory_space<vmem>>) target_semaphore(%arg39 : memref<!tpu.dma_semaphore, #tpu.memory_space<semaphore_mem>>)
    %dma_start3A_165 = tpu.memref_slice %arg3[%add3A_162] : memref<1600000xi32, #tpu.memory_space<hbm>> -> memref<2000xi32, #tpu.memory_space<hbm>>
    %dma_start3A_166 = tpu.memref_slice %arg3[%add3A_162] : memref<1600000xi32, #tpu.memory_space<hbm>> -> memref<2000xi32, #tpu.memory_space<hbm>>
    tpu.enqueue_dma source(%dma_start3A_166 : memref<2000xi32, #tpu.memory_space<hbm>>) target(%arg23 : memref<2000xi32, #tpu.memory_space<vmem>>) target_semaphore(%arg39 : memref<!tpu.dma_semaphore, #tpu.memory_space<semaphore_mem>>)
    %dma_start3A_167 = tpu.memref_slice %arg4[%add3A_162] : memref<1600000xi32, #tpu.memory_space<hbm>> -> memref<2000xi32, #tpu.memory_space<hbm>>
    %dma_start3A_168 = tpu.memref_slice %arg4[%add3A_162] : memref<1600000xi32, #tpu.memory_space<hbm>> -> memref<2000xi32, #tpu.memory_space<hbm>>
    tpu.enqueue_dma source(%dma_start3A_168 : memref<2000xi32, #tpu.memory_space<hbm>>) target(%arg24 : memref<2000xi32, #tpu.memory_space<vmem>>) target_semaphore(%arg39 : memref<!tpu.dma_semaphore, #tpu.memory_space<semaphore_mem>>)
    %add3A_169 = arith.constant 10000 : i32
    %add3A_170 = arith.addi %mul3A_2, %add3A_169 : i32
    %dma_wait3A_171 = tpu.memref_slice %arg2[%add3A_170] : memref<1600000xf32, #tpu.memory_space<hbm>> -> memref<2000xf32, #tpu.memory_space<hbm>>
    %dma_wait3A_172 = tpu.memref_slice %arg2[%add3A_170] : memref<1600000xf32, #tpu.memory_space<hbm>> -> memref<2000xf32, #tpu.memory_space<hbm>>
    tpu.wait_dma2 semaphore(%arg35 : memref<!tpu.dma_semaphore, #tpu.memory_space<semaphore_mem>>) src(%dma_wait3A_172 : memref<2000xf32, #tpu.memory_space<hbm>>) dst(%arg10 : memref<2000xf32, #tpu.memory_space<vmem>>)
    %dma_wait3A_173 = tpu.memref_slice %arg3[%add3A_170] : memref<1600000xi32, #tpu.memory_space<hbm>> -> memref<2000xi32, #tpu.memory_space<hbm>>
    %dma_wait3A_174 = tpu.memref_slice %arg3[%add3A_170] : memref<1600000xi32, #tpu.memory_space<hbm>> -> memref<2000xi32, #tpu.memory_space<hbm>>
    tpu.wait_dma2 semaphore(%arg35 : memref<!tpu.dma_semaphore, #tpu.memory_space<semaphore_mem>>) src(%dma_wait3A_174 : memref<2000xi32, #tpu.memory_space<hbm>>) dst(%arg11 : memref<2000xi32, #tpu.memory_space<vmem>>)
    %dma_wait3A_175 = tpu.memref_slice %arg4[%add3A_170] : memref<1600000xi32, #tpu.memory_space<hbm>> -> memref<2000xi32, #tpu.memory_space<hbm>>
    %dma_wait3A_176 = tpu.memref_slice %arg4[%add3A_170] : memref<1600000xi32, #tpu.memory_space<hbm>> -> memref<2000xi32, #tpu.memory_space<hbm>>
    tpu.wait_dma2 semaphore(%arg35 : memref<!tpu.dma_semaphore, #tpu.memory_space<semaphore_mem>>) src(%dma_wait3A_176 : memref<2000xi32, #tpu.memory_space<hbm>>) dst(%arg12 : memref<2000xi32, #tpu.memory_space<vmem>>)
    %dma_wait3A_177 = arith.constant 0 : i32
    %dma_wait3A_178 = tpu.memref_slice %arg34[%dma_wait3A_177] : memref<102400xf32, #tpu.memory_space<vmem_shared>> -> memref<102400xf32, #tpu.memory_space<vmem_shared>>
    tpu.wait_indirect_dma semaphore(%arg41 : memref<!tpu.dma_semaphore, #tpu.memory_space<semaphore_mem>>) src(%arg27 : memref<2000xf32, #tpu.memory_space<vmem>>) dst(%dma_wait3A_178 : memref<102400xf32, #tpu.memory_space<vmem_shared>>)
    %scan3A_179 = arith.constant 0 : i32
    %scan3A_180 = arith.constant 125 : i32
    %scan3A_181 = arith.addi %scan3A_179, %scan3A_180 : i32
    %scan3A_182 = arith.constant 1 : i32
    scf.for %scan3A_642 = %scan3A_179 to %scan3A_181 step %scan3A_182  : i32 {
      %mul3A_643 = arith.constant 16 : i32
      %mul3A_644 = arith.muli %scan3A_642, %mul3A_643 : i32
      %add3A_645 = arith.constant 0 : i32
      %add3A_646 = arith.addi %add3A_645, %mul3A_644 : i32
      %get3A = arith.index_cast %add3A_646 : i32 to index
      %get3A_647 = tpu.vector_load %arg11[%get3A] {strides = array<i32>} : memref<2000xi32, #tpu.memory_space<vmem>>, vector<16xi32>,
      %gather3A = tpu.vector_load_idx %arg8[%get3A_647] : memref<112xf32, #tpu.memory_space<vmem>>[vector<16xi32>], vector<16xf32>,
      %get3A_648 = arith.index_cast %add3A_646 : i32 to index
      %get3A_649 = tpu.vector_load %arg10[%get3A_648] {strides = array<i32>} : memref<2000xf32, #tpu.memory_space<vmem>>, vector<16xf32>,
      %mul3A_650 = arith.mulf %get3A_649, %gather3A : vector<16xf32>
      %swap3A = arith.index_cast %add3A_646 : i32 to index
      %swap3A_651 = tpu.vector_load %arg27[%swap3A] {strides = array<i32>} : memref<2000xf32, #tpu.memory_space<vmem>>, vector<16xf32>,
      tpu.vector_store %arg27[%swap3A], %mul3A_650 {strides = array<i32>} : memref<2000xf32, #tpu.memory_space<vmem>>, vector<16xf32>,
      %get3A_652 = arith.index_cast %add3A_646 : i32 to index
      %get3A_653 = tpu.vector_load %arg12[%get3A_652] {strides = array<i32>} : memref<2000xi32, #tpu.memory_space<vmem>>, vector<16xi32>,
      %swap3A_654 = arith.index_cast %add3A_646 : i32 to index
      %swap3A_655 = tpu.vector_load %arg28[%swap3A_654] {strides = array<i32>} : memref<2000xi32, #tpu.memory_space<vmem>>, vector<16xi32>,
      tpu.vector_store %arg28[%swap3A_654], %get3A_653 {strides = array<i32>} : memref<2000xi32, #tpu.memory_space<vmem>>, vector<16xi32>,
    }
    %scan3A_183 = arith.constant 125 : i32
    %dma_start3A_184 = arith.constant 0 : i32
    %dma_start3A_185 = tpu.memref_slice %arg34[%dma_start3A_184] : memref<102400xf32, #tpu.memory_space<vmem_shared>> -> memref<102400xf32, #tpu.memory_space<vmem_shared>>
    tpu.enqueue_indirect_dma source(%arg27 : memref<2000xf32, #tpu.memory_space<vmem>>) target(%dma_start3A_185 : memref<102400xf32, #tpu.memory_space<vmem_shared>>) offsets(%arg28 : memref<2000xi32, #tpu.memory_space<vmem>>) semaphore(%arg41 : memref<!tpu.dma_semaphore, #tpu.memory_space<semaphore_mem>>) {add = true}
    %add3A_186 = arith.constant 20000 : i32
    %add3A_187 = arith.addi %mul3A_2, %add3A_186 : i32
    %dma_start3A_188 = tpu.memref_slice %arg2[%add3A_187] : memref<1600000xf32, #tpu.memory_space<hbm>> -> memref<2000xf32, #tpu.memory_space<hbm>>
    %dma_start3A_189 = tpu.memref_slice %arg2[%add3A_187] : memref<1600000xf32, #tpu.memory_space<hbm>> -> memref<2000xf32, #tpu.memory_space<hbm>>
    tpu.enqueue_dma source(%dma_start3A_189 : memref<2000xf32, #tpu.memory_space<hbm>>) target(%arg10 : memref<2000xf32, #tpu.memory_space<vmem>>) target_semaphore(%arg35 : memref<!tpu.dma_semaphore, #tpu.memory_space<semaphore_mem>>)
    %dma_start3A_190 = tpu.memref_slice %arg3[%add3A_187] : memref<1600000xi32, #tpu.memory_space<hbm>> -> memref<2000xi32, #tpu.memory_space<hbm>>
    %dma_start3A_191 = tpu.memref_slice %arg3[%add3A_187] : memref<1600000xi32, #tpu.memory_space<hbm>> -> memref<2000xi32, #tpu.memory_space<hbm>>
    tpu.enqueue_dma source(%dma_start3A_191 : memref<2000xi32, #tpu.memory_space<hbm>>) target(%arg11 : memref<2000xi32, #tpu.memory_space<vmem>>) target_semaphore(%arg35 : memref<!tpu.dma_semaphore, #tpu.memory_space<semaphore_mem>>)
    %dma_start3A_192 = tpu.memref_slice %arg4[%add3A_187] : memref<1600000xi32, #tpu.memory_space<hbm>> -> memref<2000xi32, #tpu.memory_space<hbm>>
    %dma_start3A_193 = tpu.memref_slice %arg4[%add3A_187] : memref<1600000xi32, #tpu.memory_space<hbm>> -> memref<2000xi32, #tpu.memory_space<hbm>>
    tpu.enqueue_dma source(%dma_start3A_193 : memref<2000xi32, #tpu.memory_space<hbm>>) target(%arg12 : memref<2000xi32, #tpu.memory_space<vmem>>) target_semaphore(%arg35 : memref<!tpu.dma_semaphore, #tpu.memory_space<semaphore_mem>>)
    %add3A_194 = arith.constant 12000 : i32
    %add3A_195 = arith.addi %mul3A_2, %add3A_194 : i32
    %dma_wait3A_196 = tpu.memref_slice %arg2[%add3A_195] : memref<1600000xf32, #tpu.memory_space<hbm>> -> memref<2000xf32, #tpu.memory_space<hbm>>
    %dma_wait3A_197 = tpu.memref_slice %arg2[%add3A_195] : memref<1600000xf32, #tpu.memory_space<hbm>> -> memref<2000xf32, #tpu.memory_space<hbm>>
    tpu.wait_dma2 semaphore(%arg36 : memref<!tpu.dma_semaphore, #tpu.memory_space<semaphore_mem>>) src(%dma_wait3A_197 : memref<2000xf32, #tpu.memory_space<hbm>>) dst(%arg13 : memref<2000xf32, #tpu.memory_space<vmem>>)
    %dma_wait3A_198 = tpu.memref_slice %arg3[%add3A_195] : memref<1600000xi32, #tpu.memory_space<hbm>> -> memref<2000xi32, #tpu.memory_space<hbm>>
    %dma_wait3A_199 = tpu.memref_slice %arg3[%add3A_195] : memref<1600000xi32, #tpu.memory_space<hbm>> -> memref<2000xi32, #tpu.memory_space<hbm>>
    tpu.wait_dma2 semaphore(%arg36 : memref<!tpu.dma_semaphore, #tpu.memory_space<semaphore_mem>>) src(%dma_wait3A_199 : memref<2000xi32, #tpu.memory_space<hbm>>) dst(%arg14 : memref<2000xi32, #tpu.memory_space<vmem>>)
    %dma_wait3A_200 = tpu.memref_slice %arg4[%add3A_195] : memref<1600000xi32, #tpu.memory_space<hbm>> -> memref<2000xi32, #tpu.memory_space<hbm>>
    %dma_wait3A_201 = tpu.memref_slice %arg4[%add3A_195] : memref<1600000xi32, #tpu.memory_space<hbm>> -> memref<2000xi32, #tpu.memory_space<hbm>>
    tpu.wait_dma2 semaphore(%arg36 : memref<!tpu.dma_semaphore, #tpu.memory_space<semaphore_mem>>) src(%dma_wait3A_201 : memref<2000xi32, #tpu.memory_space<hbm>>) dst(%arg15 : memref<2000xi32, #tpu.memory_space<vmem>>)
    %dma_wait3A_202 = arith.constant 0 : i32
    %dma_wait3A_203 = tpu.memref_slice %arg34[%dma_wait3A_202] : memref<102400xf32, #tpu.memory_space<vmem_shared>> -> memref<102400xf32, #tpu.memory_space<vmem_shared>>
    tpu.wait_indirect_dma semaphore(%arg42 : memref<!tpu.dma_semaphore, #tpu.memory_space<semaphore_mem>>) src(%arg29 : memref<2000xf32, #tpu.memory_space<vmem>>) dst(%dma_wait3A_203 : memref<102400xf32, #tpu.memory_space<vmem_shared>>)
    %scan3A_204 = arith.constant 0 : i32
    %scan3A_205 = arith.constant 125 : i32
    %scan3A_206 = arith.addi %scan3A_204, %scan3A_205 : i32
    %scan3A_207 = arith.constant 1 : i32
    scf.for %scan3A_642 = %scan3A_204 to %scan3A_206 step %scan3A_207  : i32 {
      %mul3A_643 = arith.constant 16 : i32
      %mul3A_644 = arith.muli %scan3A_642, %mul3A_643 : i32
      %add3A_645 = arith.constant 0 : i32
      %add3A_646 = arith.addi %add3A_645, %mul3A_644 : i32
      %get3A = arith.index_cast %add3A_646 : i32 to index
      %get3A_647 = tpu.vector_load %arg14[%get3A] {strides = array<i32>} : memref<2000xi32, #tpu.memory_space<vmem>>, vector<16xi32>,
      %gather3A = tpu.vector_load_idx %arg8[%get3A_647] : memref<112xf32, #tpu.memory_space<vmem>>[vector<16xi32>], vector<16xf32>,
      %get3A_648 = arith.index_cast %add3A_646 : i32 to index
      %get3A_649 = tpu.vector_load %arg13[%get3A_648] {strides = array<i32>} : memref<2000xf32, #tpu.memory_space<vmem>>, vector<16xf32>,
      %mul3A_650 = arith.mulf %get3A_649, %gather3A : vector<16xf32>
      %swap3A = arith.index_cast %add3A_646 : i32 to index
      %swap3A_651 = tpu.vector_load %arg29[%swap3A] {strides = array<i32>} : memref<2000xf32, #tpu.memory_space<vmem>>, vector<16xf32>,
      tpu.vector_store %arg29[%swap3A], %mul3A_650 {strides = array<i32>} : memref<2000xf32, #tpu.memory_space<vmem>>, vector<16xf32>,
      %get3A_652 = arith.index_cast %add3A_646 : i32 to index
      %get3A_653 = tpu.vector_load %arg15[%get3A_652] {strides = array<i32>} : memref<2000xi32, #tpu.memory_space<vmem>>, vector<16xi32>,
      %swap3A_654 = arith.index_cast %add3A_646 : i32 to index
      %swap3A_655 = tpu.vector_load %arg30[%swap3A_654] {strides = array<i32>} : memref<2000xi32, #tpu.memory_space<vmem>>, vector<16xi32>,
      tpu.vector_store %arg30[%swap3A_654], %get3A_653 {strides = array<i32>} : memref<2000xi32, #tpu.memory_space<vmem>>, vector<16xi32>,
    }
    %scan3A_208 = arith.constant 125 : i32
    %dma_start3A_209 = arith.constant 0 : i32
    %dma_start3A_210 = tpu.memref_slice %arg34[%dma_start3A_209] : memref<102400xf32, #tpu.memory_space<vmem_shared>> -> memref<102400xf32, #tpu.memory_space<vmem_shared>>
    tpu.enqueue_indirect_dma source(%arg29 : memref<2000xf32, #tpu.memory_space<vmem>>) target(%dma_start3A_210 : memref<102400xf32, #tpu.memory_space<vmem_shared>>) offsets(%arg30 : memref<2000xi32, #tpu.memory_space<vmem>>) semaphore(%arg42 : memref<!tpu.dma_semaphore, #tpu.memory_space<semaphore_mem>>) {add = true}
    %add3A_211 = arith.constant 22000 : i32
    %add3A_212 = arith.addi %mul3A_2, %add3A_211 : i32
    %dma_start3A_213 = tpu.memref_slice %arg2[%add3A_212] : memref<1600000xf32, #tpu.memory_space<hbm>> -> memref<2000xf32, #tpu.memory_space<hbm>>
    %dma_start3A_214 = tpu.memref_slice %arg2[%add3A_212] : memref<1600000xf32, #tpu.memory_space<hbm>> -> memref<2000xf32, #tpu.memory_space<hbm>>
    tpu.enqueue_dma source(%dma_start3A_214 : memref<2000xf32, #tpu.memory_space<hbm>>) target(%arg13 : memref<2000xf32, #tpu.memory_space<vmem>>) target_semaphore(%arg36 : memref<!tpu.dma_semaphore, #tpu.memory_space<semaphore_mem>>)
    %dma_start3A_215 = tpu.memref_slice %arg3[%add3A_212] : memref<1600000xi32, #tpu.memory_space<hbm>> -> memref<2000xi32, #tpu.memory_space<hbm>>
    %dma_start3A_216 = tpu.memref_slice %arg3[%add3A_212] : memref<1600000xi32, #tpu.memory_space<hbm>> -> memref<2000xi32, #tpu.memory_space<hbm>>
    tpu.enqueue_dma source(%dma_start3A_216 : memref<2000xi32, #tpu.memory_space<hbm>>) target(%arg14 : memref<2000xi32, #tpu.memory_space<vmem>>) target_semaphore(%arg36 : memref<!tpu.dma_semaphore, #tpu.memory_space<semaphore_mem>>)
    %dma_start3A_217 = tpu.memref_slice %arg4[%add3A_212] : memref<1600000xi32, #tpu.memory_space<hbm>> -> memref<2000xi32, #tpu.memory_space<hbm>>
    %dma_start3A_218 = tpu.memref_slice %arg4[%add3A_212] : memref<1600000xi32, #tpu.memory_space<hbm>> -> memref<2000xi32, #tpu.memory_space<hbm>>
    tpu.enqueue_dma source(%dma_start3A_218 : memref<2000xi32, #tpu.memory_space<hbm>>) target(%arg15 : memref<2000xi32, #tpu.memory_space<vmem>>) target_semaphore(%arg36 : memref<!tpu.dma_semaphore, #tpu.memory_space<semaphore_mem>>)
    %add3A_219 = arith.constant 14000 : i32
    %add3A_220 = arith.addi %mul3A_2, %add3A_219 : i32
    %dma_wait3A_221 = tpu.memref_slice %arg2[%add3A_220] : memref<1600000xf32, #tpu.memory_space<hbm>> -> memref<2000xf32, #tpu.memory_space<hbm>>
    %dma_wait3A_222 = tpu.memref_slice %arg2[%add3A_220] : memref<1600000xf32, #tpu.memory_space<hbm>> -> memref<2000xf32, #tpu.memory_space<hbm>>
    tpu.wait_dma2 semaphore(%arg37 : memref<!tpu.dma_semaphore, #tpu.memory_space<semaphore_mem>>) src(%dma_wait3A_222 : memref<2000xf32, #tpu.memory_space<hbm>>) dst(%arg16 : memref<2000xf32, #tpu.memory_space<vmem>>)
    %dma_wait3A_223 = tpu.memref_slice %arg3[%add3A_220] : memref<1600000xi32, #tpu.memory_space<hbm>> -> memref<2000xi32, #tpu.memory_space<hbm>>
    %dma_wait3A_224 = tpu.memref_slice %arg3[%add3A_220] : memref<1600000xi32, #tpu.memory_space<hbm>> -> memref<2000xi32, #tpu.memory_space<hbm>>
    tpu.wait_dma2 semaphore(%arg37 : memref<!tpu.dma_semaphore, #tpu.memory_space<semaphore_mem>>) src(%dma_wait3A_224 : memref<2000xi32, #tpu.memory_space<hbm>>) dst(%arg17 : memref<2000xi32, #tpu.memory_space<vmem>>)
    %dma_wait3A_225 = tpu.memref_slice %arg4[%add3A_220] : memref<1600000xi32, #tpu.memory_space<hbm>> -> memref<2000xi32, #tpu.memory_space<hbm>>
    %dma_wait3A_226 = tpu.memref_slice %arg4[%add3A_220] : memref<1600000xi32, #tpu.memory_space<hbm>> -> memref<2000xi32, #tpu.memory_space<hbm>>
    tpu.wait_dma2 semaphore(%arg37 : memref<!tpu.dma_semaphore, #tpu.memory_space<semaphore_mem>>) src(%dma_wait3A_226 : memref<2000xi32, #tpu.memory_space<hbm>>) dst(%arg18 : memref<2000xi32, #tpu.memory_space<vmem>>)
    %dma_wait3A_227 = arith.constant 0 : i32
    %dma_wait3A_228 = tpu.memref_slice %arg34[%dma_wait3A_227] : memref<102400xf32, #tpu.memory_space<vmem_shared>> -> memref<102400xf32, #tpu.memory_space<vmem_shared>>
    tpu.wait_indirect_dma semaphore(%arg43 : memref<!tpu.dma_semaphore, #tpu.memory_space<semaphore_mem>>) src(%arg31 : memref<2000xf32, #tpu.memory_space<vmem>>) dst(%dma_wait3A_228 : memref<102400xf32, #tpu.memory_space<vmem_shared>>)
    %scan3A_229 = arith.constant 0 : i32
    %scan3A_230 = arith.constant 125 : i32
    %scan3A_231 = arith.addi %scan3A_229, %scan3A_230 : i32
    %scan3A_232 = arith.constant 1 : i32
    scf.for %scan3A_642 = %scan3A_229 to %scan3A_231 step %scan3A_232  : i32 {
      %mul3A_643 = arith.constant 16 : i32
      %mul3A_644 = arith.muli %scan3A_642, %mul3A_643 : i32
      %add3A_645 = arith.constant 0 : i32
      %add3A_646 = arith.addi %add3A_645, %mul3A_644 : i32
      %get3A = arith.index_cast %add3A_646 : i32 to index
      %get3A_647 = tpu.vector_load %arg17[%get3A] {strides = array<i32>} : memref<2000xi32, #tpu.memory_space<vmem>>, vector<16xi32>,
      %gather3A = tpu.vector_load_idx %arg8[%get3A_647] : memref<112xf32, #tpu.memory_space<vmem>>[vector<16xi32>], vector<16xf32>,
      %get3A_648 = arith.index_cast %add3A_646 : i32 to index
      %get3A_649 = tpu.vector_load %arg16[%get3A_648] {strides = array<i32>} : memref<2000xf32, #tpu.memory_space<vmem>>, vector<16xf32>,
      %mul3A_650 = arith.mulf %get3A_649, %gather3A : vector<16xf32>
      %swap3A = arith.index_cast %add3A_646 : i32 to index
      %swap3A_651 = tpu.vector_load %arg31[%swap3A] {strides = array<i32>} : memref<2000xf32, #tpu.memory_space<vmem>>, vector<16xf32>,
      tpu.vector_store %arg31[%swap3A], %mul3A_650 {strides = array<i32>} : memref<2000xf32, #tpu.memory_space<vmem>>, vector<16xf32>,
      %get3A_652 = arith.index_cast %add3A_646 : i32 to index
      %get3A_653 = tpu.vector_load %arg18[%get3A_652] {strides = array<i32>} : memref<2000xi32, #tpu.memory_space<vmem>>, vector<16xi32>,
      %swap3A_654 = arith.index_cast %add3A_646 : i32 to index
      %swap3A_655 = tpu.vector_load %arg32[%swap3A_654] {strides = array<i32>} : memref<2000xi32, #tpu.memory_space<vmem>>, vector<16xi32>,
      tpu.vector_store %arg32[%swap3A_654], %get3A_653 {strides = array<i32>} : memref<2000xi32, #tpu.memory_space<vmem>>, vector<16xi32>,
    }
    %scan3A_233 = arith.constant 125 : i32
    %dma_start3A_234 = arith.constant 0 : i32
    %dma_start3A_235 = tpu.memref_slice %arg34[%dma_start3A_234] : memref<102400xf32, #tpu.memory_space<vmem_shared>> -> memref<102400xf32, #tpu.memory_space<vmem_shared>>
    tpu.enqueue_indirect_dma source(%arg31 : memref<2000xf32, #tpu.memory_space<vmem>>) target(%dma_start3A_235 : memref<102400xf32, #tpu.memory_space<vmem_shared>>) offsets(%arg32 : memref<2000xi32, #tpu.memory_space<vmem>>) semaphore(%arg43 : memref<!tpu.dma_semaphore, #tpu.memory_space<semaphore_mem>>) {add = true}
    %add3A_236 = arith.constant 24000 : i32
    %add3A_237 = arith.addi %mul3A_2, %add3A_236 : i32
    %dma_start3A_238 = tpu.memref_slice %arg2[%add3A_237] : memref<1600000xf32, #tpu.memory_space<hbm>> -> memref<2000xf32, #tpu.memory_space<hbm>>
    %dma_start3A_239 = tpu.memref_slice %arg2[%add3A_237] : memref<1600000xf32, #tpu.memory_space<hbm>> -> memref<2000xf32, #tpu.memory_space<hbm>>
    tpu.enqueue_dma source(%dma_start3A_239 : memref<2000xf32, #tpu.memory_space<hbm>>) target(%arg16 : memref<2000xf32, #tpu.memory_space<vmem>>) target_semaphore(%arg37 : memref<!tpu.dma_semaphore, #tpu.memory_space<semaphore_mem>>)
    %dma_start3A_240 = tpu.memref_slice %arg3[%add3A_237] : memref<1600000xi32, #tpu.memory_space<hbm>> -> memref<2000xi32, #tpu.memory_space<hbm>>
    %dma_start3A_241 = tpu.memref_slice %arg3[%add3A_237] : memref<1600000xi32, #tpu.memory_space<hbm>> -> memref<2000xi32, #tpu.memory_space<hbm>>
    tpu.enqueue_dma source(%dma_start3A_241 : memref<2000xi32, #tpu.memory_space<hbm>>) target(%arg17 : memref<2000xi32, #tpu.memory_space<vmem>>) target_semaphore(%arg37 : memref<!tpu.dma_semaphore, #tpu.memory_space<semaphore_mem>>)
    %dma_start3A_242 = tpu.memref_slice %arg4[%add3A_237] : memref<1600000xi32, #tpu.memory_space<hbm>> -> memref<2000xi32, #tpu.memory_space<hbm>>
    %dma_start3A_243 = tpu.memref_slice %arg4[%add3A_237] : memref<1600000xi32, #tpu.memory_space<hbm>> -> memref<2000xi32, #tpu.memory_space<hbm>>
    tpu.enqueue_dma source(%dma_start3A_243 : memref<2000xi32, #tpu.memory_space<hbm>>) target(%arg18 : memref<2000xi32, #tpu.memory_space<vmem>>) target_semaphore(%arg37 : memref<!tpu.dma_semaphore, #tpu.memory_space<semaphore_mem>>)
    %add3A_244 = arith.constant 16000 : i32
    %add3A_245 = arith.addi %mul3A_2, %add3A_244 : i32
    %dma_wait3A_246 = tpu.memref_slice %arg2[%add3A_245] : memref<1600000xf32, #tpu.memory_space<hbm>> -> memref<2000xf32, #tpu.memory_space<hbm>>
    %dma_wait3A_247 = tpu.memref_slice %arg2[%add3A_245] : memref<1600000xf32, #tpu.memory_space<hbm>> -> memref<2000xf32, #tpu.memory_space<hbm>>
    tpu.wait_dma2 semaphore(%arg38 : memref<!tpu.dma_semaphore, #tpu.memory_space<semaphore_mem>>) src(%dma_wait3A_247 : memref<2000xf32, #tpu.memory_space<hbm>>) dst(%arg19 : memref<2000xf32, #tpu.memory_space<vmem>>)
    %dma_wait3A_248 = tpu.memref_slice %arg3[%add3A_245] : memref<1600000xi32, #tpu.memory_space<hbm>> -> memref<2000xi32, #tpu.memory_space<hbm>>
    %dma_wait3A_249 = tpu.memref_slice %arg3[%add3A_245] : memref<1600000xi32, #tpu.memory_space<hbm>> -> memref<2000xi32, #tpu.memory_space<hbm>>
    tpu.wait_dma2 semaphore(%arg38 : memref<!tpu.dma_semaphore, #tpu.memory_space<semaphore_mem>>) src(%dma_wait3A_249 : memref<2000xi32, #tpu.memory_space<hbm>>) dst(%arg20 : memref<2000xi32, #tpu.memory_space<vmem>>)
    %dma_wait3A_250 = tpu.memref_slice %arg4[%add3A_245] : memref<1600000xi32, #tpu.memory_space<hbm>> -> memref<2000xi32, #tpu.memory_space<hbm>>
    %dma_wait3A_251 = tpu.memref_slice %arg4[%add3A_245] : memref<1600000xi32, #tpu.memory_space<hbm>> -> memref<2000xi32, #tpu.memory_space<hbm>>
    tpu.wait_dma2 semaphore(%arg38 : memref<!tpu.dma_semaphore, #tpu.memory_space<semaphore_mem>>) src(%dma_wait3A_251 : memref<2000xi32, #tpu.memory_space<hbm>>) dst(%arg21 : memref<2000xi32, #tpu.memory_space<vmem>>)
    %dma_wait3A_252 = arith.constant 0 : i32
    %dma_wait3A_253 = tpu.memref_slice %arg34[%dma_wait3A_252] : memref<102400xf32, #tpu.memory_space<vmem_shared>> -> memref<102400xf32, #tpu.memory_space<vmem_shared>>
    tpu.wait_indirect_dma semaphore(%arg40 : memref<!tpu.dma_semaphore, #tpu.memory_space<semaphore_mem>>) src(%arg25 : memref<2000xf32, #tpu.memory_space<vmem>>) dst(%dma_wait3A_253 : memref<102400xf32, #tpu.memory_space<vmem_shared>>)
    %scan3A_254 = arith.constant 0 : i32
    %scan3A_255 = arith.constant 125 : i32
    %scan3A_256 = arith.addi %scan3A_254, %scan3A_255 : i32
    %scan3A_257 = arith.constant 1 : i32
    scf.for %scan3A_642 = %scan3A_254 to %scan3A_256 step %scan3A_257  : i32 {
      %mul3A_643 = arith.constant 16 : i32
      %mul3A_644 = arith.muli %scan3A_642, %mul3A_643 : i32
      %add3A_645 = arith.constant 0 : i32
      %add3A_646 = arith.addi %add3A_645, %mul3A_644 : i32
      %get3A = arith.index_cast %add3A_646 : i32 to index
      %get3A_647 = tpu.vector_load %arg20[%get3A] {strides = array<i32>} : memref<2000xi32, #tpu.memory_space<vmem>>, vector<16xi32>,
      %gather3A = tpu.vector_load_idx %arg8[%get3A_647] : memref<112xf32, #tpu.memory_space<vmem>>[vector<16xi32>], vector<16xf32>,
      %get3A_648 = arith.index_cast %add3A_646 : i32 to index
      %get3A_649 = tpu.vector_load %arg19[%get3A_648] {strides = array<i32>} : memref<2000xf32, #tpu.memory_space<vmem>>, vector<16xf32>,
      %mul3A_650 = arith.mulf %get3A_649, %gather3A : vector<16xf32>
      %swap3A = arith.index_cast %add3A_646 : i32 to index
      %swap3A_651 = tpu.vector_load %arg25[%swap3A] {strides = array<i32>} : memref<2000xf32, #tpu.memory_space<vmem>>, vector<16xf32>,
      tpu.vector_store %arg25[%swap3A], %mul3A_650 {strides = array<i32>} : memref<2000xf32, #tpu.memory_space<vmem>>, vector<16xf32>,
      %get3A_652 = arith.index_cast %add3A_646 : i32 to index
      %get3A_653 = tpu.vector_load %arg21[%get3A_652] {strides = array<i32>} : memref<2000xi32, #tpu.memory_space<vmem>>, vector<16xi32>,
      %swap3A_654 = arith.index_cast %add3A_646 : i32 to index
      %swap3A_655 = tpu.vector_load %arg26[%swap3A_654] {strides = array<i32>} : memref<2000xi32, #tpu.memory_space<vmem>>, vector<16xi32>,
      tpu.vector_store %arg26[%swap3A_654], %get3A_653 {strides = array<i32>} : memref<2000xi32, #tpu.memory_space<vmem>>, vector<16xi32>,
    }
    %scan3A_258 = arith.constant 125 : i32
    %dma_start3A_259 = arith.constant 0 : i32
    %dma_start3A_260 = tpu.memref_slice %arg34[%dma_start3A_259] : memref<102400xf32, #tpu.memory_space<vmem_shared>> -> memref<102400xf32, #tpu.memory_space<vmem_shared>>
    tpu.enqueue_indirect_dma source(%arg25 : memref<2000xf32, #tpu.memory_space<vmem>>) target(%dma_start3A_260 : memref<102400xf32, #tpu.memory_space<vmem_shared>>) offsets(%arg26 : memref<2000xi32, #tpu.memory_space<vmem>>) semaphore(%arg40 : memref<!tpu.dma_semaphore, #tpu.memory_space<semaphore_mem>>) {add = true}
    %add3A_261 = arith.constant 26000 : i32
    %add3A_262 = arith.addi %mul3A_2, %add3A_261 : i32
    %dma_start3A_263 = tpu.memref_slice %arg2[%add3A_262] : memref<1600000xf32, #tpu.memory_space<hbm>> -> memref<2000xf32, #tpu.memory_space<hbm>>
    %dma_start3A_264 = tpu.memref_slice %arg2[%add3A_262] : memref<1600000xf32, #tpu.memory_space<hbm>> -> memref<2000xf32, #tpu.memory_space<hbm>>
    tpu.enqueue_dma source(%dma_start3A_264 : memref<2000xf32, #tpu.memory_space<hbm>>) target(%arg19 : memref<2000xf32, #tpu.memory_space<vmem>>) target_semaphore(%arg38 : memref<!tpu.dma_semaphore, #tpu.memory_space<semaphore_mem>>)
    %dma_start3A_265 = tpu.memref_slice %arg3[%add3A_262] : memref<1600000xi32, #tpu.memory_space<hbm>> -> memref<2000xi32, #tpu.memory_space<hbm>>
    %dma_start3A_266 = tpu.memref_slice %arg3[%add3A_262] : memref<1600000xi32, #tpu.memory_space<hbm>> -> memref<2000xi32, #tpu.memory_space<hbm>>
    tpu.enqueue_dma source(%dma_start3A_266 : memref<2000xi32, #tpu.memory_space<hbm>>) target(%arg20 : memref<2000xi32, #tpu.memory_space<vmem>>) target_semaphore(%arg38 : memref<!tpu.dma_semaphore, #tpu.memory_space<semaphore_mem>>)
    %dma_start3A_267 = tpu.memref_slice %arg4[%add3A_262] : memref<1600000xi32, #tpu.memory_space<hbm>> -> memref<2000xi32, #tpu.memory_space<hbm>>
    %dma_start3A_268 = tpu.memref_slice %arg4[%add3A_262] : memref<1600000xi32, #tpu.memory_space<hbm>> -> memref<2000xi32, #tpu.memory_space<hbm>>
    tpu.enqueue_dma source(%dma_start3A_268 : memref<2000xi32, #tpu.memory_space<hbm>>) target(%arg21 : memref<2000xi32, #tpu.memory_space<vmem>>) target_semaphore(%arg38 : memref<!tpu.dma_semaphore, #tpu.memory_space<semaphore_mem>>)
    %add3A_269 = arith.constant 18000 : i32
    %add3A_270 = arith.addi %mul3A_2, %add3A_269 : i32
    %dma_wait3A_271 = tpu.memref_slice %arg2[%add3A_270] : memref<1600000xf32, #tpu.memory_space<hbm>> -> memref<2000xf32, #tpu.memory_space<hbm>>
    %dma_wait3A_272 = tpu.memref_slice %arg2[%add3A_270] : memref<1600000xf32, #tpu.memory_space<hbm>> -> memref<2000xf32, #tpu.memory_space<hbm>>
    tpu.wait_dma2 semaphore(%arg39 : memref<!tpu.dma_semaphore, #tpu.memory_space<semaphore_mem>>) src(%dma_wait3A_272 : memref<2000xf32, #tpu.memory_space<hbm>>) dst(%arg22 : memref<2000xf32, #tpu.memory_space<vmem>>)
    %dma_wait3A_273 = tpu.memref_slice %arg3[%add3A_270] : memref<1600000xi32, #tpu.memory_space<hbm>> -> memref<2000xi32, #tpu.memory_space<hbm>>
    %dma_wait3A_274 = tpu.memref_slice %arg3[%add3A_270] : memref<1600000xi32, #tpu.memory_space<hbm>> -> memref<2000xi32, #tpu.memory_space<hbm>>
    tpu.wait_dma2 semaphore(%arg39 : memref<!tpu.dma_semaphore, #tpu.memory_space<semaphore_mem>>) src(%dma_wait3A_274 : memref<2000xi32, #tpu.memory_space<hbm>>) dst(%arg23 : memref<2000xi32, #tpu.memory_space<vmem>>)
    %dma_wait3A_275 = tpu.memref_slice %arg4[%add3A_270] : memref<1600000xi32, #tpu.memory_space<hbm>> -> memref<2000xi32, #tpu.memory_space<hbm>>
    %dma_wait3A_276 = tpu.memref_slice %arg4[%add3A_270] : memref<1600000xi32, #tpu.memory_space<hbm>> -> memref<2000xi32, #tpu.memory_space<hbm>>
    tpu.wait_dma2 semaphore(%arg39 : memref<!tpu.dma_semaphore, #tpu.memory_space<semaphore_mem>>) src(%dma_wait3A_276 : memref<2000xi32, #tpu.memory_space<hbm>>) dst(%arg24 : memref<2000xi32, #tpu.memory_space<vmem>>)
    %dma_wait3A_277 = arith.constant 0 : i32
    %dma_wait3A_278 = tpu.memref_slice %arg34[%dma_wait3A_277] : memref<102400xf32, #tpu.memory_space<vmem_shared>> -> memref<102400xf32, #tpu.memory_space<vmem_shared>>
    tpu.wait_indirect_dma semaphore(%arg41 : memref<!tpu.dma_semaphore, #tpu.memory_space<semaphore_mem>>) src(%arg27 : memref<2000xf32, #tpu.memory_space<vmem>>) dst(%dma_wait3A_278 : memref<102400xf32, #tpu.memory_space<vmem_shared>>)
    %scan3A_279 = arith.constant 0 : i32
    %scan3A_280 = arith.constant 125 : i32
    %scan3A_281 = arith.addi %scan3A_279, %scan3A_280 : i32
    %scan3A_282 = arith.constant 1 : i32
    scf.for %scan3A_642 = %scan3A_279 to %scan3A_281 step %scan3A_282  : i32 {
      %mul3A_643 = arith.constant 16 : i32
      %mul3A_644 = arith.muli %scan3A_642, %mul3A_643 : i32
      %add3A_645 = arith.constant 0 : i32
      %add3A_646 = arith.addi %add3A_645, %mul3A_644 : i32
      %get3A = arith.index_cast %add3A_646 : i32 to index
      %get3A_647 = tpu.vector_load %arg23[%get3A] {strides = array<i32>} : memref<2000xi32, #tpu.memory_space<vmem>>, vector<16xi32>,
      %gather3A = tpu.vector_load_idx %arg8[%get3A_647] : memref<112xf32, #tpu.memory_space<vmem>>[vector<16xi32>], vector<16xf32>,
      %get3A_648 = arith.index_cast %add3A_646 : i32 to index
      %get3A_649 = tpu.vector_load %arg22[%get3A_648] {strides = array<i32>} : memref<2000xf32, #tpu.memory_space<vmem>>, vector<16xf32>,
      %mul3A_650 = arith.mulf %get3A_649, %gather3A : vector<16xf32>
      %swap3A = arith.index_cast %add3A_646 : i32 to index
      %swap3A_651 = tpu.vector_load %arg27[%swap3A] {strides = array<i32>} : memref<2000xf32, #tpu.memory_space<vmem>>, vector<16xf32>,
      tpu.vector_store %arg27[%swap3A], %mul3A_650 {strides = array<i32>} : memref<2000xf32, #tpu.memory_space<vmem>>, vector<16xf32>,
      %get3A_652 = arith.index_cast %add3A_646 : i32 to index
      %get3A_653 = tpu.vector_load %arg24[%get3A_652] {strides = array<i32>} : memref<2000xi32, #tpu.memory_space<vmem>>, vector<16xi32>,
      %swap3A_654 = arith.index_cast %add3A_646 : i32 to index
      %swap3A_655 = tpu.vector_load %arg28[%swap3A_654] {strides = array<i32>} : memref<2000xi32, #tpu.memory_space<vmem>>, vector<16xi32>,
      tpu.vector_store %arg28[%swap3A_654], %get3A_653 {strides = array<i32>} : memref<2000xi32, #tpu.memory_space<vmem>>, vector<16xi32>,
    }
    %scan3A_283 = arith.constant 125 : i32
    %dma_start3A_284 = arith.constant 0 : i32
    %dma_start3A_285 = tpu.memref_slice %arg34[%dma_start3A_284] : memref<102400xf32, #tpu.memory_space<vmem_shared>> -> memref<102400xf32, #tpu.memory_space<vmem_shared>>
    tpu.enqueue_indirect_dma source(%arg27 : memref<2000xf32, #tpu.memory_space<vmem>>) target(%dma_start3A_285 : memref<102400xf32, #tpu.memory_space<vmem_shared>>) offsets(%arg28 : memref<2000xi32, #tpu.memory_space<vmem>>) semaphore(%arg41 : memref<!tpu.dma_semaphore, #tpu.memory_space<semaphore_mem>>) {add = true}
    %add3A_286 = arith.constant 28000 : i32
    %add3A_287 = arith.addi %mul3A_2, %add3A_286 : i32
    %dma_start3A_288 = tpu.memref_slice %arg2[%add3A_287] : memref<1600000xf32, #tpu.memory_space<hbm>> -> memref<2000xf32, #tpu.memory_space<hbm>>
    %dma_start3A_289 = tpu.memref_slice %arg2[%add3A_287] : memref<1600000xf32, #tpu.memory_space<hbm>> -> memref<2000xf32, #tpu.memory_space<hbm>>
    tpu.enqueue_dma source(%dma_start3A_289 : memref<2000xf32, #tpu.memory_space<hbm>>) target(%arg22 : memref<2000xf32, #tpu.memory_space<vmem>>) target_semaphore(%arg39 : memref<!tpu.dma_semaphore, #tpu.memory_space<semaphore_mem>>)
    %dma_start3A_290 = tpu.memref_slice %arg3[%add3A_287] : memref<1600000xi32, #tpu.memory_space<hbm>> -> memref<2000xi32, #tpu.memory_space<hbm>>
    %dma_start3A_291 = tpu.memref_slice %arg3[%add3A_287] : memref<1600000xi32, #tpu.memory_space<hbm>> -> memref<2000xi32, #tpu.memory_space<hbm>>
    tpu.enqueue_dma source(%dma_start3A_291 : memref<2000xi32, #tpu.memory_space<hbm>>) target(%arg23 : memref<2000xi32, #tpu.memory_space<vmem>>) target_semaphore(%arg39 : memref<!tpu.dma_semaphore, #tpu.memory_space<semaphore_mem>>)
    %dma_start3A_292 = tpu.memref_slice %arg4[%add3A_287] : memref<1600000xi32, #tpu.memory_space<hbm>> -> memref<2000xi32, #tpu.memory_space<hbm>>
    %dma_start3A_293 = tpu.memref_slice %arg4[%add3A_287] : memref<1600000xi32, #tpu.memory_space<hbm>> -> memref<2000xi32, #tpu.memory_space<hbm>>
    tpu.enqueue_dma source(%dma_start3A_293 : memref<2000xi32, #tpu.memory_space<hbm>>) target(%arg24 : memref<2000xi32, #tpu.memory_space<vmem>>) target_semaphore(%arg39 : memref<!tpu.dma_semaphore, #tpu.memory_space<semaphore_mem>>)
    %add3A_294 = arith.constant 20000 : i32
    %add3A_295 = arith.addi %mul3A_2, %add3A_294 : i32
    %dma_wait3A_296 = tpu.memref_slice %arg2[%add3A_295] : memref<1600000xf32, #tpu.memory_space<hbm>> -> memref<2000xf32, #tpu.memory_space<hbm>>
    %dma_wait3A_297 = tpu.memref_slice %arg2[%add3A_295] : memref<1600000xf32, #tpu.memory_space<hbm>> -> memref<2000xf32, #tpu.memory_space<hbm>>
    tpu.wait_dma2 semaphore(%arg35 : memref<!tpu.dma_semaphore, #tpu.memory_space<semaphore_mem>>) src(%dma_wait3A_297 : memref<2000xf32, #tpu.memory_space<hbm>>) dst(%arg10 : memref<2000xf32, #tpu.memory_space<vmem>>)
    %dma_wait3A_298 = tpu.memref_slice %arg3[%add3A_295] : memref<1600000xi32, #tpu.memory_space<hbm>> -> memref<2000xi32, #tpu.memory_space<hbm>>
    %dma_wait3A_299 = tpu.memref_slice %arg3[%add3A_295] : memref<1600000xi32, #tpu.memory_space<hbm>> -> memref<2000xi32, #tpu.memory_space<hbm>>
    tpu.wait_dma2 semaphore(%arg35 : memref<!tpu.dma_semaphore, #tpu.memory_space<semaphore_mem>>) src(%dma_wait3A_299 : memref<2000xi32, #tpu.memory_space<hbm>>) dst(%arg11 : memref<2000xi32, #tpu.memory_space<vmem>>)
    %dma_wait3A_300 = tpu.memref_slice %arg4[%add3A_295] : memref<1600000xi32, #tpu.memory_space<hbm>> -> memref<2000xi32, #tpu.memory_space<hbm>>
    %dma_wait3A_301 = tpu.memref_slice %arg4[%add3A_295] : memref<1600000xi32, #tpu.memory_space<hbm>> -> memref<2000xi32, #tpu.memory_space<hbm>>
    tpu.wait_dma2 semaphore(%arg35 : memref<!tpu.dma_semaphore, #tpu.memory_space<semaphore_mem>>) src(%dma_wait3A_301 : memref<2000xi32, #tpu.memory_space<hbm>>) dst(%arg12 : memref<2000xi32, #tpu.memory_space<vmem>>)
    %dma_wait3A_302 = arith.constant 0 : i32
    %dma_wait3A_303 = tpu.memref_slice %arg34[%dma_wait3A_302] : memref<102400xf32, #tpu.memory_space<vmem_shared>> -> memref<102400xf32, #tpu.memory_space<vmem_shared>>
    tpu.wait_indirect_dma semaphore(%arg42 : memref<!tpu.dma_semaphore, #tpu.memory_space<semaphore_mem>>) src(%arg29 : memref<2000xf32, #tpu.memory_space<vmem>>) dst(%dma_wait3A_303 : memref<102400xf32, #tpu.memory_space<vmem_shared>>)
    %scan3A_304 = arith.constant 0 : i32
    %scan3A_305 = arith.constant 125 : i32
    %scan3A_306 = arith.addi %scan3A_304, %scan3A_305 : i32
    %scan3A_307 = arith.constant 1 : i32
    scf.for %scan3A_642 = %scan3A_304 to %scan3A_306 step %scan3A_307  : i32 {
      %mul3A_643 = arith.constant 16 : i32
      %mul3A_644 = arith.muli %scan3A_642, %mul3A_643 : i32
      %add3A_645 = arith.constant 0 : i32
      %add3A_646 = arith.addi %add3A_645, %mul3A_644 : i32
      %get3A = arith.index_cast %add3A_646 : i32 to index
      %get3A_647 = tpu.vector_load %arg11[%get3A] {strides = array<i32>} : memref<2000xi32, #tpu.memory_space<vmem>>, vector<16xi32>,
      %gather3A = tpu.vector_load_idx %arg8[%get3A_647] : memref<112xf32, #tpu.memory_space<vmem>>[vector<16xi32>], vector<16xf32>,
      %get3A_648 = arith.index_cast %add3A_646 : i32 to index
      %get3A_649 = tpu.vector_load %arg10[%get3A_648] {strides = array<i32>} : memref<2000xf32, #tpu.memory_space<vmem>>, vector<16xf32>,
      %mul3A_650 = arith.mulf %get3A_649, %gather3A : vector<16xf32>
      %swap3A = arith.index_cast %add3A_646 : i32 to index
      %swap3A_651 = tpu.vector_load %arg29[%swap3A] {strides = array<i32>} : memref<2000xf32, #tpu.memory_space<vmem>>, vector<16xf32>,
      tpu.vector_store %arg29[%swap3A], %mul3A_650 {strides = array<i32>} : memref<2000xf32, #tpu.memory_space<vmem>>, vector<16xf32>,
      %get3A_652 = arith.index_cast %add3A_646 : i32 to index
      %get3A_653 = tpu.vector_load %arg12[%get3A_652] {strides = array<i32>} : memref<2000xi32, #tpu.memory_space<vmem>>, vector<16xi32>,
      %swap3A_654 = arith.index_cast %add3A_646 : i32 to index
      %swap3A_655 = tpu.vector_load %arg30[%swap3A_654] {strides = array<i32>} : memref<2000xi32, #tpu.memory_space<vmem>>, vector<16xi32>,
      tpu.vector_store %arg30[%swap3A_654], %get3A_653 {strides = array<i32>} : memref<2000xi32, #tpu.memory_space<vmem>>, vector<16xi32>,
    }
    %scan3A_308 = arith.constant 125 : i32
    %dma_start3A_309 = arith.constant 0 : i32
    %dma_start3A_310 = tpu.memref_slice %arg34[%dma_start3A_309] : memref<102400xf32, #tpu.memory_space<vmem_shared>> -> memref<102400xf32, #tpu.memory_space<vmem_shared>>
    tpu.enqueue_indirect_dma source(%arg29 : memref<2000xf32, #tpu.memory_space<vmem>>) target(%dma_start3A_310 : memref<102400xf32, #tpu.memory_space<vmem_shared>>) offsets(%arg30 : memref<2000xi32, #tpu.memory_space<vmem>>) semaphore(%arg42 : memref<!tpu.dma_semaphore, #tpu.memory_space<semaphore_mem>>) {add = true}
    %add3A_311 = arith.constant 30000 : i32
    %add3A_312 = arith.addi %mul3A_2, %add3A_311 : i32
    %dma_start3A_313 = tpu.memref_slice %arg2[%add3A_312] : memref<1600000xf32, #tpu.memory_space<hbm>> -> memref<2000xf32, #tpu.memory_space<hbm>>
    %dma_start3A_314 = tpu.memref_slice %arg2[%add3A_312] : memref<1600000xf32, #tpu.memory_space<hbm>> -> memref<2000xf32, #tpu.memory_space<hbm>>
    tpu.enqueue_dma source(%dma_start3A_314 : memref<2000xf32, #tpu.memory_space<hbm>>) target(%arg10 : memref<2000xf32, #tpu.memory_space<vmem>>) target_semaphore(%arg35 : memref<!tpu.dma_semaphore, #tpu.memory_space<semaphore_mem>>)
    %dma_start3A_315 = tpu.memref_slice %arg3[%add3A_312] : memref<1600000xi32, #tpu.memory_space<hbm>> -> memref<2000xi32, #tpu.memory_space<hbm>>
    %dma_start3A_316 = tpu.memref_slice %arg3[%add3A_312] : memref<1600000xi32, #tpu.memory_space<hbm>> -> memref<2000xi32, #tpu.memory_space<hbm>>
    tpu.enqueue_dma source(%dma_start3A_316 : memref<2000xi32, #tpu.memory_space<hbm>>) target(%arg11 : memref<2000xi32, #tpu.memory_space<vmem>>) target_semaphore(%arg35 : memref<!tpu.dma_semaphore, #tpu.memory_space<semaphore_mem>>)
    %dma_start3A_317 = tpu.memref_slice %arg4[%add3A_312] : memref<1600000xi32, #tpu.memory_space<hbm>> -> memref<2000xi32, #tpu.memory_space<hbm>>
    %dma_start3A_318 = tpu.memref_slice %arg4[%add3A_312] : memref<1600000xi32, #tpu.memory_space<hbm>> -> memref<2000xi32, #tpu.memory_space<hbm>>
    tpu.enqueue_dma source(%dma_start3A_318 : memref<2000xi32, #tpu.memory_space<hbm>>) target(%arg12 : memref<2000xi32, #tpu.memory_space<vmem>>) target_semaphore(%arg35 : memref<!tpu.dma_semaphore, #tpu.memory_space<semaphore_mem>>)
    %add3A_319 = arith.constant 22000 : i32
    %add3A_320 = arith.addi %mul3A_2, %add3A_319 : i32
    %dma_wait3A_321 = tpu.memref_slice %arg2[%add3A_320] : memref<1600000xf32, #tpu.memory_space<hbm>> -> memref<2000xf32, #tpu.memory_space<hbm>>
    %dma_wait3A_322 = tpu.memref_slice %arg2[%add3A_320] : memref<1600000xf32, #tpu.memory_space<hbm>> -> memref<2000xf32, #tpu.memory_space<hbm>>
    tpu.wait_dma2 semaphore(%arg36 : memref<!tpu.dma_semaphore, #tpu.memory_space<semaphore_mem>>) src(%dma_wait3A_322 : memref<2000xf32, #tpu.memory_space<hbm>>) dst(%arg13 : memref<2000xf32, #tpu.memory_space<vmem>>)
    %dma_wait3A_323 = tpu.memref_slice %arg3[%add3A_320] : memref<1600000xi32, #tpu.memory_space<hbm>> -> memref<2000xi32, #tpu.memory_space<hbm>>
    %dma_wait3A_324 = tpu.memref_slice %arg3[%add3A_320] : memref<1600000xi32, #tpu.memory_space<hbm>> -> memref<2000xi32, #tpu.memory_space<hbm>>
    tpu.wait_dma2 semaphore(%arg36 : memref<!tpu.dma_semaphore, #tpu.memory_space<semaphore_mem>>) src(%dma_wait3A_324 : memref<2000xi32, #tpu.memory_space<hbm>>) dst(%arg14 : memref<2000xi32, #tpu.memory_space<vmem>>)
    %dma_wait3A_325 = tpu.memref_slice %arg4[%add3A_320] : memref<1600000xi32, #tpu.memory_space<hbm>> -> memref<2000xi32, #tpu.memory_space<hbm>>
    %dma_wait3A_326 = tpu.memref_slice %arg4[%add3A_320] : memref<1600000xi32, #tpu.memory_space<hbm>> -> memref<2000xi32, #tpu.memory_space<hbm>>
    tpu.wait_dma2 semaphore(%arg36 : memref<!tpu.dma_semaphore, #tpu.memory_space<semaphore_mem>>) src(%dma_wait3A_326 : memref<2000xi32, #tpu.memory_space<hbm>>) dst(%arg15 : memref<2000xi32, #tpu.memory_space<vmem>>)
    %dma_wait3A_327 = arith.constant 0 : i32
    %dma_wait3A_328 = tpu.memref_slice %arg34[%dma_wait3A_327] : memref<102400xf32, #tpu.memory_space<vmem_shared>> -> memref<102400xf32, #tpu.memory_space<vmem_shared>>
    tpu.wait_indirect_dma semaphore(%arg43 : memref<!tpu.dma_semaphore, #tpu.memory_space<semaphore_mem>>) src(%arg31 : memref<2000xf32, #tpu.memory_space<vmem>>) dst(%dma_wait3A_328 : memref<102400xf32, #tpu.memory_space<vmem_shared>>)
    %scan3A_329 = arith.constant 0 : i32
    %scan3A_330 = arith.constant 125 : i32
    %scan3A_331 = arith.addi %scan3A_329, %scan3A_330 : i32
    %scan3A_332 = arith.constant 1 : i32
    scf.for %scan3A_642 = %scan3A_329 to %scan3A_331 step %scan3A_332  : i32 {
      %mul3A_643 = arith.constant 16 : i32
      %mul3A_644 = arith.muli %scan3A_642, %mul3A_643 : i32
      %add3A_645 = arith.constant 0 : i32
      %add3A_646 = arith.addi %add3A_645, %mul3A_644 : i32
      %get3A = arith.index_cast %add3A_646 : i32 to index
      %get3A_647 = tpu.vector_load %arg14[%get3A] {strides = array<i32>} : memref<2000xi32, #tpu.memory_space<vmem>>, vector<16xi32>,
      %gather3A = tpu.vector_load_idx %arg8[%get3A_647] : memref<112xf32, #tpu.memory_space<vmem>>[vector<16xi32>], vector<16xf32>,
      %get3A_648 = arith.index_cast %add3A_646 : i32 to index
      %get3A_649 = tpu.vector_load %arg13[%get3A_648] {strides = array<i32>} : memref<2000xf32, #tpu.memory_space<vmem>>, vector<16xf32>,
      %mul3A_650 = arith.mulf %get3A_649, %gather3A : vector<16xf32>
      %swap3A = arith.index_cast %add3A_646 : i32 to index
      %swap3A_651 = tpu.vector_load %arg31[%swap3A] {strides = array<i32>} : memref<2000xf32, #tpu.memory_space<vmem>>, vector<16xf32>,
      tpu.vector_store %arg31[%swap3A], %mul3A_650 {strides = array<i32>} : memref<2000xf32, #tpu.memory_space<vmem>>, vector<16xf32>,
      %get3A_652 = arith.index_cast %add3A_646 : i32 to index
      %get3A_653 = tpu.vector_load %arg15[%get3A_652] {strides = array<i32>} : memref<2000xi32, #tpu.memory_space<vmem>>, vector<16xi32>,
      %swap3A_654 = arith.index_cast %add3A_646 : i32 to index
      %swap3A_655 = tpu.vector_load %arg32[%swap3A_654] {strides = array<i32>} : memref<2000xi32, #tpu.memory_space<vmem>>, vector<16xi32>,
      tpu.vector_store %arg32[%swap3A_654], %get3A_653 {strides = array<i32>} : memref<2000xi32, #tpu.memory_space<vmem>>, vector<16xi32>,
    }
    %scan3A_333 = arith.constant 125 : i32
    %dma_start3A_334 = arith.constant 0 : i32
    %dma_start3A_335 = tpu.memref_slice %arg34[%dma_start3A_334] : memref<102400xf32, #tpu.memory_space<vmem_shared>> -> memref<102400xf32, #tpu.memory_space<vmem_shared>>
    tpu.enqueue_indirect_dma source(%arg31 : memref<2000xf32, #tpu.memory_space<vmem>>) target(%dma_start3A_335 : memref<102400xf32, #tpu.memory_space<vmem_shared>>) offsets(%arg32 : memref<2000xi32, #tpu.memory_space<vmem>>) semaphore(%arg43 : memref<!tpu.dma_semaphore, #tpu.memory_space<semaphore_mem>>) {add = true}
    %add3A_336 = arith.constant 32000 : i32
    %add3A_337 = arith.addi %mul3A_2, %add3A_336 : i32
    %dma_start3A_338 = tpu.memref_slice %arg2[%add3A_337] : memref<1600000xf32, #tpu.memory_space<hbm>> -> memref<2000xf32, #tpu.memory_space<hbm>>
    %dma_start3A_339 = tpu.memref_slice %arg2[%add3A_337] : memref<1600000xf32, #tpu.memory_space<hbm>> -> memref<2000xf32, #tpu.memory_space<hbm>>
    tpu.enqueue_dma source(%dma_start3A_339 : memref<2000xf32, #tpu.memory_space<hbm>>) target(%arg13 : memref<2000xf32, #tpu.memory_space<vmem>>) target_semaphore(%arg36 : memref<!tpu.dma_semaphore, #tpu.memory_space<semaphore_mem>>)
    %dma_start3A_340 = tpu.memref_slice %arg3[%add3A_337] : memref<1600000xi32, #tpu.memory_space<hbm>> -> memref<2000xi32, #tpu.memory_space<hbm>>
    %dma_start3A_341 = tpu.memref_slice %arg3[%add3A_337] : memref<1600000xi32, #tpu.memory_space<hbm>> -> memref<2000xi32, #tpu.memory_space<hbm>>
    tpu.enqueue_dma source(%dma_start3A_341 : memref<2000xi32, #tpu.memory_space<hbm>>) target(%arg14 : memref<2000xi32, #tpu.memory_space<vmem>>) target_semaphore(%arg36 : memref<!tpu.dma_semaphore, #tpu.memory_space<semaphore_mem>>)
    %dma_start3A_342 = tpu.memref_slice %arg4[%add3A_337] : memref<1600000xi32, #tpu.memory_space<hbm>> -> memref<2000xi32, #tpu.memory_space<hbm>>
    %dma_start3A_343 = tpu.memref_slice %arg4[%add3A_337] : memref<1600000xi32, #tpu.memory_space<hbm>> -> memref<2000xi32, #tpu.memory_space<hbm>>
    tpu.enqueue_dma source(%dma_start3A_343 : memref<2000xi32, #tpu.memory_space<hbm>>) target(%arg15 : memref<2000xi32, #tpu.memory_space<vmem>>) target_semaphore(%arg36 : memref<!tpu.dma_semaphore, #tpu.memory_space<semaphore_mem>>)
    %add3A_344 = arith.constant 24000 : i32
    %add3A_345 = arith.addi %mul3A_2, %add3A_344 : i32
    %dma_wait3A_346 = tpu.memref_slice %arg2[%add3A_345] : memref<1600000xf32, #tpu.memory_space<hbm>> -> memref<2000xf32, #tpu.memory_space<hbm>>
    %dma_wait3A_347 = tpu.memref_slice %arg2[%add3A_345] : memref<1600000xf32, #tpu.memory_space<hbm>> -> memref<2000xf32, #tpu.memory_space<hbm>>
    tpu.wait_dma2 semaphore(%arg37 : memref<!tpu.dma_semaphore, #tpu.memory_space<semaphore_mem>>) src(%dma_wait3A_347 : memref<2000xf32, #tpu.memory_space<hbm>>) dst(%arg16 : memref<2000xf32, #tpu.memory_space<vmem>>)
    %dma_wait3A_348 = tpu.memref_slice %arg3[%add3A_345] : memref<1600000xi32, #tpu.memory_space<hbm>> -> memref<2000xi32, #tpu.memory_space<hbm>>
    %dma_wait3A_349 = tpu.memref_slice %arg3[%add3A_345] : memref<1600000xi32, #tpu.memory_space<hbm>> -> memref<2000xi32, #tpu.memory_space<hbm>>
    tpu.wait_dma2 semaphore(%arg37 : memref<!tpu.dma_semaphore, #tpu.memory_space<semaphore_mem>>) src(%dma_wait3A_349 : memref<2000xi32, #tpu.memory_space<hbm>>) dst(%arg17 : memref<2000xi32, #tpu.memory_space<vmem>>)
    %dma_wait3A_350 = tpu.memref_slice %arg4[%add3A_345] : memref<1600000xi32, #tpu.memory_space<hbm>> -> memref<2000xi32, #tpu.memory_space<hbm>>
    %dma_wait3A_351 = tpu.memref_slice %arg4[%add3A_345] : memref<1600000xi32, #tpu.memory_space<hbm>> -> memref<2000xi32, #tpu.memory_space<hbm>>
    tpu.wait_dma2 semaphore(%arg37 : memref<!tpu.dma_semaphore, #tpu.memory_space<semaphore_mem>>) src(%dma_wait3A_351 : memref<2000xi32, #tpu.memory_space<hbm>>) dst(%arg18 : memref<2000xi32, #tpu.memory_space<vmem>>)
    %dma_wait3A_352 = arith.constant 0 : i32
    %dma_wait3A_353 = tpu.memref_slice %arg34[%dma_wait3A_352] : memref<102400xf32, #tpu.memory_space<vmem_shared>> -> memref<102400xf32, #tpu.memory_space<vmem_shared>>
    tpu.wait_indirect_dma semaphore(%arg40 : memref<!tpu.dma_semaphore, #tpu.memory_space<semaphore_mem>>) src(%arg25 : memref<2000xf32, #tpu.memory_space<vmem>>) dst(%dma_wait3A_353 : memref<102400xf32, #tpu.memory_space<vmem_shared>>)
    %scan3A_354 = arith.constant 0 : i32
    %scan3A_355 = arith.constant 125 : i32
    %scan3A_356 = arith.addi %scan3A_354, %scan3A_355 : i32
    %scan3A_357 = arith.constant 1 : i32
    scf.for %scan3A_642 = %scan3A_354 to %scan3A_356 step %scan3A_357  : i32 {
      %mul3A_643 = arith.constant 16 : i32
      %mul3A_644 = arith.muli %scan3A_642, %mul3A_643 : i32
      %add3A_645 = arith.constant 0 : i32
      %add3A_646 = arith.addi %add3A_645, %mul3A_644 : i32
      %get3A = arith.index_cast %add3A_646 : i32 to index
      %get3A_647 = tpu.vector_load %arg17[%get3A] {strides = array<i32>} : memref<2000xi32, #tpu.memory_space<vmem>>, vector<16xi32>,
      %gather3A = tpu.vector_load_idx %arg8[%get3A_647] : memref<112xf32, #tpu.memory_space<vmem>>[vector<16xi32>], vector<16xf32>,
      %get3A_648 = arith.index_cast %add3A_646 : i32 to index
      %get3A_649 = tpu.vector_load %arg16[%get3A_648] {strides = array<i32>} : memref<2000xf32, #tpu.memory_space<vmem>>, vector<16xf32>,
      %mul3A_650 = arith.mulf %get3A_649, %gather3A : vector<16xf32>
      %swap3A = arith.index_cast %add3A_646 : i32 to index
      %swap3A_651 = tpu.vector_load %arg25[%swap3A] {strides = array<i32>} : memref<2000xf32, #tpu.memory_space<vmem>>, vector<16xf32>,
      tpu.vector_store %arg25[%swap3A], %mul3A_650 {strides = array<i32>} : memref<2000xf32, #tpu.memory_space<vmem>>, vector<16xf32>,
      %get3A_652 = arith.index_cast %add3A_646 : i32 to index
      %get3A_653 = tpu.vector_load %arg18[%get3A_652] {strides = array<i32>} : memref<2000xi32, #tpu.memory_space<vmem>>, vector<16xi32>,
      %swap3A_654 = arith.index_cast %add3A_646 : i32 to index
      %swap3A_655 = tpu.vector_load %arg26[%swap3A_654] {strides = array<i32>} : memref<2000xi32, #tpu.memory_space<vmem>>, vector<16xi32>,
      tpu.vector_store %arg26[%swap3A_654], %get3A_653 {strides = array<i32>} : memref<2000xi32, #tpu.memory_space<vmem>>, vector<16xi32>,
    }
    %scan3A_358 = arith.constant 125 : i32
    %dma_start3A_359 = arith.constant 0 : i32
    %dma_start3A_360 = tpu.memref_slice %arg34[%dma_start3A_359] : memref<102400xf32, #tpu.memory_space<vmem_shared>> -> memref<102400xf32, #tpu.memory_space<vmem_shared>>
    tpu.enqueue_indirect_dma source(%arg25 : memref<2000xf32, #tpu.memory_space<vmem>>) target(%dma_start3A_360 : memref<102400xf32, #tpu.memory_space<vmem_shared>>) offsets(%arg26 : memref<2000xi32, #tpu.memory_space<vmem>>) semaphore(%arg40 : memref<!tpu.dma_semaphore, #tpu.memory_space<semaphore_mem>>) {add = true}
    %add3A_361 = arith.constant 34000 : i32
    %add3A_362 = arith.addi %mul3A_2, %add3A_361 : i32
    %dma_start3A_363 = tpu.memref_slice %arg2[%add3A_362] : memref<1600000xf32, #tpu.memory_space<hbm>> -> memref<2000xf32, #tpu.memory_space<hbm>>
    %dma_start3A_364 = tpu.memref_slice %arg2[%add3A_362] : memref<1600000xf32, #tpu.memory_space<hbm>> -> memref<2000xf32, #tpu.memory_space<hbm>>
    tpu.enqueue_dma source(%dma_start3A_364 : memref<2000xf32, #tpu.memory_space<hbm>>) target(%arg16 : memref<2000xf32, #tpu.memory_space<vmem>>) target_semaphore(%arg37 : memref<!tpu.dma_semaphore, #tpu.memory_space<semaphore_mem>>)
    %dma_start3A_365 = tpu.memref_slice %arg3[%add3A_362] : memref<1600000xi32, #tpu.memory_space<hbm>> -> memref<2000xi32, #tpu.memory_space<hbm>>
    %dma_start3A_366 = tpu.memref_slice %arg3[%add3A_362] : memref<1600000xi32, #tpu.memory_space<hbm>> -> memref<2000xi32, #tpu.memory_space<hbm>>
    tpu.enqueue_dma source(%dma_start3A_366 : memref<2000xi32, #tpu.memory_space<hbm>>) target(%arg17 : memref<2000xi32, #tpu.memory_space<vmem>>) target_semaphore(%arg37 : memref<!tpu.dma_semaphore, #tpu.memory_space<semaphore_mem>>)
    %dma_start3A_367 = tpu.memref_slice %arg4[%add3A_362] : memref<1600000xi32, #tpu.memory_space<hbm>> -> memref<2000xi32, #tpu.memory_space<hbm>>
    %dma_start3A_368 = tpu.memref_slice %arg4[%add3A_362] : memref<1600000xi32, #tpu.memory_space<hbm>> -> memref<2000xi32, #tpu.memory_space<hbm>>
    tpu.enqueue_dma source(%dma_start3A_368 : memref<2000xi32, #tpu.memory_space<hbm>>) target(%arg18 : memref<2000xi32, #tpu.memory_space<vmem>>) target_semaphore(%arg37 : memref<!tpu.dma_semaphore, #tpu.memory_space<semaphore_mem>>)
    %add3A_369 = arith.constant 26000 : i32
    %add3A_370 = arith.addi %mul3A_2, %add3A_369 : i32
    %dma_wait3A_371 = tpu.memref_slice %arg2[%add3A_370] : memref<1600000xf32, #tpu.memory_space<hbm>> -> memref<2000xf32, #tpu.memory_space<hbm>>
    %dma_wait3A_372 = tpu.memref_slice %arg2[%add3A_370] : memref<1600000xf32, #tpu.memory_space<hbm>> -> memref<2000xf32, #tpu.memory_space<hbm>>
    tpu.wait_dma2 semaphore(%arg38 : memref<!tpu.dma_semaphore, #tpu.memory_space<semaphore_mem>>) src(%dma_wait3A_372 : memref<2000xf32, #tpu.memory_space<hbm>>) dst(%arg19 : memref<2000xf32, #tpu.memory_space<vmem>>)
    %dma_wait3A_373 = tpu.memref_slice %arg3[%add3A_370] : memref<1600000xi32, #tpu.memory_space<hbm>> -> memref<2000xi32, #tpu.memory_space<hbm>>
    %dma_wait3A_374 = tpu.memref_slice %arg3[%add3A_370] : memref<1600000xi32, #tpu.memory_space<hbm>> -> memref<2000xi32, #tpu.memory_space<hbm>>
    tpu.wait_dma2 semaphore(%arg38 : memref<!tpu.dma_semaphore, #tpu.memory_space<semaphore_mem>>) src(%dma_wait3A_374 : memref<2000xi32, #tpu.memory_space<hbm>>) dst(%arg20 : memref<2000xi32, #tpu.memory_space<vmem>>)
    %dma_wait3A_375 = tpu.memref_slice %arg4[%add3A_370] : memref<1600000xi32, #tpu.memory_space<hbm>> -> memref<2000xi32, #tpu.memory_space<hbm>>
    %dma_wait3A_376 = tpu.memref_slice %arg4[%add3A_370] : memref<1600000xi32, #tpu.memory_space<hbm>> -> memref<2000xi32, #tpu.memory_space<hbm>>
    tpu.wait_dma2 semaphore(%arg38 : memref<!tpu.dma_semaphore, #tpu.memory_space<semaphore_mem>>) src(%dma_wait3A_376 : memref<2000xi32, #tpu.memory_space<hbm>>) dst(%arg21 : memref<2000xi32, #tpu.memory_space<vmem>>)
    %dma_wait3A_377 = arith.constant 0 : i32
    %dma_wait3A_378 = tpu.memref_slice %arg34[%dma_wait3A_377] : memref<102400xf32, #tpu.memory_space<vmem_shared>> -> memref<102400xf32, #tpu.memory_space<vmem_shared>>
    tpu.wait_indirect_dma semaphore(%arg41 : memref<!tpu.dma_semaphore, #tpu.memory_space<semaphore_mem>>) src(%arg27 : memref<2000xf32, #tpu.memory_space<vmem>>) dst(%dma_wait3A_378 : memref<102400xf32, #tpu.memory_space<vmem_shared>>)
    %scan3A_379 = arith.constant 0 : i32
    %scan3A_380 = arith.constant 125 : i32
    %scan3A_381 = arith.addi %scan3A_379, %scan3A_380 : i32
    %scan3A_382 = arith.constant 1 : i32
    scf.for %scan3A_642 = %scan3A_379 to %scan3A_381 step %scan3A_382  : i32 {
      %mul3A_643 = arith.constant 16 : i32
      %mul3A_644 = arith.muli %scan3A_642, %mul3A_643 : i32
      %add3A_645 = arith.constant 0 : i32
      %add3A_646 = arith.addi %add3A_645, %mul3A_644 : i32
      %get3A = arith.index_cast %add3A_646 : i32 to index
      %get3A_647 = tpu.vector_load %arg20[%get3A] {strides = array<i32>} : memref<2000xi32, #tpu.memory_space<vmem>>, vector<16xi32>,
      %gather3A = tpu.vector_load_idx %arg8[%get3A_647] : memref<112xf32, #tpu.memory_space<vmem>>[vector<16xi32>], vector<16xf32>,
      %get3A_648 = arith.index_cast %add3A_646 : i32 to index
      %get3A_649 = tpu.vector_load %arg19[%get3A_648] {strides = array<i32>} : memref<2000xf32, #tpu.memory_space<vmem>>, vector<16xf32>,
      %mul3A_650 = arith.mulf %get3A_649, %gather3A : vector<16xf32>
      %swap3A = arith.index_cast %add3A_646 : i32 to index
      %swap3A_651 = tpu.vector_load %arg27[%swap3A] {strides = array<i32>} : memref<2000xf32, #tpu.memory_space<vmem>>, vector<16xf32>,
      tpu.vector_store %arg27[%swap3A], %mul3A_650 {strides = array<i32>} : memref<2000xf32, #tpu.memory_space<vmem>>, vector<16xf32>,
      %get3A_652 = arith.index_cast %add3A_646 : i32 to index
      %get3A_653 = tpu.vector_load %arg21[%get3A_652] {strides = array<i32>} : memref<2000xi32, #tpu.memory_space<vmem>>, vector<16xi32>,
      %swap3A_654 = arith.index_cast %add3A_646 : i32 to index
      %swap3A_655 = tpu.vector_load %arg28[%swap3A_654] {strides = array<i32>} : memref<2000xi32, #tpu.memory_space<vmem>>, vector<16xi32>,
      tpu.vector_store %arg28[%swap3A_654], %get3A_653 {strides = array<i32>} : memref<2000xi32, #tpu.memory_space<vmem>>, vector<16xi32>,
    }
    %scan3A_383 = arith.constant 125 : i32
    %dma_start3A_384 = arith.constant 0 : i32
    %dma_start3A_385 = tpu.memref_slice %arg34[%dma_start3A_384] : memref<102400xf32, #tpu.memory_space<vmem_shared>> -> memref<102400xf32, #tpu.memory_space<vmem_shared>>
    tpu.enqueue_indirect_dma source(%arg27 : memref<2000xf32, #tpu.memory_space<vmem>>) target(%dma_start3A_385 : memref<102400xf32, #tpu.memory_space<vmem_shared>>) offsets(%arg28 : memref<2000xi32, #tpu.memory_space<vmem>>) semaphore(%arg41 : memref<!tpu.dma_semaphore, #tpu.memory_space<semaphore_mem>>) {add = true}
    %add3A_386 = arith.constant 36000 : i32
    %add3A_387 = arith.addi %mul3A_2, %add3A_386 : i32
    %dma_start3A_388 = tpu.memref_slice %arg2[%add3A_387] : memref<1600000xf32, #tpu.memory_space<hbm>> -> memref<2000xf32, #tpu.memory_space<hbm>>
    %dma_start3A_389 = tpu.memref_slice %arg2[%add3A_387] : memref<1600000xf32, #tpu.memory_space<hbm>> -> memref<2000xf32, #tpu.memory_space<hbm>>
    tpu.enqueue_dma source(%dma_start3A_389 : memref<2000xf32, #tpu.memory_space<hbm>>) target(%arg19 : memref<2000xf32, #tpu.memory_space<vmem>>) target_semaphore(%arg38 : memref<!tpu.dma_semaphore, #tpu.memory_space<semaphore_mem>>)
    %dma_start3A_390 = tpu.memref_slice %arg3[%add3A_387] : memref<1600000xi32, #tpu.memory_space<hbm>> -> memref<2000xi32, #tpu.memory_space<hbm>>
    %dma_start3A_391 = tpu.memref_slice %arg3[%add3A_387] : memref<1600000xi32, #tpu.memory_space<hbm>> -> memref<2000xi32, #tpu.memory_space<hbm>>
    tpu.enqueue_dma source(%dma_start3A_391 : memref<2000xi32, #tpu.memory_space<hbm>>) target(%arg20 : memref<2000xi32, #tpu.memory_space<vmem>>) target_semaphore(%arg38 : memref<!tpu.dma_semaphore, #tpu.memory_space<semaphore_mem>>)
    %dma_start3A_392 = tpu.memref_slice %arg4[%add3A_387] : memref<1600000xi32, #tpu.memory_space<hbm>> -> memref<2000xi32, #tpu.memory_space<hbm>>
    %dma_start3A_393 = tpu.memref_slice %arg4[%add3A_387] : memref<1600000xi32, #tpu.memory_space<hbm>> -> memref<2000xi32, #tpu.memory_space<hbm>>
    tpu.enqueue_dma source(%dma_start3A_393 : memref<2000xi32, #tpu.memory_space<hbm>>) target(%arg21 : memref<2000xi32, #tpu.memory_space<vmem>>) target_semaphore(%arg38 : memref<!tpu.dma_semaphore, #tpu.memory_space<semaphore_mem>>)
    %add3A_394 = arith.constant 28000 : i32
    %add3A_395 = arith.addi %mul3A_2, %add3A_394 : i32
    %dma_wait3A_396 = tpu.memref_slice %arg2[%add3A_395] : memref<1600000xf32, #tpu.memory_space<hbm>> -> memref<2000xf32, #tpu.memory_space<hbm>>
    %dma_wait3A_397 = tpu.memref_slice %arg2[%add3A_395] : memref<1600000xf32, #tpu.memory_space<hbm>> -> memref<2000xf32, #tpu.memory_space<hbm>>
    tpu.wait_dma2 semaphore(%arg39 : memref<!tpu.dma_semaphore, #tpu.memory_space<semaphore_mem>>) src(%dma_wait3A_397 : memref<2000xf32, #tpu.memory_space<hbm>>) dst(%arg22 : memref<2000xf32, #tpu.memory_space<vmem>>)
    %dma_wait3A_398 = tpu.memref_slice %arg3[%add3A_395] : memref<1600000xi32, #tpu.memory_space<hbm>> -> memref<2000xi32, #tpu.memory_space<hbm>>
    %dma_wait3A_399 = tpu.memref_slice %arg3[%add3A_395] : memref<1600000xi32, #tpu.memory_space<hbm>> -> memref<2000xi32, #tpu.memory_space<hbm>>
    tpu.wait_dma2 semaphore(%arg39 : memref<!tpu.dma_semaphore, #tpu.memory_space<semaphore_mem>>) src(%dma_wait3A_399 : memref<2000xi32, #tpu.memory_space<hbm>>) dst(%arg23 : memref<2000xi32, #tpu.memory_space<vmem>>)
    %dma_wait3A_400 = tpu.memref_slice %arg4[%add3A_395] : memref<1600000xi32, #tpu.memory_space<hbm>> -> memref<2000xi32, #tpu.memory_space<hbm>>
    %dma_wait3A_401 = tpu.memref_slice %arg4[%add3A_395] : memref<1600000xi32, #tpu.memory_space<hbm>> -> memref<2000xi32, #tpu.memory_space<hbm>>
    tpu.wait_dma2 semaphore(%arg39 : memref<!tpu.dma_semaphore, #tpu.memory_space<semaphore_mem>>) src(%dma_wait3A_401 : memref<2000xi32, #tpu.memory_space<hbm>>) dst(%arg24 : memref<2000xi32, #tpu.memory_space<vmem>>)
    %dma_wait3A_402 = arith.constant 0 : i32
    %dma_wait3A_403 = tpu.memref_slice %arg34[%dma_wait3A_402] : memref<102400xf32, #tpu.memory_space<vmem_shared>> -> memref<102400xf32, #tpu.memory_space<vmem_shared>>
    tpu.wait_indirect_dma semaphore(%arg42 : memref<!tpu.dma_semaphore, #tpu.memory_space<semaphore_mem>>) src(%arg29 : memref<2000xf32, #tpu.memory_space<vmem>>) dst(%dma_wait3A_403 : memref<102400xf32, #tpu.memory_space<vmem_shared>>)
    %scan3A_404 = arith.constant 0 : i32
    %scan3A_405 = arith.constant 125 : i32
    %scan3A_406 = arith.addi %scan3A_404, %scan3A_405 : i32
    %scan3A_407 = arith.constant 1 : i32
    scf.for %scan3A_642 = %scan3A_404 to %scan3A_406 step %scan3A_407  : i32 {
      %mul3A_643 = arith.constant 16 : i32
      %mul3A_644 = arith.muli %scan3A_642, %mul3A_643 : i32
      %add3A_645 = arith.constant 0 : i32
      %add3A_646 = arith.addi %add3A_645, %mul3A_644 : i32
      %get3A = arith.index_cast %add3A_646 : i32 to index
      %get3A_647 = tpu.vector_load %arg23[%get3A] {strides = array<i32>} : memref<2000xi32, #tpu.memory_space<vmem>>, vector<16xi32>,
      %gather3A = tpu.vector_load_idx %arg8[%get3A_647] : memref<112xf32, #tpu.memory_space<vmem>>[vector<16xi32>], vector<16xf32>,
      %get3A_648 = arith.index_cast %add3A_646 : i32 to index
      %get3A_649 = tpu.vector_load %arg22[%get3A_648] {strides = array<i32>} : memref<2000xf32, #tpu.memory_space<vmem>>, vector<16xf32>,
      %mul3A_650 = arith.mulf %get3A_649, %gather3A : vector<16xf32>
      %swap3A = arith.index_cast %add3A_646 : i32 to index
      %swap3A_651 = tpu.vector_load %arg29[%swap3A] {strides = array<i32>} : memref<2000xf32, #tpu.memory_space<vmem>>, vector<16xf32>,
      tpu.vector_store %arg29[%swap3A], %mul3A_650 {strides = array<i32>} : memref<2000xf32, #tpu.memory_space<vmem>>, vector<16xf32>,
      %get3A_652 = arith.index_cast %add3A_646 : i32 to index
      %get3A_653 = tpu.vector_load %arg24[%get3A_652] {strides = array<i32>} : memref<2000xi32, #tpu.memory_space<vmem>>, vector<16xi32>,
      %swap3A_654 = arith.index_cast %add3A_646 : i32 to index
      %swap3A_655 = tpu.vector_load %arg30[%swap3A_654] {strides = array<i32>} : memref<2000xi32, #tpu.memory_space<vmem>>, vector<16xi32>,
      tpu.vector_store %arg30[%swap3A_654], %get3A_653 {strides = array<i32>} : memref<2000xi32, #tpu.memory_space<vmem>>, vector<16xi32>,
    }
    %scan3A_408 = arith.constant 125 : i32
    %dma_start3A_409 = arith.constant 0 : i32
    %dma_start3A_410 = tpu.memref_slice %arg34[%dma_start3A_409] : memref<102400xf32, #tpu.memory_space<vmem_shared>> -> memref<102400xf32, #tpu.memory_space<vmem_shared>>
    tpu.enqueue_indirect_dma source(%arg29 : memref<2000xf32, #tpu.memory_space<vmem>>) target(%dma_start3A_410 : memref<102400xf32, #tpu.memory_space<vmem_shared>>) offsets(%arg30 : memref<2000xi32, #tpu.memory_space<vmem>>) semaphore(%arg42 : memref<!tpu.dma_semaphore, #tpu.memory_space<semaphore_mem>>) {add = true}
    %add3A_411 = arith.constant 38000 : i32
    %add3A_412 = arith.addi %mul3A_2, %add3A_411 : i32
    %dma_start3A_413 = tpu.memref_slice %arg2[%add3A_412] : memref<1600000xf32, #tpu.memory_space<hbm>> -> memref<2000xf32, #tpu.memory_space<hbm>>
    %dma_start3A_414 = tpu.memref_slice %arg2[%add3A_412] : memref<1600000xf32, #tpu.memory_space<hbm>> -> memref<2000xf32, #tpu.memory_space<hbm>>
    tpu.enqueue_dma source(%dma_start3A_414 : memref<2000xf32, #tpu.memory_space<hbm>>) target(%arg22 : memref<2000xf32, #tpu.memory_space<vmem>>) target_semaphore(%arg39 : memref<!tpu.dma_semaphore, #tpu.memory_space<semaphore_mem>>)
    %dma_start3A_415 = tpu.memref_slice %arg3[%add3A_412] : memref<1600000xi32, #tpu.memory_space<hbm>> -> memref<2000xi32, #tpu.memory_space<hbm>>
    %dma_start3A_416 = tpu.memref_slice %arg3[%add3A_412] : memref<1600000xi32, #tpu.memory_space<hbm>> -> memref<2000xi32, #tpu.memory_space<hbm>>
    tpu.enqueue_dma source(%dma_start3A_416 : memref<2000xi32, #tpu.memory_space<hbm>>) target(%arg23 : memref<2000xi32, #tpu.memory_space<vmem>>) target_semaphore(%arg39 : memref<!tpu.dma_semaphore, #tpu.memory_space<semaphore_mem>>)
    %dma_start3A_417 = tpu.memref_slice %arg4[%add3A_412] : memref<1600000xi32, #tpu.memory_space<hbm>> -> memref<2000xi32, #tpu.memory_space<hbm>>
    %dma_start3A_418 = tpu.memref_slice %arg4[%add3A_412] : memref<1600000xi32, #tpu.memory_space<hbm>> -> memref<2000xi32, #tpu.memory_space<hbm>>
    tpu.enqueue_dma source(%dma_start3A_418 : memref<2000xi32, #tpu.memory_space<hbm>>) target(%arg24 : memref<2000xi32, #tpu.memory_space<vmem>>) target_semaphore(%arg39 : memref<!tpu.dma_semaphore, #tpu.memory_space<semaphore_mem>>)
    %add3A_419 = arith.constant 30000 : i32
    %add3A_420 = arith.addi %mul3A_2, %add3A_419 : i32
    %dma_wait3A_421 = tpu.memref_slice %arg2[%add3A_420] : memref<1600000xf32, #tpu.memory_space<hbm>> -> memref<2000xf32, #tpu.memory_space<hbm>>
    %dma_wait3A_422 = tpu.memref_slice %arg2[%add3A_420] : memref<1600000xf32, #tpu.memory_space<hbm>> -> memref<2000xf32, #tpu.memory_space<hbm>>
    tpu.wait_dma2 semaphore(%arg35 : memref<!tpu.dma_semaphore, #tpu.memory_space<semaphore_mem>>) src(%dma_wait3A_422 : memref<2000xf32, #tpu.memory_space<hbm>>) dst(%arg10 : memref<2000xf32, #tpu.memory_space<vmem>>)
    %dma_wait3A_423 = tpu.memref_slice %arg3[%add3A_420] : memref<1600000xi32, #tpu.memory_space<hbm>> -> memref<2000xi32, #tpu.memory_space<hbm>>
    %dma_wait3A_424 = tpu.memref_slice %arg3[%add3A_420] : memref<1600000xi32, #tpu.memory_space<hbm>> -> memref<2000xi32, #tpu.memory_space<hbm>>
    tpu.wait_dma2 semaphore(%arg35 : memref<!tpu.dma_semaphore, #tpu.memory_space<semaphore_mem>>) src(%dma_wait3A_424 : memref<2000xi32, #tpu.memory_space<hbm>>) dst(%arg11 : memref<2000xi32, #tpu.memory_space<vmem>>)
    %dma_wait3A_425 = tpu.memref_slice %arg4[%add3A_420] : memref<1600000xi32, #tpu.memory_space<hbm>> -> memref<2000xi32, #tpu.memory_space<hbm>>
    %dma_wait3A_426 = tpu.memref_slice %arg4[%add3A_420] : memref<1600000xi32, #tpu.memory_space<hbm>> -> memref<2000xi32, #tpu.memory_space<hbm>>
    tpu.wait_dma2 semaphore(%arg35 : memref<!tpu.dma_semaphore, #tpu.memory_space<semaphore_mem>>) src(%dma_wait3A_426 : memref<2000xi32, #tpu.memory_space<hbm>>) dst(%arg12 : memref<2000xi32, #tpu.memory_space<vmem>>)
    %dma_wait3A_427 = arith.constant 0 : i32
    %dma_wait3A_428 = tpu.memref_slice %arg34[%dma_wait3A_427] : memref<102400xf32, #tpu.memory_space<vmem_shared>> -> memref<102400xf32, #tpu.memory_space<vmem_shared>>
    tpu.wait_indirect_dma semaphore(%arg43 : memref<!tpu.dma_semaphore, #tpu.memory_space<semaphore_mem>>) src(%arg31 : memref<2000xf32, #tpu.memory_space<vmem>>) dst(%dma_wait3A_428 : memref<102400xf32, #tpu.memory_space<vmem_shared>>)
    %scan3A_429 = arith.constant 0 : i32
    %scan3A_430 = arith.constant 125 : i32
    %scan3A_431 = arith.addi %scan3A_429, %scan3A_430 : i32
    %scan3A_432 = arith.constant 1 : i32
    scf.for %scan3A_642 = %scan3A_429 to %scan3A_431 step %scan3A_432  : i32 {
      %mul3A_643 = arith.constant 16 : i32
      %mul3A_644 = arith.muli %scan3A_642, %mul3A_643 : i32
      %add3A_645 = arith.constant 0 : i32
      %add3A_646 = arith.addi %add3A_645, %mul3A_644 : i32
      %get3A = arith.index_cast %add3A_646 : i32 to index
      %get3A_647 = tpu.vector_load %arg11[%get3A] {strides = array<i32>} : memref<2000xi32, #tpu.memory_space<vmem>>, vector<16xi32>,
      %gather3A = tpu.vector_load_idx %arg8[%get3A_647] : memref<112xf32, #tpu.memory_space<vmem>>[vector<16xi32>], vector<16xf32>,
      %get3A_648 = arith.index_cast %add3A_646 : i32 to index
      %get3A_649 = tpu.vector_load %arg10[%get3A_648] {strides = array<i32>} : memref<2000xf32, #tpu.memory_space<vmem>>, vector<16xf32>,
      %mul3A_650 = arith.mulf %get3A_649, %gather3A : vector<16xf32>
      %swap3A = arith.index_cast %add3A_646 : i32 to index
      %swap3A_651 = tpu.vector_load %arg31[%swap3A] {strides = array<i32>} : memref<2000xf32, #tpu.memory_space<vmem>>, vector<16xf32>,
      tpu.vector_store %arg31[%swap3A], %mul3A_650 {strides = array<i32>} : memref<2000xf32, #tpu.memory_space<vmem>>, vector<16xf32>,
      %get3A_652 = arith.index_cast %add3A_646 : i32 to index
      %get3A_653 = tpu.vector_load %arg12[%get3A_652] {strides = array<i32>} : memref<2000xi32, #tpu.memory_space<vmem>>, vector<16xi32>,
      %swap3A_654 = arith.index_cast %add3A_646 : i32 to index
      %swap3A_655 = tpu.vector_load %arg32[%swap3A_654] {strides = array<i32>} : memref<2000xi32, #tpu.memory_space<vmem>>, vector<16xi32>,
      tpu.vector_store %arg32[%swap3A_654], %get3A_653 {strides = array<i32>} : memref<2000xi32, #tpu.memory_space<vmem>>, vector<16xi32>,
    }
    %scan3A_433 = arith.constant 125 : i32
    %dma_start3A_434 = arith.constant 0 : i32
    %dma_start3A_435 = tpu.memref_slice %arg34[%dma_start3A_434] : memref<102400xf32, #tpu.memory_space<vmem_shared>> -> memref<102400xf32, #tpu.memory_space<vmem_shared>>
    tpu.enqueue_indirect_dma source(%arg31 : memref<2000xf32, #tpu.memory_space<vmem>>) target(%dma_start3A_435 : memref<102400xf32, #tpu.memory_space<vmem_shared>>) offsets(%arg32 : memref<2000xi32, #tpu.memory_space<vmem>>) semaphore(%arg43 : memref<!tpu.dma_semaphore, #tpu.memory_space<semaphore_mem>>) {add = true}
    %add3A_436 = arith.constant 40000 : i32
    %add3A_437 = arith.addi %mul3A_2, %add3A_436 : i32
    %dma_start3A_438 = tpu.memref_slice %arg2[%add3A_437] : memref<1600000xf32, #tpu.memory_space<hbm>> -> memref<2000xf32, #tpu.memory_space<hbm>>
    %dma_start3A_439 = tpu.memref_slice %arg2[%add3A_437] : memref<1600000xf32, #tpu.memory_space<hbm>> -> memref<2000xf32, #tpu.memory_space<hbm>>
    tpu.enqueue_dma source(%dma_start3A_439 : memref<2000xf32, #tpu.memory_space<hbm>>) target(%arg10 : memref<2000xf32, #tpu.memory_space<vmem>>) target_semaphore(%arg35 : memref<!tpu.dma_semaphore, #tpu.memory_space<semaphore_mem>>)
    %dma_start3A_440 = tpu.memref_slice %arg3[%add3A_437] : memref<1600000xi32, #tpu.memory_space<hbm>> -> memref<2000xi32, #tpu.memory_space<hbm>>
    %dma_start3A_441 = tpu.memref_slice %arg3[%add3A_437] : memref<1600000xi32, #tpu.memory_space<hbm>> -> memref<2000xi32, #tpu.memory_space<hbm>>
    tpu.enqueue_dma source(%dma_start3A_441 : memref<2000xi32, #tpu.memory_space<hbm>>) target(%arg11 : memref<2000xi32, #tpu.memory_space<vmem>>) target_semaphore(%arg35 : memref<!tpu.dma_semaphore, #tpu.memory_space<semaphore_mem>>)
    %dma_start3A_442 = tpu.memref_slice %arg4[%add3A_437] : memref<1600000xi32, #tpu.memory_space<hbm>> -> memref<2000xi32, #tpu.memory_space<hbm>>
    %dma_start3A_443 = tpu.memref_slice %arg4[%add3A_437] : memref<1600000xi32, #tpu.memory_space<hbm>> -> memref<2000xi32, #tpu.memory_space<hbm>>
    tpu.enqueue_dma source(%dma_start3A_443 : memref<2000xi32, #tpu.memory_space<hbm>>) target(%arg12 : memref<2000xi32, #tpu.memory_space<vmem>>) target_semaphore(%arg35 : memref<!tpu.dma_semaphore, #tpu.memory_space<semaphore_mem>>)
    %add3A_444 = arith.constant 32000 : i32
    %add3A_445 = arith.addi %mul3A_2, %add3A_444 : i32
    %dma_wait3A_446 = tpu.memref_slice %arg2[%add3A_445] : memref<1600000xf32, #tpu.memory_space<hbm>> -> memref<2000xf32, #tpu.memory_space<hbm>>
    %dma_wait3A_447 = tpu.memref_slice %arg2[%add3A_445] : memref<1600000xf32, #tpu.memory_space<hbm>> -> memref<2000xf32, #tpu.memory_space<hbm>>
    tpu.wait_dma2 semaphore(%arg36 : memref<!tpu.dma_semaphore, #tpu.memory_space<semaphore_mem>>) src(%dma_wait3A_447 : memref<2000xf32, #tpu.memory_space<hbm>>) dst(%arg13 : memref<2000xf32, #tpu.memory_space<vmem>>)
    %dma_wait3A_448 = tpu.memref_slice %arg3[%add3A_445] : memref<1600000xi32, #tpu.memory_space<hbm>> -> memref<2000xi32, #tpu.memory_space<hbm>>
    %dma_wait3A_449 = tpu.memref_slice %arg3[%add3A_445] : memref<1600000xi32, #tpu.memory_space<hbm>> -> memref<2000xi32, #tpu.memory_space<hbm>>
    tpu.wait_dma2 semaphore(%arg36 : memref<!tpu.dma_semaphore, #tpu.memory_space<semaphore_mem>>) src(%dma_wait3A_449 : memref<2000xi32, #tpu.memory_space<hbm>>) dst(%arg14 : memref<2000xi32, #tpu.memory_space<vmem>>)
    %dma_wait3A_450 = tpu.memref_slice %arg4[%add3A_445] : memref<1600000xi32, #tpu.memory_space<hbm>> -> memref<2000xi32, #tpu.memory_space<hbm>>
    %dma_wait3A_451 = tpu.memref_slice %arg4[%add3A_445] : memref<1600000xi32, #tpu.memory_space<hbm>> -> memref<2000xi32, #tpu.memory_space<hbm>>
    tpu.wait_dma2 semaphore(%arg36 : memref<!tpu.dma_semaphore, #tpu.memory_space<semaphore_mem>>) src(%dma_wait3A_451 : memref<2000xi32, #tpu.memory_space<hbm>>) dst(%arg15 : memref<2000xi32, #tpu.memory_space<vmem>>)
    %dma_wait3A_452 = arith.constant 0 : i32
    %dma_wait3A_453 = tpu.memref_slice %arg34[%dma_wait3A_452] : memref<102400xf32, #tpu.memory_space<vmem_shared>> -> memref<102400xf32, #tpu.memory_space<vmem_shared>>
    tpu.wait_indirect_dma semaphore(%arg40 : memref<!tpu.dma_semaphore, #tpu.memory_space<semaphore_mem>>) src(%arg25 : memref<2000xf32, #tpu.memory_space<vmem>>) dst(%dma_wait3A_453 : memref<102400xf32, #tpu.memory_space<vmem_shared>>)
    %scan3A_454 = arith.constant 0 : i32
    %scan3A_455 = arith.constant 125 : i32
    %scan3A_456 = arith.addi %scan3A_454, %scan3A_455 : i32
    %scan3A_457 = arith.constant 1 : i32
    scf.for %scan3A_642 = %scan3A_454 to %scan3A_456 step %scan3A_457  : i32 {
      %mul3A_643 = arith.constant 16 : i32
      %mul3A_644 = arith.muli %scan3A_642, %mul3A_643 : i32
      %add3A_645 = arith.constant 0 : i32
      %add3A_646 = arith.addi %add3A_645, %mul3A_644 : i32
      %get3A = arith.index_cast %add3A_646 : i32 to index
      %get3A_647 = tpu.vector_load %arg14[%get3A] {strides = array<i32>} : memref<2000xi32, #tpu.memory_space<vmem>>, vector<16xi32>,
      %gather3A = tpu.vector_load_idx %arg8[%get3A_647] : memref<112xf32, #tpu.memory_space<vmem>>[vector<16xi32>], vector<16xf32>,
      %get3A_648 = arith.index_cast %add3A_646 : i32 to index
      %get3A_649 = tpu.vector_load %arg13[%get3A_648] {strides = array<i32>} : memref<2000xf32, #tpu.memory_space<vmem>>, vector<16xf32>,
      %mul3A_650 = arith.mulf %get3A_649, %gather3A : vector<16xf32>
      %swap3A = arith.index_cast %add3A_646 : i32 to index
      %swap3A_651 = tpu.vector_load %arg25[%swap3A] {strides = array<i32>} : memref<2000xf32, #tpu.memory_space<vmem>>, vector<16xf32>,
      tpu.vector_store %arg25[%swap3A], %mul3A_650 {strides = array<i32>} : memref<2000xf32, #tpu.memory_space<vmem>>, vector<16xf32>,
      %get3A_652 = arith.index_cast %add3A_646 : i32 to index
      %get3A_653 = tpu.vector_load %arg15[%get3A_652] {strides = array<i32>} : memref<2000xi32, #tpu.memory_space<vmem>>, vector<16xi32>,
      %swap3A_654 = arith.index_cast %add3A_646 : i32 to index
      %swap3A_655 = tpu.vector_load %arg26[%swap3A_654] {strides = array<i32>} : memref<2000xi32, #tpu.memory_space<vmem>>, vector<16xi32>,
      tpu.vector_store %arg26[%swap3A_654], %get3A_653 {strides = array<i32>} : memref<2000xi32, #tpu.memory_space<vmem>>, vector<16xi32>,
    }
    %scan3A_458 = arith.constant 125 : i32
    %dma_start3A_459 = arith.constant 0 : i32
    %dma_start3A_460 = tpu.memref_slice %arg34[%dma_start3A_459] : memref<102400xf32, #tpu.memory_space<vmem_shared>> -> memref<102400xf32, #tpu.memory_space<vmem_shared>>
    tpu.enqueue_indirect_dma source(%arg25 : memref<2000xf32, #tpu.memory_space<vmem>>) target(%dma_start3A_460 : memref<102400xf32, #tpu.memory_space<vmem_shared>>) offsets(%arg26 : memref<2000xi32, #tpu.memory_space<vmem>>) semaphore(%arg40 : memref<!tpu.dma_semaphore, #tpu.memory_space<semaphore_mem>>) {add = true}
    %add3A_461 = arith.constant 42000 : i32
    %add3A_462 = arith.addi %mul3A_2, %add3A_461 : i32
    %dma_start3A_463 = tpu.memref_slice %arg2[%add3A_462] : memref<1600000xf32, #tpu.memory_space<hbm>> -> memref<2000xf32, #tpu.memory_space<hbm>>
    %dma_start3A_464 = tpu.memref_slice %arg2[%add3A_462] : memref<1600000xf32, #tpu.memory_space<hbm>> -> memref<2000xf32, #tpu.memory_space<hbm>>
    tpu.enqueue_dma source(%dma_start3A_464 : memref<2000xf32, #tpu.memory_space<hbm>>) target(%arg13 : memref<2000xf32, #tpu.memory_space<vmem>>) target_semaphore(%arg36 : memref<!tpu.dma_semaphore, #tpu.memory_space<semaphore_mem>>)
    %dma_start3A_465 = tpu.memref_slice %arg3[%add3A_462] : memref<1600000xi32, #tpu.memory_space<hbm>> -> memref<2000xi32, #tpu.memory_space<hbm>>
    %dma_start3A_466 = tpu.memref_slice %arg3[%add3A_462] : memref<1600000xi32, #tpu.memory_space<hbm>> -> memref<2000xi32, #tpu.memory_space<hbm>>
    tpu.enqueue_dma source(%dma_start3A_466 : memref<2000xi32, #tpu.memory_space<hbm>>) target(%arg14 : memref<2000xi32, #tpu.memory_space<vmem>>) target_semaphore(%arg36 : memref<!tpu.dma_semaphore, #tpu.memory_space<semaphore_mem>>)
    %dma_start3A_467 = tpu.memref_slice %arg4[%add3A_462] : memref<1600000xi32, #tpu.memory_space<hbm>> -> memref<2000xi32, #tpu.memory_space<hbm>>
    %dma_start3A_468 = tpu.memref_slice %arg4[%add3A_462] : memref<1600000xi32, #tpu.memory_space<hbm>> -> memref<2000xi32, #tpu.memory_space<hbm>>
    tpu.enqueue_dma source(%dma_start3A_468 : memref<2000xi32, #tpu.memory_space<hbm>>) target(%arg15 : memref<2000xi32, #tpu.memory_space<vmem>>) target_semaphore(%arg36 : memref<!tpu.dma_semaphore, #tpu.memory_space<semaphore_mem>>)
    %add3A_469 = arith.constant 34000 : i32
    %add3A_470 = arith.addi %mul3A_2, %add3A_469 : i32
    %dma_wait3A_471 = tpu.memref_slice %arg2[%add3A_470] : memref<1600000xf32, #tpu.memory_space<hbm>> -> memref<2000xf32, #tpu.memory_space<hbm>>
    %dma_wait3A_472 = tpu.memref_slice %arg2[%add3A_470] : memref<1600000xf32, #tpu.memory_space<hbm>> -> memref<2000xf32, #tpu.memory_space<hbm>>
    tpu.wait_dma2 semaphore(%arg37 : memref<!tpu.dma_semaphore, #tpu.memory_space<semaphore_mem>>) src(%dma_wait3A_472 : memref<2000xf32, #tpu.memory_space<hbm>>) dst(%arg16 : memref<2000xf32, #tpu.memory_space<vmem>>)
    %dma_wait3A_473 = tpu.memref_slice %arg3[%add3A_470] : memref<1600000xi32, #tpu.memory_space<hbm>> -> memref<2000xi32, #tpu.memory_space<hbm>>
    %dma_wait3A_474 = tpu.memref_slice %arg3[%add3A_470] : memref<1600000xi32, #tpu.memory_space<hbm>> -> memref<2000xi32, #tpu.memory_space<hbm>>
    tpu.wait_dma2 semaphore(%arg37 : memref<!tpu.dma_semaphore, #tpu.memory_space<semaphore_mem>>) src(%dma_wait3A_474 : memref<2000xi32, #tpu.memory_space<hbm>>) dst(%arg17 : memref<2000xi32, #tpu.memory_space<vmem>>)
    %dma_wait3A_475 = tpu.memref_slice %arg4[%add3A_470] : memref<1600000xi32, #tpu.memory_space<hbm>> -> memref<2000xi32, #tpu.memory_space<hbm>>
    %dma_wait3A_476 = tpu.memref_slice %arg4[%add3A_470] : memref<1600000xi32, #tpu.memory_space<hbm>> -> memref<2000xi32, #tpu.memory_space<hbm>>
    tpu.wait_dma2 semaphore(%arg37 : memref<!tpu.dma_semaphore, #tpu.memory_space<semaphore_mem>>) src(%dma_wait3A_476 : memref<2000xi32, #tpu.memory_space<hbm>>) dst(%arg18 : memref<2000xi32, #tpu.memory_space<vmem>>)
    %dma_wait3A_477 = arith.constant 0 : i32
    %dma_wait3A_478 = tpu.memref_slice %arg34[%dma_wait3A_477] : memref<102400xf32, #tpu.memory_space<vmem_shared>> -> memref<102400xf32, #tpu.memory_space<vmem_shared>>
    tpu.wait_indirect_dma semaphore(%arg41 : memref<!tpu.dma_semaphore, #tpu.memory_space<semaphore_mem>>) src(%arg27 : memref<2000xf32, #tpu.memory_space<vmem>>) dst(%dma_wait3A_478 : memref<102400xf32, #tpu.memory_space<vmem_shared>>)
    %scan3A_479 = arith.constant 0 : i32
    %scan3A_480 = arith.constant 125 : i32
    %scan3A_481 = arith.addi %scan3A_479, %scan3A_480 : i32
    %scan3A_482 = arith.constant 1 : i32
    scf.for %scan3A_642 = %scan3A_479 to %scan3A_481 step %scan3A_482  : i32 {
      %mul3A_643 = arith.constant 16 : i32
      %mul3A_644 = arith.muli %scan3A_642, %mul3A_643 : i32
      %add3A_645 = arith.constant 0 : i32
      %add3A_646 = arith.addi %add3A_645, %mul3A_644 : i32
      %get3A = arith.index_cast %add3A_646 : i32 to index
      %get3A_647 = tpu.vector_load %arg17[%get3A] {strides = array<i32>} : memref<2000xi32, #tpu.memory_space<vmem>>, vector<16xi32>,
      %gather3A = tpu.vector_load_idx %arg8[%get3A_647] : memref<112xf32, #tpu.memory_space<vmem>>[vector<16xi32>], vector<16xf32>,
      %get3A_648 = arith.index_cast %add3A_646 : i32 to index
      %get3A_649 = tpu.vector_load %arg16[%get3A_648] {strides = array<i32>} : memref<2000xf32, #tpu.memory_space<vmem>>, vector<16xf32>,
      %mul3A_650 = arith.mulf %get3A_649, %gather3A : vector<16xf32>
      %swap3A = arith.index_cast %add3A_646 : i32 to index
      %swap3A_651 = tpu.vector_load %arg27[%swap3A] {strides = array<i32>} : memref<2000xf32, #tpu.memory_space<vmem>>, vector<16xf32>,
      tpu.vector_store %arg27[%swap3A], %mul3A_650 {strides = array<i32>} : memref<2000xf32, #tpu.memory_space<vmem>>, vector<16xf32>,
      %get3A_652 = arith.index_cast %add3A_646 : i32 to index
      %get3A_653 = tpu.vector_load %arg18[%get3A_652] {strides = array<i32>} : memref<2000xi32, #tpu.memory_space<vmem>>, vector<16xi32>,
      %swap3A_654 = arith.index_cast %add3A_646 : i32 to index
      %swap3A_655 = tpu.vector_load %arg28[%swap3A_654] {strides = array<i32>} : memref<2000xi32, #tpu.memory_space<vmem>>, vector<16xi32>,
      tpu.vector_store %arg28[%swap3A_654], %get3A_653 {strides = array<i32>} : memref<2000xi32, #tpu.memory_space<vmem>>, vector<16xi32>,
    }
    %scan3A_483 = arith.constant 125 : i32
    %dma_start3A_484 = arith.constant 0 : i32
    %dma_start3A_485 = tpu.memref_slice %arg34[%dma_start3A_484] : memref<102400xf32, #tpu.memory_space<vmem_shared>> -> memref<102400xf32, #tpu.memory_space<vmem_shared>>
    tpu.enqueue_indirect_dma source(%arg27 : memref<2000xf32, #tpu.memory_space<vmem>>) target(%dma_start3A_485 : memref<102400xf32, #tpu.memory_space<vmem_shared>>) offsets(%arg28 : memref<2000xi32, #tpu.memory_space<vmem>>) semaphore(%arg41 : memref<!tpu.dma_semaphore, #tpu.memory_space<semaphore_mem>>) {add = true}
    %add3A_486 = arith.constant 44000 : i32
    %add3A_487 = arith.addi %mul3A_2, %add3A_486 : i32
    %dma_start3A_488 = tpu.memref_slice %arg2[%add3A_487] : memref<1600000xf32, #tpu.memory_space<hbm>> -> memref<2000xf32, #tpu.memory_space<hbm>>
    %dma_start3A_489 = tpu.memref_slice %arg2[%add3A_487] : memref<1600000xf32, #tpu.memory_space<hbm>> -> memref<2000xf32, #tpu.memory_space<hbm>>
    tpu.enqueue_dma source(%dma_start3A_489 : memref<2000xf32, #tpu.memory_space<hbm>>) target(%arg16 : memref<2000xf32, #tpu.memory_space<vmem>>) target_semaphore(%arg37 : memref<!tpu.dma_semaphore, #tpu.memory_space<semaphore_mem>>)
    %dma_start3A_490 = tpu.memref_slice %arg3[%add3A_487] : memref<1600000xi32, #tpu.memory_space<hbm>> -> memref<2000xi32, #tpu.memory_space<hbm>>
    %dma_start3A_491 = tpu.memref_slice %arg3[%add3A_487] : memref<1600000xi32, #tpu.memory_space<hbm>> -> memref<2000xi32, #tpu.memory_space<hbm>>
    tpu.enqueue_dma source(%dma_start3A_491 : memref<2000xi32, #tpu.memory_space<hbm>>) target(%arg17 : memref<2000xi32, #tpu.memory_space<vmem>>) target_semaphore(%arg37 : memref<!tpu.dma_semaphore, #tpu.memory_space<semaphore_mem>>)
    %dma_start3A_492 = tpu.memref_slice %arg4[%add3A_487] : memref<1600000xi32, #tpu.memory_space<hbm>> -> memref<2000xi32, #tpu.memory_space<hbm>>
    %dma_start3A_493 = tpu.memref_slice %arg4[%add3A_487] : memref<1600000xi32, #tpu.memory_space<hbm>> -> memref<2000xi32, #tpu.memory_space<hbm>>
    tpu.enqueue_dma source(%dma_start3A_493 : memref<2000xi32, #tpu.memory_space<hbm>>) target(%arg18 : memref<2000xi32, #tpu.memory_space<vmem>>) target_semaphore(%arg37 : memref<!tpu.dma_semaphore, #tpu.memory_space<semaphore_mem>>)
    %add3A_494 = arith.constant 36000 : i32
    %add3A_495 = arith.addi %mul3A_2, %add3A_494 : i32
    %dma_wait3A_496 = tpu.memref_slice %arg2[%add3A_495] : memref<1600000xf32, #tpu.memory_space<hbm>> -> memref<2000xf32, #tpu.memory_space<hbm>>
    %dma_wait3A_497 = tpu.memref_slice %arg2[%add3A_495] : memref<1600000xf32, #tpu.memory_space<hbm>> -> memref<2000xf32, #tpu.memory_space<hbm>>
    tpu.wait_dma2 semaphore(%arg38 : memref<!tpu.dma_semaphore, #tpu.memory_space<semaphore_mem>>) src(%dma_wait3A_497 : memref<2000xf32, #tpu.memory_space<hbm>>) dst(%arg19 : memref<2000xf32, #tpu.memory_space<vmem>>)
    %dma_wait3A_498 = tpu.memref_slice %arg3[%add3A_495] : memref<1600000xi32, #tpu.memory_space<hbm>> -> memref<2000xi32, #tpu.memory_space<hbm>>
    %dma_wait3A_499 = tpu.memref_slice %arg3[%add3A_495] : memref<1600000xi32, #tpu.memory_space<hbm>> -> memref<2000xi32, #tpu.memory_space<hbm>>
    tpu.wait_dma2 semaphore(%arg38 : memref<!tpu.dma_semaphore, #tpu.memory_space<semaphore_mem>>) src(%dma_wait3A_499 : memref<2000xi32, #tpu.memory_space<hbm>>) dst(%arg20 : memref<2000xi32, #tpu.memory_space<vmem>>)
    %dma_wait3A_500 = tpu.memref_slice %arg4[%add3A_495] : memref<1600000xi32, #tpu.memory_space<hbm>> -> memref<2000xi32, #tpu.memory_space<hbm>>
    %dma_wait3A_501 = tpu.memref_slice %arg4[%add3A_495] : memref<1600000xi32, #tpu.memory_space<hbm>> -> memref<2000xi32, #tpu.memory_space<hbm>>
    tpu.wait_dma2 semaphore(%arg38 : memref<!tpu.dma_semaphore, #tpu.memory_space<semaphore_mem>>) src(%dma_wait3A_501 : memref<2000xi32, #tpu.memory_space<hbm>>) dst(%arg21 : memref<2000xi32, #tpu.memory_space<vmem>>)
    %dma_wait3A_502 = arith.constant 0 : i32
    %dma_wait3A_503 = tpu.memref_slice %arg34[%dma_wait3A_502] : memref<102400xf32, #tpu.memory_space<vmem_shared>> -> memref<102400xf32, #tpu.memory_space<vmem_shared>>
    tpu.wait_indirect_dma semaphore(%arg42 : memref<!tpu.dma_semaphore, #tpu.memory_space<semaphore_mem>>) src(%arg29 : memref<2000xf32, #tpu.memory_space<vmem>>) dst(%dma_wait3A_503 : memref<102400xf32, #tpu.memory_space<vmem_shared>>)
    %scan3A_504 = arith.constant 0 : i32
    %scan3A_505 = arith.constant 125 : i32
    %scan3A_506 = arith.addi %scan3A_504, %scan3A_505 : i32
    %scan3A_507 = arith.constant 1 : i32
    scf.for %scan3A_642 = %scan3A_504 to %scan3A_506 step %scan3A_507  : i32 {
      %mul3A_643 = arith.constant 16 : i32
      %mul3A_644 = arith.muli %scan3A_642, %mul3A_643 : i32
      %add3A_645 = arith.constant 0 : i32
      %add3A_646 = arith.addi %add3A_645, %mul3A_644 : i32
      %get3A = arith.index_cast %add3A_646 : i32 to index
      %get3A_647 = tpu.vector_load %arg20[%get3A] {strides = array<i32>} : memref<2000xi32, #tpu.memory_space<vmem>>, vector<16xi32>,
      %gather3A = tpu.vector_load_idx %arg8[%get3A_647] : memref<112xf32, #tpu.memory_space<vmem>>[vector<16xi32>], vector<16xf32>,
      %get3A_648 = arith.index_cast %add3A_646 : i32 to index
      %get3A_649 = tpu.vector_load %arg19[%get3A_648] {strides = array<i32>} : memref<2000xf32, #tpu.memory_space<vmem>>, vector<16xf32>,
      %mul3A_650 = arith.mulf %get3A_649, %gather3A : vector<16xf32>
      %swap3A = arith.index_cast %add3A_646 : i32 to index
      %swap3A_651 = tpu.vector_load %arg29[%swap3A] {strides = array<i32>} : memref<2000xf32, #tpu.memory_space<vmem>>, vector<16xf32>,
      tpu.vector_store %arg29[%swap3A], %mul3A_650 {strides = array<i32>} : memref<2000xf32, #tpu.memory_space<vmem>>, vector<16xf32>,
      %get3A_652 = arith.index_cast %add3A_646 : i32 to index
      %get3A_653 = tpu.vector_load %arg21[%get3A_652] {strides = array<i32>} : memref<2000xi32, #tpu.memory_space<vmem>>, vector<16xi32>,
      %swap3A_654 = arith.index_cast %add3A_646 : i32 to index
      %swap3A_655 = tpu.vector_load %arg30[%swap3A_654] {strides = array<i32>} : memref<2000xi32, #tpu.memory_space<vmem>>, vector<16xi32>,
      tpu.vector_store %arg30[%swap3A_654], %get3A_653 {strides = array<i32>} : memref<2000xi32, #tpu.memory_space<vmem>>, vector<16xi32>,
    }
    %scan3A_508 = arith.constant 125 : i32
    %dma_start3A_509 = arith.constant 0 : i32
    %dma_start3A_510 = tpu.memref_slice %arg34[%dma_start3A_509] : memref<102400xf32, #tpu.memory_space<vmem_shared>> -> memref<102400xf32, #tpu.memory_space<vmem_shared>>
    tpu.enqueue_indirect_dma source(%arg29 : memref<2000xf32, #tpu.memory_space<vmem>>) target(%dma_start3A_510 : memref<102400xf32, #tpu.memory_space<vmem_shared>>) offsets(%arg30 : memref<2000xi32, #tpu.memory_space<vmem>>) semaphore(%arg42 : memref<!tpu.dma_semaphore, #tpu.memory_space<semaphore_mem>>) {add = true}
    %add3A_511 = arith.constant 46000 : i32
    %add3A_512 = arith.addi %mul3A_2, %add3A_511 : i32
    %dma_start3A_513 = tpu.memref_slice %arg2[%add3A_512] : memref<1600000xf32, #tpu.memory_space<hbm>> -> memref<2000xf32, #tpu.memory_space<hbm>>
    %dma_start3A_514 = tpu.memref_slice %arg2[%add3A_512] : memref<1600000xf32, #tpu.memory_space<hbm>> -> memref<2000xf32, #tpu.memory_space<hbm>>
    tpu.enqueue_dma source(%dma_start3A_514 : memref<2000xf32, #tpu.memory_space<hbm>>) target(%arg19 : memref<2000xf32, #tpu.memory_space<vmem>>) target_semaphore(%arg38 : memref<!tpu.dma_semaphore, #tpu.memory_space<semaphore_mem>>)
    %dma_start3A_515 = tpu.memref_slice %arg3[%add3A_512] : memref<1600000xi32, #tpu.memory_space<hbm>> -> memref<2000xi32, #tpu.memory_space<hbm>>
    %dma_start3A_516 = tpu.memref_slice %arg3[%add3A_512] : memref<1600000xi32, #tpu.memory_space<hbm>> -> memref<2000xi32, #tpu.memory_space<hbm>>
    tpu.enqueue_dma source(%dma_start3A_516 : memref<2000xi32, #tpu.memory_space<hbm>>) target(%arg20 : memref<2000xi32, #tpu.memory_space<vmem>>) target_semaphore(%arg38 : memref<!tpu.dma_semaphore, #tpu.memory_space<semaphore_mem>>)
    %dma_start3A_517 = tpu.memref_slice %arg4[%add3A_512] : memref<1600000xi32, #tpu.memory_space<hbm>> -> memref<2000xi32, #tpu.memory_space<hbm>>
    %dma_start3A_518 = tpu.memref_slice %arg4[%add3A_512] : memref<1600000xi32, #tpu.memory_space<hbm>> -> memref<2000xi32, #tpu.memory_space<hbm>>
    tpu.enqueue_dma source(%dma_start3A_518 : memref<2000xi32, #tpu.memory_space<hbm>>) target(%arg21 : memref<2000xi32, #tpu.memory_space<vmem>>) target_semaphore(%arg38 : memref<!tpu.dma_semaphore, #tpu.memory_space<semaphore_mem>>)
    %add3A_519 = arith.constant 38000 : i32
    %add3A_520 = arith.addi %mul3A_2, %add3A_519 : i32
    %dma_wait3A_521 = tpu.memref_slice %arg2[%add3A_520] : memref<1600000xf32, #tpu.memory_space<hbm>> -> memref<2000xf32, #tpu.memory_space<hbm>>
    %dma_wait3A_522 = tpu.memref_slice %arg2[%add3A_520] : memref<1600000xf32, #tpu.memory_space<hbm>> -> memref<2000xf32, #tpu.memory_space<hbm>>
    tpu.wait_dma2 semaphore(%arg39 : memref<!tpu.dma_semaphore, #tpu.memory_space<semaphore_mem>>) src(%dma_wait3A_522 : memref<2000xf32, #tpu.memory_space<hbm>>) dst(%arg22 : memref<2000xf32, #tpu.memory_space<vmem>>)
    %dma_wait3A_523 = tpu.memref_slice %arg3[%add3A_520] : memref<1600000xi32, #tpu.memory_space<hbm>> -> memref<2000xi32, #tpu.memory_space<hbm>>
    %dma_wait3A_524 = tpu.memref_slice %arg3[%add3A_520] : memref<1600000xi32, #tpu.memory_space<hbm>> -> memref<2000xi32, #tpu.memory_space<hbm>>
    tpu.wait_dma2 semaphore(%arg39 : memref<!tpu.dma_semaphore, #tpu.memory_space<semaphore_mem>>) src(%dma_wait3A_524 : memref<2000xi32, #tpu.memory_space<hbm>>) dst(%arg23 : memref<2000xi32, #tpu.memory_space<vmem>>)
    %dma_wait3A_525 = tpu.memref_slice %arg4[%add3A_520] : memref<1600000xi32, #tpu.memory_space<hbm>> -> memref<2000xi32, #tpu.memory_space<hbm>>
    %dma_wait3A_526 = tpu.memref_slice %arg4[%add3A_520] : memref<1600000xi32, #tpu.memory_space<hbm>> -> memref<2000xi32, #tpu.memory_space<hbm>>
    tpu.wait_dma2 semaphore(%arg39 : memref<!tpu.dma_semaphore, #tpu.memory_space<semaphore_mem>>) src(%dma_wait3A_526 : memref<2000xi32, #tpu.memory_space<hbm>>) dst(%arg24 : memref<2000xi32, #tpu.memory_space<vmem>>)
    %dma_wait3A_527 = arith.constant 0 : i32
    %dma_wait3A_528 = tpu.memref_slice %arg34[%dma_wait3A_527] : memref<102400xf32, #tpu.memory_space<vmem_shared>> -> memref<102400xf32, #tpu.memory_space<vmem_shared>>
    tpu.wait_indirect_dma semaphore(%arg43 : memref<!tpu.dma_semaphore, #tpu.memory_space<semaphore_mem>>) src(%arg31 : memref<2000xf32, #tpu.memory_space<vmem>>) dst(%dma_wait3A_528 : memref<102400xf32, #tpu.memory_space<vmem_shared>>)
    %scan3A_529 = arith.constant 0 : i32
    %scan3A_530 = arith.constant 125 : i32
    %scan3A_531 = arith.addi %scan3A_529, %scan3A_530 : i32
    %scan3A_532 = arith.constant 1 : i32
    scf.for %scan3A_642 = %scan3A_529 to %scan3A_531 step %scan3A_532  : i32 {
      %mul3A_643 = arith.constant 16 : i32
      %mul3A_644 = arith.muli %scan3A_642, %mul3A_643 : i32
      %add3A_645 = arith.constant 0 : i32
      %add3A_646 = arith.addi %add3A_645, %mul3A_644 : i32
      %get3A = arith.index_cast %add3A_646 : i32 to index
      %get3A_647 = tpu.vector_load %arg23[%get3A] {strides = array<i32>} : memref<2000xi32, #tpu.memory_space<vmem>>, vector<16xi32>,
      %gather3A = tpu.vector_load_idx %arg8[%get3A_647] : memref<112xf32, #tpu.memory_space<vmem>>[vector<16xi32>], vector<16xf32>,
      %get3A_648 = arith.index_cast %add3A_646 : i32 to index
      %get3A_649 = tpu.vector_load %arg22[%get3A_648] {strides = array<i32>} : memref<2000xf32, #tpu.memory_space<vmem>>, vector<16xf32>,
      %mul3A_650 = arith.mulf %get3A_649, %gather3A : vector<16xf32>
      %swap3A = arith.index_cast %add3A_646 : i32 to index
      %swap3A_651 = tpu.vector_load %arg31[%swap3A] {strides = array<i32>} : memref<2000xf32, #tpu.memory_space<vmem>>, vector<16xf32>,
      tpu.vector_store %arg31[%swap3A], %mul3A_650 {strides = array<i32>} : memref<2000xf32, #tpu.memory_space<vmem>>, vector<16xf32>,
      %get3A_652 = arith.index_cast %add3A_646 : i32 to index
      %get3A_653 = tpu.vector_load %arg24[%get3A_652] {strides = array<i32>} : memref<2000xi32, #tpu.memory_space<vmem>>, vector<16xi32>,
      %swap3A_654 = arith.index_cast %add3A_646 : i32 to index
      %swap3A_655 = tpu.vector_load %arg32[%swap3A_654] {strides = array<i32>} : memref<2000xi32, #tpu.memory_space<vmem>>, vector<16xi32>,
      tpu.vector_store %arg32[%swap3A_654], %get3A_653 {strides = array<i32>} : memref<2000xi32, #tpu.memory_space<vmem>>, vector<16xi32>,
    }
    %scan3A_533 = arith.constant 125 : i32
    %dma_start3A_534 = arith.constant 0 : i32
    %dma_start3A_535 = tpu.memref_slice %arg34[%dma_start3A_534] : memref<102400xf32, #tpu.memory_space<vmem_shared>> -> memref<102400xf32, #tpu.memory_space<vmem_shared>>
    tpu.enqueue_indirect_dma source(%arg31 : memref<2000xf32, #tpu.memory_space<vmem>>) target(%dma_start3A_535 : memref<102400xf32, #tpu.memory_space<vmem_shared>>) offsets(%arg32 : memref<2000xi32, #tpu.memory_space<vmem>>) semaphore(%arg43 : memref<!tpu.dma_semaphore, #tpu.memory_space<semaphore_mem>>) {add = true}
    %add3A_536 = arith.constant 48000 : i32
    %add3A_537 = arith.addi %mul3A_2, %add3A_536 : i32
    %dma_start3A_538 = tpu.memref_slice %arg2[%add3A_537] : memref<1600000xf32, #tpu.memory_space<hbm>> -> memref<2000xf32, #tpu.memory_space<hbm>>
    %dma_start3A_539 = tpu.memref_slice %arg2[%add3A_537] : memref<1600000xf32, #tpu.memory_space<hbm>> -> memref<2000xf32, #tpu.memory_space<hbm>>
    tpu.enqueue_dma source(%dma_start3A_539 : memref<2000xf32, #tpu.memory_space<hbm>>) target(%arg22 : memref<2000xf32, #tpu.memory_space<vmem>>) target_semaphore(%arg39 : memref<!tpu.dma_semaphore, #tpu.memory_space<semaphore_mem>>)
    %dma_start3A_540 = tpu.memref_slice %arg3[%add3A_537] : memref<1600000xi32, #tpu.memory_space<hbm>> -> memref<2000xi32, #tpu.memory_space<hbm>>
    %dma_start3A_541 = tpu.memref_slice %arg3[%add3A_537] : memref<1600000xi32, #tpu.memory_space<hbm>> -> memref<2000xi32, #tpu.memory_space<hbm>>
    tpu.enqueue_dma source(%dma_start3A_541 : memref<2000xi32, #tpu.memory_space<hbm>>) target(%arg23 : memref<2000xi32, #tpu.memory_space<vmem>>) target_semaphore(%arg39 : memref<!tpu.dma_semaphore, #tpu.memory_space<semaphore_mem>>)
    %dma_start3A_542 = tpu.memref_slice %arg4[%add3A_537] : memref<1600000xi32, #tpu.memory_space<hbm>> -> memref<2000xi32, #tpu.memory_space<hbm>>
    %dma_start3A_543 = tpu.memref_slice %arg4[%add3A_537] : memref<1600000xi32, #tpu.memory_space<hbm>> -> memref<2000xi32, #tpu.memory_space<hbm>>
    tpu.enqueue_dma source(%dma_start3A_543 : memref<2000xi32, #tpu.memory_space<hbm>>) target(%arg24 : memref<2000xi32, #tpu.memory_space<vmem>>) target_semaphore(%arg39 : memref<!tpu.dma_semaphore, #tpu.memory_space<semaphore_mem>>)
    %add3A_544 = arith.constant 40000 : i32
    %add3A_545 = arith.addi %mul3A_2, %add3A_544 : i32
    %dma_wait3A_546 = tpu.memref_slice %arg2[%add3A_545] : memref<1600000xf32, #tpu.memory_space<hbm>> -> memref<2000xf32, #tpu.memory_space<hbm>>
    %dma_wait3A_547 = tpu.memref_slice %arg2[%add3A_545] : memref<1600000xf32, #tpu.memory_space<hbm>> -> memref<2000xf32, #tpu.memory_space<hbm>>
    tpu.wait_dma2 semaphore(%arg35 : memref<!tpu.dma_semaphore, #tpu.memory_space<semaphore_mem>>) src(%dma_wait3A_547 : memref<2000xf32, #tpu.memory_space<hbm>>) dst(%arg10 : memref<2000xf32, #tpu.memory_space<vmem>>)
    %dma_wait3A_548 = tpu.memref_slice %arg3[%add3A_545] : memref<1600000xi32, #tpu.memory_space<hbm>> -> memref<2000xi32, #tpu.memory_space<hbm>>
    %dma_wait3A_549 = tpu.memref_slice %arg3[%add3A_545] : memref<1600000xi32, #tpu.memory_space<hbm>> -> memref<2000xi32, #tpu.memory_space<hbm>>
    tpu.wait_dma2 semaphore(%arg35 : memref<!tpu.dma_semaphore, #tpu.memory_space<semaphore_mem>>) src(%dma_wait3A_549 : memref<2000xi32, #tpu.memory_space<hbm>>) dst(%arg11 : memref<2000xi32, #tpu.memory_space<vmem>>)
    %dma_wait3A_550 = tpu.memref_slice %arg4[%add3A_545] : memref<1600000xi32, #tpu.memory_space<hbm>> -> memref<2000xi32, #tpu.memory_space<hbm>>
    %dma_wait3A_551 = tpu.memref_slice %arg4[%add3A_545] : memref<1600000xi32, #tpu.memory_space<hbm>> -> memref<2000xi32, #tpu.memory_space<hbm>>
    tpu.wait_dma2 semaphore(%arg35 : memref<!tpu.dma_semaphore, #tpu.memory_space<semaphore_mem>>) src(%dma_wait3A_551 : memref<2000xi32, #tpu.memory_space<hbm>>) dst(%arg12 : memref<2000xi32, #tpu.memory_space<vmem>>)
    %dma_wait3A_552 = arith.constant 0 : i32
    %dma_wait3A_553 = tpu.memref_slice %arg34[%dma_wait3A_552] : memref<102400xf32, #tpu.memory_space<vmem_shared>> -> memref<102400xf32, #tpu.memory_space<vmem_shared>>
    tpu.wait_indirect_dma semaphore(%arg40 : memref<!tpu.dma_semaphore, #tpu.memory_space<semaphore_mem>>) src(%arg25 : memref<2000xf32, #tpu.memory_space<vmem>>) dst(%dma_wait3A_553 : memref<102400xf32, #tpu.memory_space<vmem_shared>>)
    %scan3A_554 = arith.constant 0 : i32
    %scan3A_555 = arith.constant 125 : i32
    %scan3A_556 = arith.addi %scan3A_554, %scan3A_555 : i32
    %scan3A_557 = arith.constant 1 : i32
    scf.for %scan3A_642 = %scan3A_554 to %scan3A_556 step %scan3A_557  : i32 {
      %mul3A_643 = arith.constant 16 : i32
      %mul3A_644 = arith.muli %scan3A_642, %mul3A_643 : i32
      %add3A_645 = arith.constant 0 : i32
      %add3A_646 = arith.addi %add3A_645, %mul3A_644 : i32
      %get3A = arith.index_cast %add3A_646 : i32 to index
      %get3A_647 = tpu.vector_load %arg11[%get3A] {strides = array<i32>} : memref<2000xi32, #tpu.memory_space<vmem>>, vector<16xi32>,
      %gather3A = tpu.vector_load_idx %arg8[%get3A_647] : memref<112xf32, #tpu.memory_space<vmem>>[vector<16xi32>], vector<16xf32>,
      %get3A_648 = arith.index_cast %add3A_646 : i32 to index
      %get3A_649 = tpu.vector_load %arg10[%get3A_648] {strides = array<i32>} : memref<2000xf32, #tpu.memory_space<vmem>>, vector<16xf32>,
      %mul3A_650 = arith.mulf %get3A_649, %gather3A : vector<16xf32>
      %swap3A = arith.index_cast %add3A_646 : i32 to index
      %swap3A_651 = tpu.vector_load %arg25[%swap3A] {strides = array<i32>} : memref<2000xf32, #tpu.memory_space<vmem>>, vector<16xf32>,
      tpu.vector_store %arg25[%swap3A], %mul3A_650 {strides = array<i32>} : memref<2000xf32, #tpu.memory_space<vmem>>, vector<16xf32>,
      %get3A_652 = arith.index_cast %add3A_646 : i32 to index
      %get3A_653 = tpu.vector_load %arg12[%get3A_652] {strides = array<i32>} : memref<2000xi32, #tpu.memory_space<vmem>>, vector<16xi32>,
      %swap3A_654 = arith.index_cast %add3A_646 : i32 to index
      %swap3A_655 = tpu.vector_load %arg26[%swap3A_654] {strides = array<i32>} : memref<2000xi32, #tpu.memory_space<vmem>>, vector<16xi32>,
      tpu.vector_store %arg26[%swap3A_654], %get3A_653 {strides = array<i32>} : memref<2000xi32, #tpu.memory_space<vmem>>, vector<16xi32>,
    }
    %scan3A_558 = arith.constant 125 : i32
    %dma_start3A_559 = arith.constant 0 : i32
    %dma_start3A_560 = tpu.memref_slice %arg34[%dma_start3A_559] : memref<102400xf32, #tpu.memory_space<vmem_shared>> -> memref<102400xf32, #tpu.memory_space<vmem_shared>>
    tpu.enqueue_indirect_dma source(%arg25 : memref<2000xf32, #tpu.memory_space<vmem>>) target(%dma_start3A_560 : memref<102400xf32, #tpu.memory_space<vmem_shared>>) offsets(%arg26 : memref<2000xi32, #tpu.memory_space<vmem>>) semaphore(%arg40 : memref<!tpu.dma_semaphore, #tpu.memory_space<semaphore_mem>>) {add = true}
    %add3A_561 = arith.constant 42000 : i32
    %add3A_562 = arith.addi %mul3A_2, %add3A_561 : i32
    %dma_wait3A_563 = tpu.memref_slice %arg2[%add3A_562] : memref<1600000xf32, #tpu.memory_space<hbm>> -> memref<2000xf32, #tpu.memory_space<hbm>>
    %dma_wait3A_564 = tpu.memref_slice %arg2[%add3A_562] : memref<1600000xf32, #tpu.memory_space<hbm>> -> memref<2000xf32, #tpu.memory_space<hbm>>
    tpu.wait_dma2 semaphore(%arg36 : memref<!tpu.dma_semaphore, #tpu.memory_space<semaphore_mem>>) src(%dma_wait3A_564 : memref<2000xf32, #tpu.memory_space<hbm>>) dst(%arg13 : memref<2000xf32, #tpu.memory_space<vmem>>)
    %dma_wait3A_565 = tpu.memref_slice %arg3[%add3A_562] : memref<1600000xi32, #tpu.memory_space<hbm>> -> memref<2000xi32, #tpu.memory_space<hbm>>
    %dma_wait3A_566 = tpu.memref_slice %arg3[%add3A_562] : memref<1600000xi32, #tpu.memory_space<hbm>> -> memref<2000xi32, #tpu.memory_space<hbm>>
    tpu.wait_dma2 semaphore(%arg36 : memref<!tpu.dma_semaphore, #tpu.memory_space<semaphore_mem>>) src(%dma_wait3A_566 : memref<2000xi32, #tpu.memory_space<hbm>>) dst(%arg14 : memref<2000xi32, #tpu.memory_space<vmem>>)
    %dma_wait3A_567 = tpu.memref_slice %arg4[%add3A_562] : memref<1600000xi32, #tpu.memory_space<hbm>> -> memref<2000xi32, #tpu.memory_space<hbm>>
    %dma_wait3A_568 = tpu.memref_slice %arg4[%add3A_562] : memref<1600000xi32, #tpu.memory_space<hbm>> -> memref<2000xi32, #tpu.memory_space<hbm>>
    tpu.wait_dma2 semaphore(%arg36 : memref<!tpu.dma_semaphore, #tpu.memory_space<semaphore_mem>>) src(%dma_wait3A_568 : memref<2000xi32, #tpu.memory_space<hbm>>) dst(%arg15 : memref<2000xi32, #tpu.memory_space<vmem>>)
    %dma_wait3A_569 = arith.constant 0 : i32
    %dma_wait3A_570 = tpu.memref_slice %arg34[%dma_wait3A_569] : memref<102400xf32, #tpu.memory_space<vmem_shared>> -> memref<102400xf32, #tpu.memory_space<vmem_shared>>
    tpu.wait_indirect_dma semaphore(%arg41 : memref<!tpu.dma_semaphore, #tpu.memory_space<semaphore_mem>>) src(%arg27 : memref<2000xf32, #tpu.memory_space<vmem>>) dst(%dma_wait3A_570 : memref<102400xf32, #tpu.memory_space<vmem_shared>>)
    %scan3A_571 = arith.constant 0 : i32
    %scan3A_572 = arith.constant 125 : i32
    %scan3A_573 = arith.addi %scan3A_571, %scan3A_572 : i32
    %scan3A_574 = arith.constant 1 : i32
    scf.for %scan3A_642 = %scan3A_571 to %scan3A_573 step %scan3A_574  : i32 {
      %mul3A_643 = arith.constant 16 : i32
      %mul3A_644 = arith.muli %scan3A_642, %mul3A_643 : i32
      %add3A_645 = arith.constant 0 : i32
      %add3A_646 = arith.addi %add3A_645, %mul3A_644 : i32
      %get3A = arith.index_cast %add3A_646 : i32 to index
      %get3A_647 = tpu.vector_load %arg14[%get3A] {strides = array<i32>} : memref<2000xi32, #tpu.memory_space<vmem>>, vector<16xi32>,
      %gather3A = tpu.vector_load_idx %arg8[%get3A_647] : memref<112xf32, #tpu.memory_space<vmem>>[vector<16xi32>], vector<16xf32>,
      %get3A_648 = arith.index_cast %add3A_646 : i32 to index
      %get3A_649 = tpu.vector_load %arg13[%get3A_648] {strides = array<i32>} : memref<2000xf32, #tpu.memory_space<vmem>>, vector<16xf32>,
      %mul3A_650 = arith.mulf %get3A_649, %gather3A : vector<16xf32>
      %swap3A = arith.index_cast %add3A_646 : i32 to index
      %swap3A_651 = tpu.vector_load %arg27[%swap3A] {strides = array<i32>} : memref<2000xf32, #tpu.memory_space<vmem>>, vector<16xf32>,
      tpu.vector_store %arg27[%swap3A], %mul3A_650 {strides = array<i32>} : memref<2000xf32, #tpu.memory_space<vmem>>, vector<16xf32>,
      %get3A_652 = arith.index_cast %add3A_646 : i32 to index
      %get3A_653 = tpu.vector_load %arg15[%get3A_652] {strides = array<i32>} : memref<2000xi32, #tpu.memory_space<vmem>>, vector<16xi32>,
      %swap3A_654 = arith.index_cast %add3A_646 : i32 to index
      %swap3A_655 = tpu.vector_load %arg28[%swap3A_654] {strides = array<i32>} : memref<2000xi32, #tpu.memory_space<vmem>>, vector<16xi32>,
      tpu.vector_store %arg28[%swap3A_654], %get3A_653 {strides = array<i32>} : memref<2000xi32, #tpu.memory_space<vmem>>, vector<16xi32>,
    }
    %scan3A_575 = arith.constant 125 : i32
    %dma_start3A_576 = arith.constant 0 : i32
    %dma_start3A_577 = tpu.memref_slice %arg34[%dma_start3A_576] : memref<102400xf32, #tpu.memory_space<vmem_shared>> -> memref<102400xf32, #tpu.memory_space<vmem_shared>>
    tpu.enqueue_indirect_dma source(%arg27 : memref<2000xf32, #tpu.memory_space<vmem>>) target(%dma_start3A_577 : memref<102400xf32, #tpu.memory_space<vmem_shared>>) offsets(%arg28 : memref<2000xi32, #tpu.memory_space<vmem>>) semaphore(%arg41 : memref<!tpu.dma_semaphore, #tpu.memory_space<semaphore_mem>>) {add = true}
    %add3A_578 = arith.constant 44000 : i32
    %add3A_579 = arith.addi %mul3A_2, %add3A_578 : i32
    %dma_wait3A_580 = tpu.memref_slice %arg2[%add3A_579] : memref<1600000xf32, #tpu.memory_space<hbm>> -> memref<2000xf32, #tpu.memory_space<hbm>>
    %dma_wait3A_581 = tpu.memref_slice %arg2[%add3A_579] : memref<1600000xf32, #tpu.memory_space<hbm>> -> memref<2000xf32, #tpu.memory_space<hbm>>
    tpu.wait_dma2 semaphore(%arg37 : memref<!tpu.dma_semaphore, #tpu.memory_space<semaphore_mem>>) src(%dma_wait3A_581 : memref<2000xf32, #tpu.memory_space<hbm>>) dst(%arg16 : memref<2000xf32, #tpu.memory_space<vmem>>)
    %dma_wait3A_582 = tpu.memref_slice %arg3[%add3A_579] : memref<1600000xi32, #tpu.memory_space<hbm>> -> memref<2000xi32, #tpu.memory_space<hbm>>
    %dma_wait3A_583 = tpu.memref_slice %arg3[%add3A_579] : memref<1600000xi32, #tpu.memory_space<hbm>> -> memref<2000xi32, #tpu.memory_space<hbm>>
    tpu.wait_dma2 semaphore(%arg37 : memref<!tpu.dma_semaphore, #tpu.memory_space<semaphore_mem>>) src(%dma_wait3A_583 : memref<2000xi32, #tpu.memory_space<hbm>>) dst(%arg17 : memref<2000xi32, #tpu.memory_space<vmem>>)
    %dma_wait3A_584 = tpu.memref_slice %arg4[%add3A_579] : memref<1600000xi32, #tpu.memory_space<hbm>> -> memref<2000xi32, #tpu.memory_space<hbm>>
    %dma_wait3A_585 = tpu.memref_slice %arg4[%add3A_579] : memref<1600000xi32, #tpu.memory_space<hbm>> -> memref<2000xi32, #tpu.memory_space<hbm>>
    tpu.wait_dma2 semaphore(%arg37 : memref<!tpu.dma_semaphore, #tpu.memory_space<semaphore_mem>>) src(%dma_wait3A_585 : memref<2000xi32, #tpu.memory_space<hbm>>) dst(%arg18 : memref<2000xi32, #tpu.memory_space<vmem>>)
    %dma_wait3A_586 = arith.constant 0 : i32
    %dma_wait3A_587 = tpu.memref_slice %arg34[%dma_wait3A_586] : memref<102400xf32, #tpu.memory_space<vmem_shared>> -> memref<102400xf32, #tpu.memory_space<vmem_shared>>
    tpu.wait_indirect_dma semaphore(%arg42 : memref<!tpu.dma_semaphore, #tpu.memory_space<semaphore_mem>>) src(%arg29 : memref<2000xf32, #tpu.memory_space<vmem>>) dst(%dma_wait3A_587 : memref<102400xf32, #tpu.memory_space<vmem_shared>>)
    %scan3A_588 = arith.constant 0 : i32
    %scan3A_589 = arith.constant 125 : i32
    %scan3A_590 = arith.addi %scan3A_588, %scan3A_589 : i32
    %scan3A_591 = arith.constant 1 : i32
    scf.for %scan3A_642 = %scan3A_588 to %scan3A_590 step %scan3A_591  : i32 {
      %mul3A_643 = arith.constant 16 : i32
      %mul3A_644 = arith.muli %scan3A_642, %mul3A_643 : i32
      %add3A_645 = arith.constant 0 : i32
      %add3A_646 = arith.addi %add3A_645, %mul3A_644 : i32
      %get3A = arith.index_cast %add3A_646 : i32 to index
      %get3A_647 = tpu.vector_load %arg17[%get3A] {strides = array<i32>} : memref<2000xi32, #tpu.memory_space<vmem>>, vector<16xi32>,
      %gather3A = tpu.vector_load_idx %arg8[%get3A_647] : memref<112xf32, #tpu.memory_space<vmem>>[vector<16xi32>], vector<16xf32>,
      %get3A_648 = arith.index_cast %add3A_646 : i32 to index
      %get3A_649 = tpu.vector_load %arg16[%get3A_648] {strides = array<i32>} : memref<2000xf32, #tpu.memory_space<vmem>>, vector<16xf32>,
      %mul3A_650 = arith.mulf %get3A_649, %gather3A : vector<16xf32>
      %swap3A = arith.index_cast %add3A_646 : i32 to index
      %swap3A_651 = tpu.vector_load %arg29[%swap3A] {strides = array<i32>} : memref<2000xf32, #tpu.memory_space<vmem>>, vector<16xf32>,
      tpu.vector_store %arg29[%swap3A], %mul3A_650 {strides = array<i32>} : memref<2000xf32, #tpu.memory_space<vmem>>, vector<16xf32>,
      %get3A_652 = arith.index_cast %add3A_646 : i32 to index
      %get3A_653 = tpu.vector_load %arg18[%get3A_652] {strides = array<i32>} : memref<2000xi32, #tpu.memory_space<vmem>>, vector<16xi32>,
      %swap3A_654 = arith.index_cast %add3A_646 : i32 to index
      %swap3A_655 = tpu.vector_load %arg30[%swap3A_654] {strides = array<i32>} : memref<2000xi32, #tpu.memory_space<vmem>>, vector<16xi32>,
      tpu.vector_store %arg30[%swap3A_654], %get3A_653 {strides = array<i32>} : memref<2000xi32, #tpu.memory_space<vmem>>, vector<16xi32>,
    }
    %scan3A_592 = arith.constant 125 : i32
    %dma_start3A_593 = arith.constant 0 : i32
    %dma_start3A_594 = tpu.memref_slice %arg34[%dma_start3A_593] : memref<102400xf32, #tpu.memory_space<vmem_shared>> -> memref<102400xf32, #tpu.memory_space<vmem_shared>>
    tpu.enqueue_indirect_dma source(%arg29 : memref<2000xf32, #tpu.memory_space<vmem>>) target(%dma_start3A_594 : memref<102400xf32, #tpu.memory_space<vmem_shared>>) offsets(%arg30 : memref<2000xi32, #tpu.memory_space<vmem>>) semaphore(%arg42 : memref<!tpu.dma_semaphore, #tpu.memory_space<semaphore_mem>>) {add = true}
    %add3A_595 = arith.constant 46000 : i32
    %add3A_596 = arith.addi %mul3A_2, %add3A_595 : i32
    %dma_wait3A_597 = tpu.memref_slice %arg2[%add3A_596] : memref<1600000xf32, #tpu.memory_space<hbm>> -> memref<2000xf32, #tpu.memory_space<hbm>>
    %dma_wait3A_598 = tpu.memref_slice %arg2[%add3A_596] : memref<1600000xf32, #tpu.memory_space<hbm>> -> memref<2000xf32, #tpu.memory_space<hbm>>
    tpu.wait_dma2 semaphore(%arg38 : memref<!tpu.dma_semaphore, #tpu.memory_space<semaphore_mem>>) src(%dma_wait3A_598 : memref<2000xf32, #tpu.memory_space<hbm>>) dst(%arg19 : memref<2000xf32, #tpu.memory_space<vmem>>)
    %dma_wait3A_599 = tpu.memref_slice %arg3[%add3A_596] : memref<1600000xi32, #tpu.memory_space<hbm>> -> memref<2000xi32, #tpu.memory_space<hbm>>
    %dma_wait3A_600 = tpu.memref_slice %arg3[%add3A_596] : memref<1600000xi32, #tpu.memory_space<hbm>> -> memref<2000xi32, #tpu.memory_space<hbm>>
    tpu.wait_dma2 semaphore(%arg38 : memref<!tpu.dma_semaphore, #tpu.memory_space<semaphore_mem>>) src(%dma_wait3A_600 : memref<2000xi32, #tpu.memory_space<hbm>>) dst(%arg20 : memref<2000xi32, #tpu.memory_space<vmem>>)
    %dma_wait3A_601 = tpu.memref_slice %arg4[%add3A_596] : memref<1600000xi32, #tpu.memory_space<hbm>> -> memref<2000xi32, #tpu.memory_space<hbm>>
    %dma_wait3A_602 = tpu.memref_slice %arg4[%add3A_596] : memref<1600000xi32, #tpu.memory_space<hbm>> -> memref<2000xi32, #tpu.memory_space<hbm>>
    tpu.wait_dma2 semaphore(%arg38 : memref<!tpu.dma_semaphore, #tpu.memory_space<semaphore_mem>>) src(%dma_wait3A_602 : memref<2000xi32, #tpu.memory_space<hbm>>) dst(%arg21 : memref<2000xi32, #tpu.memory_space<vmem>>)
    %dma_wait3A_603 = arith.constant 0 : i32
    %dma_wait3A_604 = tpu.memref_slice %arg34[%dma_wait3A_603] : memref<102400xf32, #tpu.memory_space<vmem_shared>> -> memref<102400xf32, #tpu.memory_space<vmem_shared>>
    tpu.wait_indirect_dma semaphore(%arg43 : memref<!tpu.dma_semaphore, #tpu.memory_space<semaphore_mem>>) src(%arg31 : memref<2000xf32, #tpu.memory_space<vmem>>) dst(%dma_wait3A_604 : memref<102400xf32, #tpu.memory_space<vmem_shared>>)
    %scan3A_605 = arith.constant 0 : i32
    %scan3A_606 = arith.constant 125 : i32
    %scan3A_607 = arith.addi %scan3A_605, %scan3A_606 : i32
    %scan3A_608 = arith.constant 1 : i32
    scf.for %scan3A_642 = %scan3A_605 to %scan3A_607 step %scan3A_608  : i32 {
      %mul3A_643 = arith.constant 16 : i32
      %mul3A_644 = arith.muli %scan3A_642, %mul3A_643 : i32
      %add3A_645 = arith.constant 0 : i32
      %add3A_646 = arith.addi %add3A_645, %mul3A_644 : i32
      %get3A = arith.index_cast %add3A_646 : i32 to index
      %get3A_647 = tpu.vector_load %arg20[%get3A] {strides = array<i32>} : memref<2000xi32, #tpu.memory_space<vmem>>, vector<16xi32>,
      %gather3A = tpu.vector_load_idx %arg8[%get3A_647] : memref<112xf32, #tpu.memory_space<vmem>>[vector<16xi32>], vector<16xf32>,
      %get3A_648 = arith.index_cast %add3A_646 : i32 to index
      %get3A_649 = tpu.vector_load %arg19[%get3A_648] {strides = array<i32>} : memref<2000xf32, #tpu.memory_space<vmem>>, vector<16xf32>,
      %mul3A_650 = arith.mulf %get3A_649, %gather3A : vector<16xf32>
      %swap3A = arith.index_cast %add3A_646 : i32 to index
      %swap3A_651 = tpu.vector_load %arg31[%swap3A] {strides = array<i32>} : memref<2000xf32, #tpu.memory_space<vmem>>, vector<16xf32>,
      tpu.vector_store %arg31[%swap3A], %mul3A_650 {strides = array<i32>} : memref<2000xf32, #tpu.memory_space<vmem>>, vector<16xf32>,
      %get3A_652 = arith.index_cast %add3A_646 : i32 to index
      %get3A_653 = tpu.vector_load %arg21[%get3A_652] {strides = array<i32>} : memref<2000xi32, #tpu.memory_space<vmem>>, vector<16xi32>,
      %swap3A_654 = arith.index_cast %add3A_646 : i32 to index
      %swap3A_655 = tpu.vector_load %arg32[%swap3A_654] {strides = array<i32>} : memref<2000xi32, #tpu.memory_space<vmem>>, vector<16xi32>,
      tpu.vector_store %arg32[%swap3A_654], %get3A_653 {strides = array<i32>} : memref<2000xi32, #tpu.memory_space<vmem>>, vector<16xi32>,
    }
    %scan3A_609 = arith.constant 125 : i32
    %dma_start3A_610 = arith.constant 0 : i32
    %dma_start3A_611 = tpu.memref_slice %arg34[%dma_start3A_610] : memref<102400xf32, #tpu.memory_space<vmem_shared>> -> memref<102400xf32, #tpu.memory_space<vmem_shared>>
    tpu.enqueue_indirect_dma source(%arg31 : memref<2000xf32, #tpu.memory_space<vmem>>) target(%dma_start3A_611 : memref<102400xf32, #tpu.memory_space<vmem_shared>>) offsets(%arg32 : memref<2000xi32, #tpu.memory_space<vmem>>) semaphore(%arg43 : memref<!tpu.dma_semaphore, #tpu.memory_space<semaphore_mem>>) {add = true}
    %add3A_612 = arith.constant 48000 : i32
    %add3A_613 = arith.addi %mul3A_2, %add3A_612 : i32
    %dma_wait3A_614 = tpu.memref_slice %arg2[%add3A_613] : memref<1600000xf32, #tpu.memory_space<hbm>> -> memref<2000xf32, #tpu.memory_space<hbm>>
    %dma_wait3A_615 = tpu.memref_slice %arg2[%add3A_613] : memref<1600000xf32, #tpu.memory_space<hbm>> -> memref<2000xf32, #tpu.memory_space<hbm>>
    tpu.wait_dma2 semaphore(%arg39 : memref<!tpu.dma_semaphore, #tpu.memory_space<semaphore_mem>>) src(%dma_wait3A_615 : memref<2000xf32, #tpu.memory_space<hbm>>) dst(%arg22 : memref<2000xf32, #tpu.memory_space<vmem>>)
    %dma_wait3A_616 = tpu.memref_slice %arg3[%add3A_613] : memref<1600000xi32, #tpu.memory_space<hbm>> -> memref<2000xi32, #tpu.memory_space<hbm>>
    %dma_wait3A_617 = tpu.memref_slice %arg3[%add3A_613] : memref<1600000xi32, #tpu.memory_space<hbm>> -> memref<2000xi32, #tpu.memory_space<hbm>>
    tpu.wait_dma2 semaphore(%arg39 : memref<!tpu.dma_semaphore, #tpu.memory_space<semaphore_mem>>) src(%dma_wait3A_617 : memref<2000xi32, #tpu.memory_space<hbm>>) dst(%arg23 : memref<2000xi32, #tpu.memory_space<vmem>>)
    %dma_wait3A_618 = tpu.memref_slice %arg4[%add3A_613] : memref<1600000xi32, #tpu.memory_space<hbm>> -> memref<2000xi32, #tpu.memory_space<hbm>>
    %dma_wait3A_619 = tpu.memref_slice %arg4[%add3A_613] : memref<1600000xi32, #tpu.memory_space<hbm>> -> memref<2000xi32, #tpu.memory_space<hbm>>
    tpu.wait_dma2 semaphore(%arg39 : memref<!tpu.dma_semaphore, #tpu.memory_space<semaphore_mem>>) src(%dma_wait3A_619 : memref<2000xi32, #tpu.memory_space<hbm>>) dst(%arg24 : memref<2000xi32, #tpu.memory_space<vmem>>)
    %dma_wait3A_620 = arith.constant 0 : i32
    %dma_wait3A_621 = tpu.memref_slice %arg34[%dma_wait3A_620] : memref<102400xf32, #tpu.memory_space<vmem_shared>> -> memref<102400xf32, #tpu.memory_space<vmem_shared>>
    tpu.wait_indirect_dma semaphore(%arg40 : memref<!tpu.dma_semaphore, #tpu.memory_space<semaphore_mem>>) src(%arg25 : memref<2000xf32, #tpu.memory_space<vmem>>) dst(%dma_wait3A_621 : memref<102400xf32, #tpu.memory_space<vmem_shared>>)
    %scan3A_622 = arith.constant 0 : i32
    %scan3A_623 = arith.constant 125 : i32
    %scan3A_624 = arith.addi %scan3A_622, %scan3A_623 : i32
    %scan3A_625 = arith.constant 1 : i32
    scf.for %scan3A_642 = %scan3A_622 to %scan3A_624 step %scan3A_625  : i32 {
      %mul3A_643 = arith.constant 16 : i32
      %mul3A_644 = arith.muli %scan3A_642, %mul3A_643 : i32
      %add3A_645 = arith.constant 0 : i32
      %add3A_646 = arith.addi %add3A_645, %mul3A_644 : i32
      %get3A = arith.index_cast %add3A_646 : i32 to index
      %get3A_647 = tpu.vector_load %arg23[%get3A] {strides = array<i32>} : memref<2000xi32, #tpu.memory_space<vmem>>, vector<16xi32>,
      %gather3A = tpu.vector_load_idx %arg8[%get3A_647] : memref<112xf32, #tpu.memory_space<vmem>>[vector<16xi32>], vector<16xf32>,
      %get3A_648 = arith.index_cast %add3A_646 : i32 to index
      %get3A_649 = tpu.vector_load %arg22[%get3A_648] {strides = array<i32>} : memref<2000xf32, #tpu.memory_space<vmem>>, vector<16xf32>,
      %mul3A_650 = arith.mulf %get3A_649, %gather3A : vector<16xf32>
      %swap3A = arith.index_cast %add3A_646 : i32 to index
      %swap3A_651 = tpu.vector_load %arg25[%swap3A] {strides = array<i32>} : memref<2000xf32, #tpu.memory_space<vmem>>, vector<16xf32>,
      tpu.vector_store %arg25[%swap3A], %mul3A_650 {strides = array<i32>} : memref<2000xf32, #tpu.memory_space<vmem>>, vector<16xf32>,
      %get3A_652 = arith.index_cast %add3A_646 : i32 to index
      %get3A_653 = tpu.vector_load %arg24[%get3A_652] {strides = array<i32>} : memref<2000xi32, #tpu.memory_space<vmem>>, vector<16xi32>,
      %swap3A_654 = arith.index_cast %add3A_646 : i32 to index
      %swap3A_655 = tpu.vector_load %arg26[%swap3A_654] {strides = array<i32>} : memref<2000xi32, #tpu.memory_space<vmem>>, vector<16xi32>,
      tpu.vector_store %arg26[%swap3A_654], %get3A_653 {strides = array<i32>} : memref<2000xi32, #tpu.memory_space<vmem>>, vector<16xi32>,
    }
    %scan3A_626 = arith.constant 125 : i32
    %dma_start3A_627 = arith.constant 0 : i32
    %dma_start3A_628 = tpu.memref_slice %arg34[%dma_start3A_627] : memref<102400xf32, #tpu.memory_space<vmem_shared>> -> memref<102400xf32, #tpu.memory_space<vmem_shared>>
    tpu.enqueue_indirect_dma source(%arg25 : memref<2000xf32, #tpu.memory_space<vmem>>) target(%dma_start3A_628 : memref<102400xf32, #tpu.memory_space<vmem_shared>>) offsets(%arg26 : memref<2000xi32, #tpu.memory_space<vmem>>) semaphore(%arg40 : memref<!tpu.dma_semaphore, #tpu.memory_space<semaphore_mem>>) {add = true}
    %dma_wait3A_629 = arith.constant 0 : i32
    %dma_wait3A_630 = tpu.memref_slice %arg34[%dma_wait3A_629] : memref<102400xf32, #tpu.memory_space<vmem_shared>> -> memref<102400xf32, #tpu.memory_space<vmem_shared>>
    tpu.wait_indirect_dma semaphore(%arg40 : memref<!tpu.dma_semaphore, #tpu.memory_space<semaphore_mem>>) src(%arg25 : memref<2000xf32, #tpu.memory_space<vmem>>) dst(%dma_wait3A_630 : memref<102400xf32, #tpu.memory_space<vmem_shared>>)
    %dma_wait3A_631 = arith.constant 0 : i32
    %dma_wait3A_632 = tpu.memref_slice %arg34[%dma_wait3A_631] : memref<102400xf32, #tpu.memory_space<vmem_shared>> -> memref<102400xf32, #tpu.memory_space<vmem_shared>>
    tpu.wait_indirect_dma semaphore(%arg41 : memref<!tpu.dma_semaphore, #tpu.memory_space<semaphore_mem>>) src(%arg27 : memref<2000xf32, #tpu.memory_space<vmem>>) dst(%dma_wait3A_632 : memref<102400xf32, #tpu.memory_space<vmem_shared>>)
    %dma_wait3A_633 = arith.constant 0 : i32
    %dma_wait3A_634 = tpu.memref_slice %arg34[%dma_wait3A_633] : memref<102400xf32, #tpu.memory_space<vmem_shared>> -> memref<102400xf32, #tpu.memory_space<vmem_shared>>
    tpu.wait_indirect_dma semaphore(%arg42 : memref<!tpu.dma_semaphore, #tpu.memory_space<semaphore_mem>>) src(%arg29 : memref<2000xf32, #tpu.memory_space<vmem>>) dst(%dma_wait3A_634 : memref<102400xf32, #tpu.memory_space<vmem_shared>>)
    %dma_wait3A_635 = arith.constant 0 : i32
    %dma_wait3A_636 = tpu.memref_slice %arg34[%dma_wait3A_635] : memref<102400xf32, #tpu.memory_space<vmem_shared>> -> memref<102400xf32, #tpu.memory_space<vmem_shared>>
    tpu.wait_indirect_dma semaphore(%arg43 : memref<!tpu.dma_semaphore, #tpu.memory_space<semaphore_mem>>) src(%arg31 : memref<2000xf32, #tpu.memory_space<vmem>>) dst(%dma_wait3A_636 : memref<102400xf32, #tpu.memory_space<vmem_shared>>)
    %barrier3A_637 = arith.constant 0 : index
    tpu.barrier barrier_id(%barrier3A_637)
    %mul3A_638 = arith.constant 6400 : i32
    %mul3A_639 = arith.muli %arg1, %mul3A_638 : i32
    %mul3A_640 = arith.constant 6400 : i32
    %mul3A_641 = arith.muli %arg1, %mul3A_640 : i32
    "tpu.region"() ({
      %run_scoped3A = tpu.sem_alloc : memref<!tpu.dma_semaphore, #tpu.memory_space<semaphore_mem>>
      %dma_start3A_642 = tpu.memref_slice %arg7[%arg0, %mul3A_641] : memref<2x102400xf32, #tpu.memory_space<hbm>> -> memref<1x6400xf32, #tpu.memory_space<hbm>>
      %dma_start3A_643 = tpu.memref_squeeze %dma_start3A_642 : memref<1x6400xf32, #tpu.memory_space<hbm>> -> memref<6400xf32, #tpu.memory_space<hbm>>
      %dma_start3A_644 = tpu.memref_slice %arg34[%mul3A_639] : memref<102400xf32, #tpu.memory_space<vmem_shared>> -> memref<6400xf32, #tpu.memory_space<vmem_shared>>
      tpu.enqueue_dma source(%dma_start3A_644 : memref<6400xf32, #tpu.memory_space<vmem_shared>>) target(%dma_start3A_643 : memref<6400xf32, #tpu.memory_space<hbm>>) target_semaphore(%run_scoped3A : memref<!tpu.dma_semaphore, #tpu.memory_space<semaphore_mem>>)
      %dma_wait3A_645 = tpu.memref_slice %arg7[%arg0, %mul3A_641] : memref<2x102400xf32, #tpu.memory_space<hbm>> -> memref<1x6400xf32, #tpu.memory_space<hbm>>
      %dma_wait3A_646 = tpu.memref_squeeze %dma_wait3A_645 : memref<1x6400xf32, #tpu.memory_space<hbm>> -> memref<6400xf32, #tpu.memory_space<hbm>>
      %dma_wait3A_647 = tpu.memref_slice %arg34[%mul3A_639] : memref<102400xf32, #tpu.memory_space<vmem_shared>> -> memref<6400xf32, #tpu.memory_space<vmem_shared>>
      tpu.wait_dma2 semaphore(%run_scoped3A : memref<!tpu.dma_semaphore, #tpu.memory_space<semaphore_mem>>) src(%dma_wait3A_647 : memref<6400xf32, #tpu.memory_space<vmem_shared>>) dst(%dma_wait3A_646 : memref<6400xf32, #tpu.memory_space<hbm>>)
      tpu.yield
    }) : () -> ()
    return
  }
}

module attributes {stable_mosaic.version = 14 : i64} {
  func.func @_combine_body(%arg0: memref<2x102400xf32, #tpu.memory_space<vmem>>, %arg1: memref<100000xf32, #tpu.memory_space<vmem>>) attributes {dimension_semantics = [], scalar_prefetch = 0 : i64, scratch_operands = 0 : i64, tpu.core_type = #tpu.core_type<tc>} {
    %get3A = arith.constant 0 : index
    %get3A_0 = arith.constant 0 : index
    %get3A_1 = vector.load %arg0[%get3A, %get3A_0] : memref<2x102400xf32, #tpu.memory_space<vmem>>, vector<1x100000xf32>
    %get3A_2 = vector.shape_cast %get3A_1 : vector<1x100000xf32> to vector<100000xf32>
    %get3A_3 = arith.constant 1 : index
    %get3A_4 = arith.constant 0 : index
    %get3A_5 = vector.load %arg0[%get3A_3, %get3A_4] : memref<2x102400xf32, #tpu.memory_space<vmem>>, vector<1x100000xf32>
    %get3A_6 = vector.shape_cast %get3A_5 : vector<1x100000xf32> to vector<100000xf32>
    %add3A = arith.addf %get3A_2, %get3A_6 : vector<100000xf32>
    %swap3A = arith.constant 0 : index
    %swap3A_7 = vector.load %arg1[%swap3A] : memref<100000xf32, #tpu.memory_space<vmem>>, vector<100000xf32>
    tpu.vector_store %arg1[%swap3A], %add3A {strides = array<i32>} : memref<100000xf32, #tpu.memory_space<vmem>>, vector<100000xf32>,
    return
  }
}

</mosaic_0001>

<sc_bundles>
// kernel: _impl.4.cloned.1.call-start
scs
__scs_entry_jumppad:
0x0: {  	(pc) =	sbr.rel $0x88, $3  }
0x1: {  	(tag) =	ssettag $0x0;
	lr =	simm.s32 $0x1  }
0x2: {  	[smem:$0x3F9C] =	sst lr;
	_ =	strace $0xD0000000  }
0x3: {  	_ = 	snop  }
0x4: {  	_ = 	snop  }
0x5: {  	_ = 	snop  }
0x6: {  	_ = 	snop  }
0x7: {  	_ = 	snop  }
__scs_overlays_trampoline_lowered:
0x8: {  	[smem:$0x3FAB] =	sst s0  }
0x9: {  	[smem:$0x3FAC] =	sst s1  }
0xa: {  	[smem:$0x3FAD] =	sst s2  }
0xb: {  	[smem:$0x3FAE] =	sst s3  }
0xc: {  	[smem:$0x3FAF] =	sst s4  }
0xd: {  	[smem:$0x3FB0] =	sst s5  }
0xe: {  	[smem:$0x3FB1] =	sst s6  }
0xf: {  	[smem:$0x3FB2] =	sst s7  }
0x10: {  	[smem:$0x3FB3] =	sst s8  }
0x11: {  	[smem:$0x3FB4] =	sst s9;
	s0 =	simm.s32 @!p0 $0x0  }
0x12: {  	s1 =	sld [smem:$0x3F9A];
	s0 =	simm.s32 @p0 $0x1  }
0x13: {  	[smem:$0x3FB5] =	sst s0;
	s0 =	simm.s32 @!p1 $0x0  }
0x14: {  	s2 =	sld [smem:$0x3F99];
	s0 =	simm.s32 @p1 $0x1  }
0x15: {  	[smem:$0x3FB6] =	sst s0;
	s0 =	simm.s32 @!p2 $0x0  }
0x16: {  	s3 =	sld [smem:$0x3FDB];
	s0 =	simm.s32 @p2 $0x1  }
0x17: {  	s4 =	simm.s32 $0x1BF5;
	[smem:$0x3FB8] =	sst s0  }
0x18: {  	s0 =	sld [smem:$0x3F9B];
	_ =	swait.ge [sflag:s4], $0x0  }
0x19: {  	s7 =	sld [smem:$0x3F9C]  }
0x1a: {  	s8 =	sadd.s32 $0xFFFFE003, lr  }
0x1b: {  	s9 =	sadd.s32 $0xFFFFFEF7, lr;
	s5 =	simm.s32 $0xFFFFFFFF;
	p2 =	slt.u32 s8, $0xFFFFF086  }
0x1c: {  	p1 =	slt.u32 s9, $0xF7A;
	s5 =	simm.s32 @!p2 $0x0  }
0x1d: {  	s5 =	simm.s32 @p1 $0x1;
	p0 =	seq.s32 s7, s2  }
0x1e: {  	s7 =	smul.u32 @!p0 $0xF7A, s2;
	p2 =	seq.s32 @!p0 s5, $0x0  }
0x1f: {  	s9 =	smul.u32 $0xF7A, s1;
	s8 =	simm.s32 @!p0 $0x1BF5;
	p2 =	por !p2, p0  }
0x20: {  	[sflag:s8] =	ssyncset.s32 @!p0 $0xFFFFF086;
	s6 =	sadd.s32 @!p0 s3, s7;
	s7 =	simm.s32 @!p0 $0x108  }
0x21: {  	s3 =	sadd.s32 s3, s9;
	s6 =	sadd.s32 @!p0 $0x88, s6;
	s7 =	simm.s32 @p2 $0x1082  }
0x22: {  	[simem:s7], [sflag:s8] =	dma.local @!p0 [hbm:s6], $0xF7A  }
0x23: {  	s9 =	sor.u32 $0xD0000000, s2;
	s6 =	simm.s32 $0x108;
	_ =	swait.ge @!p0 [sflag:s8], $0x0  }
0x24: {  	s3 =	sadd.s32 $0x88, s3;
	s6 =	simm.s32 @!p1 $0x1082;
	[sflag:s4] =	ssyncset.s32 $0xFFFFF086  }
0x25: {  	[simem:s6], [sflag:s4] =	dma.local [hbm:s3], $0xF7A  }
0x26: {  	[smem:$0x3F9C] =	sst s1;
	(tag) =	ssettag s2;
	_ =	strace s9  }
0x27: {  	s1 =	sld [smem:$0x3FAC]  }
0x28: {  	s2 =	sld [smem:$0x3FAD]  }
0x29: {  	s4 =	sld [smem:$0x3FAF]  }
0x2a: {  	p0 =	seq.s32 s5, $0x0;
	s5 =	sld [smem:$0x3FB0]  }
0x2b: {  	s6 =	sld [smem:$0x3FB1]  }
0x2c: {  	s7 =	sld [smem:$0x3FB2]  }
0x2d: {  	s3 =	simm.s32 $0x108;
	s8 =	sld [smem:$0x3FB3]  }
0x2e: {  	s3 =	simm.s32 @!p0 $0x1082;
	s9 =	sld [smem:$0x3FB4]  }
0x2f: {  	lr =	sadd.s32 s0, s3;
	s0 =	sld [smem:$0x3FAB]  }
0x30: {  	s3 =	sld [smem:$0x3FAE]  }
0x31: {  	[smem:$0x3FB7] =	sst s10  }
0x32: {  	s10 =	sld [smem:$0x3FB5];
	_ =	sdelay $0x3  }
0x33: {  	p0 =	seq.s32 s10, $0x1;
	s10 =	sld [smem:$0x3FB7];
	_ =	sdelay $0x3  }
0x34: {  	[smem:$0x3FB7] =	sst s10  }
0x35: {  	s10 =	sld [smem:$0x3FB6];
	_ =	sdelay $0x3  }
0x36: {  	p1 =	seq.s32 s10, $0x1;
	s10 =	sld [smem:$0x3FB7];
	_ =	sdelay $0x3  }
0x37: {  	[smem:$0x3FB7] =	sst s10  }
0x38: {  	s10 =	sld [smem:$0x3FB8]  }
0x39: {  	_ = 	snop;
	(pc) =	sbr.ind lr, $3  }
0x3a: {  	_ = 	snop  }
0x3b: {  	_ = 	snop  }
0x3c: {  	p2 =	seq.s32 s10, $0x1;
	s10 =	sld [smem:$0x3FB7]  }
0x3d: {  	_ =	shalt  }
0x3e: {  	_ =	shalt  }
0x3f: {  	_ =	shalt  }
0x40: {  	_ =	shalt  }
0x41: {  	_ =	shalt  }
0x42: {  	_ =	shalt  }
0x43: {  	_ =	shalt  }
0x44: {  	_ =	shalt  }
0x45: {  	_ =	shalt  }
0x46: {  	_ =	shalt  }
0x47: {  	_ =	shalt  }
0x48: {  	_ =	shalt  }
0x49: {  	_ =	shalt  }
0x4a: {  	_ =	shalt  }
0x4b: {  	_ =	shalt  }
0x4c: {  	_ =	shalt  }
0x4d: {  	_ =	shalt  }
0x4e: {  	_ =	shalt  }
0x4f: {  	_ =	shalt  }
0x50: {  	_ =	shalt  }
0x51: {  	_ =	shalt  }
0x52: {  	_ =	shalt  }
0x53: {  	_ =	shalt  }
0x54: {  	_ =	shalt  }
0x55: {  	_ =	shalt  }
0x56: {  	_ =	shalt  }
0x57: {  	_ =	shalt  }
0x58: {  	_ =	shalt  }
0x59: {  	_ =	shalt  }
0x5a: {  	_ =	shalt  }
0x5b: {  	_ =	shalt  }
0x5c: {  	_ =	shalt  }
0x5d: {  	_ =	shalt  }
0x5e: {  	_ =	shalt  }
0x5f: {  	_ =	shalt  }
0x60: {  	_ =	shalt  }
0x61: {  	_ =	shalt  }
0x62: {  	_ =	shalt  }
0x63: {  	_ =	shalt  }
0x64: {  	_ =	shalt  }
0x65: {  	_ =	shalt  }
0x66: {  	_ =	shalt  }
0x67: {  	_ =	shalt  }
0x68: {  	_ =	shalt  }
0x69: {  	_ =	shalt  }
0x6a: {  	_ =	shalt  }
0x6b: {  	_ =	shalt  }
0x6c: {  	_ =	shalt  }
0x6d: {  	_ =	shalt  }
0x6e: {  	_ =	shalt  }
0x6f: {  	_ =	shalt  }
0x70: {  	_ =	shalt  }
0x71: {  	_ =	shalt  }
0x72: {  	_ =	shalt  }
0x73: {  	_ =	shalt  }
0x74: {  	_ =	shalt  }
0x75: {  	_ =	shalt  }
0x76: {  	_ =	shalt  }
0x77: {  	_ =	shalt  }
0x78: {  	_ =	shalt  }
0x79: {  	_ =	shalt  }
0x7a: {  	_ =	shalt  }
0x7b: {  	_ =	shalt  }
0x7c: {  	_ =	shalt  }
0x7d: {  	_ =	shalt  }
0x7e: {  	_ =	shalt  }
0x7f: {  	_ =	shalt  }
0x80: {  	_ =	shalt  }
0x81: {  	_ =	shalt  }
0x82: {  	_ =	shalt  }
0x83: {  	_ =	shalt  }
0x84: {  	_ =	shalt  }
0x85: {  	_ =	shalt  }
0x86: {  	_ =	shalt  }
0x87: {  	_ =	shalt  }
.Lfunc_end0:
.L_simem_size_0:
called_computation_lowered:
.L_overlay_start_0:
0x88: {  	s2 =	sld [smem:$0x3FD9]  }
0x89: {  	s3 =	sld [smem:$0x3FFE];
	_ =	sdelay $0x1  }
0x8a: {  	s1 =	srdreg.scid  }
0x8b: {  	s0 =	sand.u32 $0x1, s1  }
0x8c: {  	s17 =	sshll.u32 s0, $0xA;
	s2 =	sadd.s32 s3, s2  }
0x8d: {  	s2 =	sadd.s32 s2, s17  }
0x8e: {  	[smem:$0x3FC3] =	sst s2  }
0x8f: {  	_ = 	snop  }
0x90: {  	s2 =	sld [smem:$0x3FC9]  }
0x91: {  	s18 =	sld [smem:$0x3FC8]  }
0x92: {  	s4 =	sld [smem:$0x3FC7]  }
0x93: {  	s5 =	sld [smem:$0x3FC6]  }
0x94: {  	s6 =	sld [smem:$0x3FC5];
	(tm) =	ssettm $0x1  }
0x95: {  	s7 =	sld [smem:$0x3FFB];
	_ =	sdelay $0x3  }
0x96: {  	_ =	strace s7  }
0x97: {  	s7 =	sld [smem:$0x3FFC];
	_ =	sdelay $0x3  }
0x98: {  	_ =	strace s7  }
0x99: {  	s7 =	sld [smem:$0x3FFD];
	_ =	sdelay $0x3  }
0x9a: {  	_ =	strace s7  }
0x9b: {  	_ =	strace $0x8FFFFFFF  }
0x9c: {  	s19 =	sld [smem:$0x3FDB];
	_ =	sdelay $0x1  }
0x9d: {  	s8 =	simm.s32 $_scs_section_size  }
0x9e: {  	s9 =	simm.s32 $_size__tile_overlayer_lowered;
	s10 =	simm.s32 $_tile_overlayer_lowered  }
0x9f: {  	s22 =	simm.s32 $0x1BFF;
	s21 =	sshll.u32 s10, $0x1;
	s7 =	sadd.s32 s8, s19  }
0xa0: {  	s11 =	simm.s32 $0x0;
	s20 =	sshll.u32 s9, $0x1;
	s9 =	sadd.s32 s21, s7  }
0xa1: {  	[timem:s11], [sflag:s22] =	dma.local [hbm:s9], s20  }
0xa2: {  	_ =	swait.ge [sflag:s22], s20  }
0xa3: {  	s8 =	ssub.s32 $0x0, s20;
	[sflag:s22] =	ssyncset.done $0x0  }
0xa4: {  	[sflag:s22] =	ssyncadd.s32 s8;
	_ =	sdelay $0x1  }
0xa5: {  	s23 =	simm.s32 $0x1B8B  }
0xa6: {  	_ =	swait.ge [sflag:s23], $0x1  }
0xa7: {  	[sflag:s23] =	ssyncset.done $0x0  }
0xa8: {  	s25 =	simm.s32 $0x1B8E;
	s24 =	sld [smem:$0x3FFE];
	[sflag:s23] =	ssyncadd.s32 $0xFFFFFFFF  }
0xa9: {  	s26 =	simm.s32 $execute0_lowered;
	[smem:$0x3FD2] =	sst s25  }
0xaa: {  	s9 =	sshll.u32 s26, $0x1;
	_ =	strace $0x80000046;
	[dreg:$0x1] =	wrdreg $0xFFFFFFFF  }
0xab: {  	s28 =	simm.s32 $_size_execute0_lowered;
	s7 =	sadd.s32 s7, s9;
	[dreg:$0x0] =	wrdreg $0x0  }
0xac: {  	s9 =	sshll.u32 s28, $0x1;
	[dreg:$0x2] =	wrdreg s7  }
0xad: {  	[dreg:$0x3] =	wrdreg s9  }
0xae: {  	[dreg:$0x4] =	wrdreg $0xC0  }
0xaf: {  	_ =	task [dreg:s11], $0x5FFFF  }
0xb0: {  	[dreg:$0x1] =	wrdreg $0xFFFFFFFF  }
0xb1: {  	[dreg:$0x0] =	wrdreg $0x60  }
0xb2: {  	[dreg:$0x2] =	wrdreg s2  }
0xb3: {  	[dreg:$0x3] =	wrdreg s18  }
0xb4: {  	[dreg:$0x4] =	wrdreg s4  }
0xb5: {  	[dreg:$0x5] =	wrdreg s5  }
0xb6: {  	[dreg:$0x6] =	wrdreg s6  }
0xb7: {  	[dreg:$0x7] =	wrdreg s24  }
0xb8: {  	[dreg:$0x8] =	wrdreg $0xD2000  }
0xb9: {  	[dreg:$0x9] =	wrdreg $0x9  }
0xba: {  	_ =	task.clear_ibuf [dreg:s11], $0xAFFFF;
	_ =	strace $0x90000046  }
0xbb: {  	s29 =	simm.s32 $0x9;
	_ =	strace $0x80000048  }
0xbc: {  	_ =	swait.ge [sflag:s29], $0x1  }
0xbd: {  	[sflag:s29] =	ssyncadd.s32 $0xFFFFFFFF  }
0xbe: {  	_ =	strace $0x90000048  }
0xbf: {  	_ =	sfence  }
0xc0: {  	s30 =	sld [smem:$0x0];
	_ =	sdelay $0x2  }
0xc1: {  	s31 =	sshll.u32 s1, $0xD;
	s1 =	sshrl.u32 s1, $0x2  }
0xc2: {  	s3 =	sand.u32 $0x4000, s31;
	s1 =	sadd.s32 s1, s30  }
0xc3: {  	s0 =	sor.u32 s3, s0;
	s1 =	sshll.u32 s1, $0x11  }
0xc4: {  	s0 =	sor.u32 s1, s0  }
0xc5: {  	s0 =	sadd.s32 $0x8F2B, s0  }
0xc6: {  	[sflag:s0] =	ssyncadd.remote.s32 $0x1  }
0xc7: {  	_ =	sfence.sel $0xFFFF  }
0xc8: {  	[dreg:$0x0] =	wrdreg $0xFFFFFFFF;
	(pc) =	sbr.abs _section_cstart, $3  }
0xc9: {  	[dreg:$0x1] =	wrdreg $0xFFFFFFFF  }
0xca: {  	_ =	task.clear_ibuf [dreg:s11], $0x2FFFF;
	_ =	strace $0x9FFFFFFF  }
0xcb: {  	(tm) =	ssettm $0x7FFFFFFF  }
tec
execute0_lowered:
.L_overlay_start_1:
0x0: {  	(tag) =	ssettag $0x1  }
0x1: {  	s1 =	srdreg.scid  }
0x2: {  	s4 =	sand.u32 $0x1, s1  }
0x3: {  	s10 =	stileid.u32;
	s1 =	sshll.u32 s4, $0x4  }
0x4: {  	s6 =	smul.u32 $0x3200, s10;
	s7 =	sor.u32 s10, s1  }
0x5: {  	s0 =	rddreg [dreg:$0x0];
	s8 =	sshll.u32 s4, $0x7;
	s7 =	smul.u32 $0xC350, s7  }
0x6: {  	s2 =	rddreg [dreg:$0x1];
	s6 =	sor.u32 s8, s6  }
0x7: {  	s3 =	rddreg [dreg:$0x2];
	s22 =	sshrl.u32 s6, $0x3;
	s6 =	sshrl.u32 s7, $0x3  }
0x8: {  	s5 =	rddreg [dreg:$0x5];
	s1 =	simm.s32 $0x0;
	s7 =	sadd.s32 $0xFA, s6  }
0x9: {  	[smem:$0x7FF] =	sst s1;
	s23 =	sadd.s32 s0, s7  }
0xa: {  	s24 =	sadd.s32 s2, s7;
	[dreg:$0x8] =	wrdreg s23  }
0xb: {  	s25 =	sadd.s32 $0x1F4, s6;
	s7 =	sadd.s32 s3, s7;
	[dreg:$0x9] =	wrdreg s24  }
0xc: {  	s26 =	sadd.s32 s0, s25;
	[dreg:$0xa] =	wrdreg s7  }
0xd: {  	s29 =	sadd.s32 s2, s25;
	[dreg:$0xb] =	wrdreg s26  }
0xe: {  	s28 =	sadd.s32 $0x2EE, s6;
	s8 =	sadd.s32 s3, s25;
	[dreg:$0xc] =	wrdreg s29  }
0xf: {  	s11 =	sadd.s32 s0, s28;
	[dreg:$0xd] =	wrdreg s8  }
0x10: {  	s13 =	sadd.s32 $0x3E8, s6;
	s12 =	sadd.s32 s2, s28;
	[dreg:$0xe] =	wrdreg s11  }
0x11: {  	s21 =	ssub.s32 $0x2, s4;
	s14 =	sadd.s32 s0, s13;
	[dreg:$0xf] =	wrdreg s12  }
0x12: {  	s16 =	sadd.s32 $0x4E2, s6;
	s15 =	sadd.s32 s2, s13;
	[dreg:$0x11] =	wrdreg s14  }
0x13: {  	s9 =	sshrl.u32 s21, $0x1;
	s17 =	sadd.s32 s0, s16;
	[dreg:$0x12] =	wrdreg s15  }
0x14: {  	s18 =	sadd.s32 $0x5DC, s6;
	s19 =	sadd.s32 s2, s16;
	[dreg:$0x14] =	wrdreg s17  }
0x15: {  	s4 =	sadd.s32 s22, s5;
	s20 =	sadd.s32 s0, s18;
	[dreg:$0x15] =	wrdreg s19  }
0x16: {  	s5 =	ssub.s32 s21, s9;
	s21 =	sadd.s32 s2, s18;
	[dreg:$0x17] =	wrdreg s20  }
0x17: {  	s7 =	sadd.s32 s3, s28;
	[dreg:$0x18] =	wrdreg s21  }
0x18: {  	s22 =	sadd.s32 $0x6D6, s6;
	s8 =	sadd.s32 s3, s16;
	[dreg:$0x10] =	wrdreg s7  }
0x19: {  	s23 =	sadd.s32 s0, s22;
	[dreg:$0x16] =	wrdreg s8  }
0x1a: {  	s25 =	sadd.s32 $0x7D0, s6;
	s24 =	sadd.s32 s2, s22;
	[dreg:$0x1a] =	wrdreg s23  }
0x1b: {  	s26 =	sadd.s32 s0, s25;
	[dreg:$0x1b] =	wrdreg s24  }
0x1c: {  	s29 =	sadd.s32 s2, s25;
	[dreg:$0x1d] =	wrdreg s26  }
0x1d: {  	s7 =	sadd.s32 s3, s13;
	[dreg:$0x1e] =	wrdreg s29  }
0x1e: {  	s28 =	sadd.s32 $0x8CA, s6;
	s8 =	sadd.s32 s3, s25;
	[dreg:$0x13] =	wrdreg s7  }
0x1f: {  	s11 =	sadd.s32 s0, s28;
	[dreg:$0x1f] =	wrdreg s8  }
0x20: {  	s16 =	sadd.s32 $0xABE, s6;
	s12 =	sadd.s32 s2, s28;
	[smem:$0x7C8] =	sst s11  }
0x21: {  	s17 =	sadd.s32 s0, s16;
	[smem:$0x7C9] =	sst s12  }
0x22: {  	s19 =	sadd.s32 s2, s16;
	[smem:$0x7CE] =	sst s17  }
0x23: {  	s13 =	sadd.s32 $0x9C4, s6;
	s7 =	sadd.s32 s3, s18;
	[smem:$0x7CF] =	sst s19  }
0x24: {  	s14 =	sadd.s32 s0, s13;
	[dreg:$0x19] =	wrdreg s7  }
0x25: {  	s15 =	sadd.s32 s2, s13;
	[smem:$0x7CB] =	sst s14  }
0x26: {  	s25 =	sadd.s32 $0xDAC, s6;
	s8 =	sadd.s32 s3, s16;
	[smem:$0x7CC] =	sst s15  }
0x27: {  	s26 =	sadd.s32 s0, s25;
	[smem:$0x7D0] =	sst s8  }
0x28: {  	s29 =	sadd.s32 s2, s25;
	[smem:$0x7D7] =	sst s26  }
0x29: {  	s18 =	sadd.s32 $0xBB8, s6;
	s7 =	sadd.s32 s3, s22;
	[smem:$0x7D8] =	sst s29  }
0x2a: {  	s20 =	sadd.s32 s0, s18;
	[dreg:$0x1c] =	wrdreg s7  }
0x2b: {  	s21 =	sadd.s32 s2, s18;
	[smem:$0x7D1] =	sst s20  }
0x2c: {  	s16 =	sadd.s32 $0x109A, s6;
	s8 =	sadd.s32 s3, s25;
	[smem:$0x7D2] =	sst s21  }
0x2d: {  	s17 =	sadd.s32 s0, s16;
	[smem:$0x7D9] =	sst s8  }
0x2e: {  	s19 =	sadd.s32 s2, s16;
	[smem:$0x7E0] =	sst s17  }
0x2f: {  	s22 =	sadd.s32 $0xCB2, s6;
	s7 =	sadd.s32 s3, s28;
	[smem:$0x7E1] =	sst s19  }
0x30: {  	s23 =	sadd.s32 s0, s22;
	[smem:$0x7CA] =	sst s7  }
0x31: {  	s24 =	sadd.s32 s2, s22;
	[smem:$0x7D4] =	sst s23  }
0x32: {  	s25 =	sadd.s32 $0x1388, s6;
	s8 =	sadd.s32 s3, s16;
	[smem:$0x7D5] =	sst s24  }
0x33: {  	s26 =	sadd.s32 s0, s25;
	[smem:$0x7E2] =	sst s8  }
0x34: {  	s29 =	sadd.s32 s2, s25;
	[smem:$0x7E9] =	sst s26  }
0x35: {  	s28 =	sadd.s32 $0xEA6, s6;
	s7 =	sadd.s32 s3, s13;
	[smem:$0x7EA] =	sst s29  }
0x36: {  	s11 =	sadd.s32 s0, s28;
	[smem:$0x7CD] =	sst s7  }
0x37: {  	s12 =	sadd.s32 s2, s28;
	[smem:$0x7DA] =	sst s11  }
0x38: {  	s16 =	sadd.s32 $0x1676, s6;
	s8 =	sadd.s32 s3, s25;
	[smem:$0x7DB] =	sst s12  }
0x39: {  	s17 =	sadd.s32 s0, s16;
	[smem:$0x7EB] =	sst s8  }
0x3a: {  	s19 =	sadd.s32 s3, s16;
	[smem:$0x7F2] =	sst s17  }
0x3b: {  	s13 =	sadd.s32 $0xFA0, s6;
	s7 =	sadd.s32 s3, s18;
	[smem:$0x7F4] =	sst s19  }
0x3c: {  	s31 =	simm.s32 $0x100;
	s14 =	sadd.s32 s0, s13;
	[smem:$0x7D3] =	sst s7  }
0x3d: {  	s9 =	simm.s32 $0x8100;
	s15 =	sadd.s32 s2, s13;
	[smem:$0x7DD] =	sst s14  }
0x3e: {  	s18 =	sadd.s32 $0x1194, s6;
	s7 =	sadd.s32 s3, s22;
	[smem:$0x7DE] =	sst s15  }
0x3f: {  	s29 =	smax.u32 s5, $0x1;
	s20 =	sadd.s32 s0, s18;
	[smem:$0x7D6] =	sst s7  }
0x40: {  	s5 =	simm.s32 $0x6900;
	s21 =	sadd.s32 s2, s18;
	[smem:$0x7E3] =	sst s20  }
0x41: {  	s22 =	sadd.s32 $0x128E, s6;
	s7 =	sadd.s32 s3, s28;
	[smem:$0x7E4] =	sst s21  }
0x42: {  	s8 =	simm.s32 $0x7D0;
	s23 =	sadd.s32 s0, s22;
	[smem:$0x7DC] =	sst s7  }
0x43: {  	s17 =	simm.s32 $0x9900;
	s24 =	sadd.s32 s2, s22;
	[smem:$0x7E6] =	sst s23  }
0x44: {  	s19 =	simm.s32 $0x4;
	s20 =	sadd.s32 s0, s6;
	[smem:$0x7E7] =	sst s24  }
0x45: {  	s28 =	sadd.s32 $0x1482, s6;
	s21 =	sadd.s32 s2, s6;
	[smem:$0x7F5] =	sst s20  }
0x46: {  	s7 =	sadd.s32 s3, s13;
	s11 =	sadd.s32 s0, s28;
	[smem:$0x7F6] =	sst s21  }
0x47: {  	s12 =	sadd.s32 s2, s28;
	s13 =	sadd.s32 $0x157C, s6;
	[smem:$0x7DF] =	sst s7  }
0x48: {  	s23 =	smul.u32 $0x6400, s10;
	s10 =	simm.s32 $0x7900;
	[smem:$0x7EC] =	sst s11  }
0x49: {  	s20 =	simm.s32 $0xB100;
	s7 =	sadd.s32 s3, s18;
	[smem:$0x7ED] =	sst s12  }
0x4a: {  	s21 =	simm.s32 $0x5;
	s14 =	sadd.s32 s0, s13;
	[smem:$0x7E5] =	sst s7  }
0x4b: {  	s15 =	sadd.s32 s2, s13;
	s18 =	sadd.s32 s2, s16;
	[smem:$0x7EF] =	sst s14  }
0x4c: {  	s11 =	simm.s32 $0x2;
	s12 =	simm.s32 $0x9100;
	[smem:$0x7F0] =	sst s15  }
0x4d: {  	s16 =	simm.s32 $0xA100;
	s7 =	sadd.s32 s3, s22;
	[smem:$0x7F3] =	sst s18  }
0x4e: {  	s22 =	sadd.s32 s3, s6;
	s6 =	sadd.s32 $0x1770, s6;
	s14 =	rddreg [dreg:$0x6]  }
0x4f: {  	s26 =	sshrl.u32 s23, $0x2;
	s15 =	simm.s32 $0x3;
	s18 =	simm.s32 $0xA900  }
0x50: {  	s23 =	simm.s32 $0x7;
	[smem:$0x7E8] =	sst s7;
	s7 =	sadd.s32 s3, s28  }
0x51: {  	[smem:$0x7F7] =	sst s22;
	s0 =	sadd.s32 s0, s6;
	s24 =	sadd.s32 s2, s6  }
0x52: {  	s25 =	sadd.s32 s3, s6;
	s30 =	sadd.s32 s26, s14;
	[smem:$0x7EE] =	sst s7  }
0x53: {  	s28 =	sadd.s32 $0x600, s4;
	s2 =	simm.s32 $0x5900;
	[smem:$0x7F8] =	sst s0  }
0x54: {  	s4 =	simm.s32 $0x6100;
	s6 =	simm.s32 $0x7100;
	[smem:$0x7F9] =	sst s24  }
0x55: {  	s22 =	simm.s32 $0x6;
	s7 =	sadd.s32 s3, s13;
	[smem:$0x7FA] =	sst s25  }
0x56: {  	s26 =	simm.s32 $0x0;
	s0 =	simm.s32 $0x5100;
	[smem:$0x7F1] =	sst s7  }
0x57: {  	s3 =	simm.s32 $0xA;
	_ =	strace $0x80000047;
	[smem:$0x7FB] =	sst s28  }
0x58: {  	s13 =	simm.s32 $0x8900;
	s24 =	simm.s32 $0x8;
	[smem:$0x7FC] =	sst s29  }
0x59: {  	v0 =	vimm.f32 $0.0e+00;
	s25 =	simm.s32 $0x9;
	s7 =	simm.s32 $0x1;
	[smem:$0x7FD] =	sst s30  }
.LBB2_1:
0x5a: {  	s28 =	sld [smem:$0x7F5];
	_ =	sdelay $0x2  }
0x5b: {  	[tilespmem:s31], [sflag:$0x1] =	stream.linear.gather [hbm4b:s28+s1], $0x7D0, $0x38;
	[tilespmem:$0xEB00] =	vst v63  }
0x5c: {  	s28 =	sld [smem:$0x7F6];
	_ =	sdelay $0x1  }
0x5d: {  	s29 =	simm.s32 $0x900  }
0x5e: {  	[tilespmem:s29], [sflag:$0x1] =	stream.linear.gather [hbm4b:s28+s1], $0x7D0, $0x38;
	[tilespmem:$0xEB00] =	vst v63  }
0x5f: {  	s28 =	sld [smem:$0x7F7];
	_ =	sdelay $0x1  }
0x60: {  	s29 =	simm.s32 $0x1100  }
0x61: {  	[tilespmem:s29], [sflag:$0x1] =	stream.linear.gather [hbm4b:s28+s1], $0x7D0, $0x38;
	[tilespmem:$0xEB00] =	vst v63  }
0x62: {  	s28 =	rddreg [dreg:$0x8];
	s29 =	simm.s32 $0x1900  }
0x63: {  	[tilespmem:s29], [sflag:$0x2] =	stream.linear.gather [hbm4b:s28+s1], $0x7D0, $0x38;
	[tilespmem:$0xEB00] =	vst v63  }
0x64: {  	s28 =	rddreg [dreg:$0x9];
	s29 =	simm.s32 $0x2100  }
0x65: {  	[tilespmem:s29], [sflag:$0x2] =	stream.linear.gather [hbm4b:s28+s1], $0x7D0, $0x38;
	[tilespmem:$0xEB00] =	vst v63  }
0x66: {  	s28 =	rddreg [dreg:$0xa];
	s29 =	simm.s32 $0x2900  }
0x67: {  	[tilespmem:s29], [sflag:$0x2] =	stream.linear.gather [hbm4b:s28+s1], $0x7D0, $0x38;
	[tilespmem:$0xEB00] =	vst v63  }
0x68: {  	s28 =	rddreg [dreg:$0xb];
	s29 =	simm.s32 $0x3100  }
0x69: {  	[tilespmem:s29], [sflag:$0x3] =	stream.linear.gather [hbm4b:s28+s1], $0x7D0, $0x38;
	[tilespmem:$0xEB00] =	vst v63  }
0x6a: {  	s28 =	rddreg [dreg:$0xc];
	s29 =	simm.s32 $0x3900  }
0x6b: {  	[tilespmem:s29], [sflag:$0x3] =	stream.linear.gather [hbm4b:s28+s1], $0x7D0, $0x38;
	[tilespmem:$0xEB00] =	vst v63  }
0x6c: {  	s28 =	rddreg [dreg:$0xd];
	s29 =	simm.s32 $0x4100  }
0x6d: {  	[tilespmem:s29], [sflag:$0x3] =	stream.linear.gather [hbm4b:s28+s1], $0x7D0, $0x38;
	[tilespmem:$0xEB00] =	vst v63  }
0x6e: {  	s28 =	rddreg [dreg:$0xe];
	s29 =	simm.s32 $0x4900  }
0x6f: {  	[tilespmem:s29], [sflag:$0x4] =	stream.linear.gather [hbm4b:s28+s1], $0x7D0, $0x38;
	[tilespmem:$0xEB00] =	vst v63  }
0x70: {  	s28 =	rddreg [dreg:$0xf]  }
0x71: {  	[tilespmem:s0], [sflag:$0x4] =	stream.linear.gather [hbm4b:s28+s1], $0x7D0, $0x38;
	[tilespmem:$0xEB00] =	vst v63  }
0x72: {  	s28 =	rddreg [dreg:$0x10]  }
0x73: {  	[tilespmem:s2], [sflag:$0x4] =	stream.linear.gather [hbm4b:s28+s1], $0x7D0, $0x38;
	[tilespmem:$0xEB00] =	vst v63  }
0x74: {  	s28 =	rddreg [dreg:$0x3]  }
0x75: {  	[tilespmem:s1], [sflag:$0xA] =	stream.linear.gather [hbm4b:s28+s1], $0x64, $0x38;
	[tilespmem:$0xEB00] =	vst v63  }
0x76: {  	_ =	swait.ge [sflag:s3], $0x64  }
0x77: {  	[sflag:s3] =	ssyncset.done $0x0  }
0x78: {  	[sflag:s3] =	ssyncadd.s32 $0xFFFFFF9C  }
0x79: {  	s29 =	simm.s32 $0x80;
	s28 =	rddreg [dreg:$0x4]  }
0x7a: {  	[tilespmem:s29], [sflag:$0xA] =	stream.linear.gather [hbm4b:s28+s1], $0x64, $0x38;
	[tilespmem:$0xEB00] =	vst v63  }
0x7b: {  	_ =	swait.ge [sflag:s3], $0x64  }
0x7c: {  	[sflag:s3] =	ssyncset.done $0x0  }
0x7d: {  	[sflag:s3] =	ssyncadd.s32 $0xFFFFFF9C  }
0x7e: {  	v1 =	vld [tilespmem:$0x0]  }
0x7f: {  	v2 =	vld [tilespmem:$0x80]  }
0x80: {  	v3 =	vld [tilespmem:$0x10]  }
0x81: {  	v4 =	vld [tilespmem:$0x90]  }
0x82: {  	v5 =	vld [tilespmem:$0x20]  }
0x83: {  	v6 =	vld [tilespmem:$0xA0]  }
0x84: {  	v7 =	vld [tilespmem:$0x30]  }
0x85: {  	v8 =	vld [tilespmem:$0xB0]  }
0x86: {  	v9 =	vld [tilespmem:$0x40]  }
0x87: {  	v10 =	vld [tilespmem:$0xC0]  }
0x88: {  	v11 =	vld [tilespmem:$0x50]  }
0x89: {  	v12 =	vld [tilespmem:$0xD0]  }
0x8a: {  	v63 =	vld [tilespmem:$0xE0];
	v1 =	vmul.f32 v2, v1  }
0x8b: {  	v2 =	vld [tilespmem:$0x60];
	v3 =	vmul.f32 v4, v3  }
0x8c: {  	[tilespmem:$0x0] =	vst v1;
	v1 =	vmul.f32 v6, v5  }
0x8d: {  	[tilespmem:$0x10] =	vst v3;
	v3 =	vmul.f32 v8, v7  }
0x8e: {  	[tilespmem:$0x20] =	vst v1;
	v1 =	vmul.f32 v10, v9  }
0x8f: {  	[tilespmem:$0x30] =	vst v3;
	v3 =	vmul.f32 v12, v11  }
0x90: {  	[tilespmem:$0x40] =	vst v1;
	v1 =	vmul.f32 v63, v2  }
0x91: {  	[tilespmem:$0x50] =	vst v3  }
0x92: {  	s28 =	simm.s32 $0x40;
	s29 =	simm.s32 $0x0;
	[tilespmem:$0x60] =	vst v1  }
.LBB2_2:
0x93: {  	p0 =	sne.s32 s28, $0x63C0;
	[tilespmem:s29+$0xB900] =	vst v0;
	s29 =	smov.u32 s28;
	s28 =	sadd.s32 $0x40, s28  }
.Ltmp0:
0x94: {  	(pc) =	sbr.rel @p0 .LBB2_2-.Ltmp0, $2  }
0x95: {  	_ =	sdelay $0x2  }
0x96: {  	s29 =	sshra.s32 s29, $0x2  }
0x97: {  	[tilespmem:s29+$0xB900] =	vst v0;
	s28 =	simm.s32 $0xB900  }
0x98: {  	[spmem:s30] =	stream.linear.scatter [tilespmem:s28], [sflag:$0xA], $0x1900, $0x38;
	[tilespmem:$0xEB00] =	vst v63  }
0x99: {  	_ =	swait.ge [sflag:s3], $0x1900  }
0x9a: {  	[sflag:s3] =	ssyncset.done $0x0  }
0x9b: {  	[sflag:s3] =	ssyncadd.s32 $0xFFFFE700  }
0x9c: {  	[bflag:$0x0] =	sbarrier.arrive $0xFFFF  }
0x9d: {  	s28 =	simm.s32 $0x0;
	s29 =	rddreg [dreg:$0x11]  }
0x9e: {  	[tilespmem:s4], [sflag:$0x5] =	stream.linear.gather [hbm4b:s29+s28], $0x7D0, $0x38;
	[tilespmem:$0xEB00] =	vst v63  }
0x9f: {  	s29 =	rddreg [dreg:$0x12]  }
0xa0: {  	[tilespmem:s5], [sflag:$0x5] =	stream.linear.gather [hbm4b:s29+s28], $0x7D0, $0x38;
	[tilespmem:$0xEB00] =	vst v63  }
0xa1: {  	s29 =	rddreg [dreg:$0x13]  }
0xa2: {  	[tilespmem:s6], [sflag:$0x5] =	stream.linear.gather [hbm4b:s29+s28], $0x7D0, $0x38;
	[tilespmem:$0xEB00] =	vst v63  }
0xa3: {  	_ =	swait.ge [sflag:s7], $0x7D0  }
0xa4: {  	[sflag:s7] =	ssyncset.done $0x0  }
0xa5: {  	[sflag:s7] =	ssyncadd.s32 $0xFFFFF830  }
0xa6: {  	_ =	swait.ge [sflag:s7], $0x7D0  }
0xa7: {  	[sflag:s7] =	ssyncset.done $0x0  }
0xa8: {  	[sflag:s7] =	ssyncadd.s32 $0xFFFFF830  }
0xa9: {  	_ =	swait.ge [sflag:s7], $0x7D0  }
0xaa: {  	[sflag:s7] =	ssyncset.done $0x0  }
0xab: {  	s28 =	simm.s32 $0x0;
	[sflag:s7] =	ssyncadd.s32 $0xFFFFF830  }
0xac: {  	v2 =	vld [tilespmem:s28+$0x900];
	_ =	sdelay $0x2  }
0xad: {  	v3 =	vld [tilespmem:s28+$0x1100];
	_ =	sdelay $0x3  }
0xae: {  	v1 =	vld [tilespmem:s28+$0x100]  }
0xaf: {  	s30 =	simm.s32 $0x80;
	s29 =	simm.s32 $0x10;
	v2 =	vld.idx.msk [tilespmem:v2+s1+$0x0], $0xffff;
	[tilespmem:s28+$0x8100] =	vst v3  }
.LBB2_4:
0xb0: {  	p0 =	sne.s32 s30, $0x1F00;
	v3 =	vld [tilespmem:s29+$0x900];
	_ =	sdelay $0x2  }
0xb1: {  	v4 =	vld [tilespmem:s29+$0x1100]  }
.Ltmp1:
0xb2: {  	(pc) =	sbr.rel @p0 .LBB2_4-.Ltmp1, $3  }
0xb3: {  	v2 =	vmul.f32 v1, v2;
	_ =	sdelay $0x1  }
0xb4: {  	v1 =	vld [tilespmem:s29+$0x100];
	[tilespmem:s28+$0x7900] =	vst v2;
	s28 =	smov.u32 s29  }
0xb5: {  	s29 =	sshra.s32 s30, $0x2;
	s30 =	sadd.s32 $0x40, s30;
	v2 =	vld.idx.msk [tilespmem:v3+s1+$0x0], $0xffff;
	[tilespmem:s28+$0x8100] =	vst v4  }
0xb6: {  	v3 =	vld [tilespmem:s29+$0x900];
	_ =	sdelay $0x4  }
0xb7: {  	v1 =	vmul.f32 v1, v2  }
0xb8: {  	v4 =	vld [tilespmem:s29+$0x1100]  }
0xb9: {  	v2 =	vld [tilespmem:s29+$0x100];
	[tilespmem:s28+$0x7900] =	vst v1  }
0xba: {  	v1 =	vld.idx.msk [tilespmem:v3+s1+$0x0], $0xffff;
	_ =	sdelay $0x4  }
0xbb: {  	v1 =	vmul.f32 v2, v1  }
0xbc: {  	[tilespmem:s29+$0x8100] =	vst v4  }
0xbd: {  	[tilespmem:s29+$0x7900] =	vst v1  }
0xbe: {  	[spmem:s14] =	stream.indirect.scatter.add.f32 [tilespmem:s10], [sflag:$0x6], $0x1, s9, s8, $0xb8;
	[tilespmem:$0xEB00] =	vst v63  }
0xbf: {  	s28 =	simm.s32 $0x0;
	s29 =	rddreg [dreg:$0x14]  }
0xc0: {  	[tilespmem:s31], [sflag:$0x1] =	stream.linear.gather [hbm4b:s29+s28], $0x7D0, $0x38;
	[tilespmem:$0xEB00] =	vst v63  }
0xc1: {  	s30 =	simm.s32 $0x900;
	s29 =	rddreg [dreg:$0x15]  }
0xc2: {  	[tilespmem:s30], [sflag:$0x1] =	stream.linear.gather [hbm4b:s29+s28], $0x7D0, $0x38;
	[tilespmem:$0xEB00] =	vst v63  }
0xc3: {  	s29 =	rddreg [dreg:$0x16];
	s30 =	simm.s32 $0x1100  }
0xc4: {  	[tilespmem:s30], [sflag:$0x1] =	stream.linear.gather [hbm4b:s29+s28], $0x7D0, $0x38;
	[tilespmem:$0xEB00] =	vst v63  }
0xc5: {  	_ =	swait.ge [sflag:s11], $0x7D0  }
0xc6: {  	[sflag:s11] =	ssyncset.done $0x0  }
0xc7: {  	[sflag:s11] =	ssyncadd.s32 $0xFFFFF830  }
0xc8: {  	_ =	swait.ge [sflag:s11], $0x7D0  }
0xc9: {  	[sflag:s11] =	ssyncset.done $0x0  }
0xca: {  	[sflag:s11] =	ssyncadd.s32 $0xFFFFF830  }
0xcb: {  	_ =	swait.ge [sflag:s11], $0x7D0  }
0xcc: {  	[sflag:s11] =	ssyncset.done $0x0  }
0xcd: {  	s28 =	simm.s32 $0x0;
	[sflag:s11] =	ssyncadd.s32 $0xFFFFF830  }
0xce: {  	v2 =	vld [tilespmem:s28+$0x2100];
	_ =	sdelay $0x2  }
0xcf: {  	v3 =	vld [tilespmem:s28+$0x2900];
	_ =	sdelay $0x3  }
0xd0: {  	v1 =	vld [tilespmem:s28+$0x1900]  }
0xd1: {  	s29 =	simm.s32 $0x10;
	s30 =	simm.s32 $0x80;
	v2 =	vld.idx.msk [tilespmem:v2+s1+$0x0], $0xffff;
	[tilespmem:s28+$0x9100] =	vst v3  }
.LBB2_6:
0xd2: {  	p0 =	sne.s32 s30, $0x1F00;
	v3 =	vld [tilespmem:s29+$0x2100];
	_ =	sdelay $0x2  }
0xd3: {  	v4 =	vld [tilespmem:s29+$0x2900]  }
.Ltmp2:
0xd4: {  	(pc) =	sbr.rel @p0 .LBB2_6-.Ltmp2, $3  }
0xd5: {  	v2 =	vmul.f32 v1, v2;
	_ =	sdelay $0x1  }
0xd6: {  	v1 =	vld [tilespmem:s29+$0x1900];
	[tilespmem:s28+$0x8900] =	vst v2;
	s28 =	smov.u32 s29  }
0xd7: {  	s29 =	sshra.s32 s30, $0x2;
	s30 =	sadd.s32 $0x40, s30;
	v2 =	vld.idx.msk [tilespmem:v3+s1+$0x0], $0xffff;
	[tilespmem:s28+$0x9100] =	vst v4  }
0xd8: {  	v3 =	vld [tilespmem:s29+$0x2100];
	_ =	sdelay $0x4  }
0xd9: {  	v1 =	vmul.f32 v1, v2  }
0xda: {  	v4 =	vld [tilespmem:s29+$0x2900]  }
0xdb: {  	v2 =	vld [tilespmem:s29+$0x1900];
	[tilespmem:s28+$0x8900] =	vst v1  }
0xdc: {  	v1 =	vld.idx.msk [tilespmem:v3+s1+$0x0], $0xffff;
	_ =	sdelay $0x4  }
0xdd: {  	v1 =	vmul.f32 v2, v1  }
0xde: {  	[tilespmem:s29+$0x9100] =	vst v4  }
0xdf: {  	[tilespmem:s29+$0x8900] =	vst v1  }
0xe0: {  	[spmem:s14] =	stream.indirect.scatter.add.f32 [tilespmem:s13], [sflag:$0x7], $0x1, s12, s8, $0xb8;
	[tilespmem:$0xEB00] =	vst v63  }
0xe1: {  	s30 =	simm.s32 $0x1900;
	s28 =	simm.s32 $0x0;
	s29 =	rddreg [dreg:$0x17]  }
0xe2: {  	[tilespmem:s30], [sflag:$0x2] =	stream.linear.gather [hbm4b:s29+s28], $0x7D0, $0x38;
	[tilespmem:$0xEB00] =	vst v63  }
0xe3: {  	s29 =	rddreg [dreg:$0x18];
	s30 =	simm.s32 $0x2100  }
0xe4: {  	[tilespmem:s30], [sflag:$0x2] =	stream.linear.gather [hbm4b:s29+s28], $0x7D0, $0x38;
	[tilespmem:$0xEB00] =	vst v63  }
0xe5: {  	s29 =	rddreg [dreg:$0x19];
	s30 =	simm.s32 $0x2900  }
0xe6: {  	[tilespmem:s30], [sflag:$0x2] =	stream.linear.gather [hbm4b:s29+s28], $0x7D0, $0x38;
	[tilespmem:$0xEB00] =	vst v63  }
0xe7: {  	_ =	swait.ge [sflag:s15], $0x7D0  }
0xe8: {  	[sflag:s15] =	ssyncset.done $0x0  }
0xe9: {  	[sflag:s15] =	ssyncadd.s32 $0xFFFFF830  }
0xea: {  	_ =	swait.ge [sflag:s15], $0x7D0  }
0xeb: {  	[sflag:s15] =	ssyncset.done $0x0  }
0xec: {  	[sflag:s15] =	ssyncadd.s32 $0xFFFFF830  }
0xed: {  	_ =	swait.ge [sflag:s15], $0x7D0  }
0xee: {  	[sflag:s15] =	ssyncset.done $0x0  }
0xef: {  	s28 =	simm.s32 $0x0;
	[sflag:s15] =	ssyncadd.s32 $0xFFFFF830  }
0xf0: {  	v2 =	vld [tilespmem:s28+$0x3900];
	_ =	sdelay $0x2  }
0xf1: {  	v3 =	vld [tilespmem:s28+$0x4100];
	_ =	sdelay $0x3  }
0xf2: {  	v1 =	vld [tilespmem:s28+$0x3100]  }
0xf3: {  	s29 =	simm.s32 $0x10;
	s30 =	simm.s32 $0x80;
	v2 =	vld.idx.msk [tilespmem:v2+s1+$0x0], $0xffff;
	[tilespmem:s28+$0xA100] =	vst v3  }
.LBB2_8:
0xf4: {  	p0 =	sne.s32 s30, $0x1F00;
	v3 =	vld [tilespmem:s29+$0x3900];
	_ =	sdelay $0x2  }
0xf5: {  	v4 =	vld [tilespmem:s29+$0x4100]  }
.Ltmp3:
0xf6: {  	(pc) =	sbr.rel @p0 .LBB2_8-.Ltmp3, $3  }
0xf7: {  	v2 =	vmul.f32 v1, v2;
	_ =	sdelay $0x1  }
0xf8: {  	v1 =	vld [tilespmem:s29+$0x3100];
	[tilespmem:s28+$0x9900] =	vst v2;
	s28 =	smov.u32 s29  }
0xf9: {  	s29 =	sshra.s32 s30, $0x2;
	s30 =	sadd.s32 $0x40, s30;
	v2 =	vld.idx.msk [tilespmem:v3+s1+$0x0], $0xffff;
	[tilespmem:s28+$0xA100] =	vst v4  }
0xfa: {  	v3 =	vld [tilespmem:s29+$0x3900];
	_ =	sdelay $0x4  }
0xfb: {  	v1 =	vmul.f32 v1, v2  }
0xfc: {  	v4 =	vld [tilespmem:s29+$0x4100]  }
0xfd: {  	v2 =	vld [tilespmem:s29+$0x3100];
	[tilespmem:s28+$0x9900] =	vst v1  }
0xfe: {  	v1 =	vld.idx.msk [tilespmem:v3+s1+$0x0], $0xffff;
	_ =	sdelay $0x4  }
0xff: {  	v1 =	vmul.f32 v2, v1  }
0x100: {  	[tilespmem:s29+$0xA100] =	vst v4  }
0x101: {  	[tilespmem:s29+$0x9900] =	vst v1  }
0x102: {  	[spmem:s14] =	stream.indirect.scatter.add.f32 [tilespmem:s17], [sflag:$0x8], $0x1, s16, s8, $0xb8;
	[tilespmem:$0xEB00] =	vst v63  }
0x103: {  	s30 =	simm.s32 $0x3100;
	s28 =	simm.s32 $0x0;
	s29 =	rddreg [dreg:$0x1a]  }
0x104: {  	[tilespmem:s30], [sflag:$0x3] =	stream.linear.gather [hbm4b:s29+s28], $0x7D0, $0x38;
	[tilespmem:$0xEB00] =	vst v63  }
0x105: {  	s29 =	rddreg [dreg:$0x1b];
	s30 =	simm.s32 $0x3900  }
0x106: {  	[tilespmem:s30], [sflag:$0x3] =	stream.linear.gather [hbm4b:s29+s28], $0x7D0, $0x38;
	[tilespmem:$0xEB00] =	vst v63  }
0x107: {  	s29 =	rddreg [dreg:$0x1c];
	s30 =	simm.s32 $0x4100  }
0x108: {  	[tilespmem:s30], [sflag:$0x3] =	stream.linear.gather [hbm4b:s29+s28], $0x7D0, $0x38;
	[tilespmem:$0xEB00] =	vst v63  }
0x109: {  	_ =	swait.ge [sflag:s19], $0x7D0  }
0x10a: {  	[sflag:s19] =	ssyncset.done $0x0  }
0x10b: {  	[sflag:s19] =	ssyncadd.s32 $0xFFFFF830  }
0x10c: {  	_ =	swait.ge [sflag:s19], $0x7D0  }
0x10d: {  	[sflag:s19] =	ssyncset.done $0x0  }
0x10e: {  	[sflag:s19] =	ssyncadd.s32 $0xFFFFF830  }
0x10f: {  	_ =	swait.ge [sflag:s19], $0x7D0  }
0x110: {  	[sflag:s19] =	ssyncset.done $0x0  }
0x111: {  	s28 =	simm.s32 $0x0;
	[sflag:s19] =	ssyncadd.s32 $0xFFFFF830  }
0x112: {  	v2 =	vld [tilespmem:s28+$0x5100];
	_ =	sdelay $0x2  }
0x113: {  	v3 =	vld [tilespmem:s28+$0x5900];
	_ =	sdelay $0x3  }
0x114: {  	v1 =	vld [tilespmem:s28+$0x4900]  }
0x115: {  	s29 =	simm.s32 $0x10;
	s30 =	simm.s32 $0x80;
	v2 =	vld.idx.msk [tilespmem:v2+s1+$0x0], $0xffff;
	[tilespmem:s28+$0xB100] =	vst v3  }
.LBB2_10:
0x116: {  	p0 =	sne.s32 s30, $0x1F00;
	v3 =	vld [tilespmem:s29+$0x5100];
	_ =	sdelay $0x2  }
0x117: {  	v4 =	vld [tilespmem:s29+$0x5900]  }
.Ltmp4:
0x118: {  	(pc) =	sbr.rel @p0 .LBB2_10-.Ltmp4, $3  }
0x119: {  	v2 =	vmul.f32 v1, v2;
	_ =	sdelay $0x1  }
0x11a: {  	v1 =	vld [tilespmem:s29+$0x4900];
	[tilespmem:s28+$0xA900] =	vst v2;
	s28 =	smov.u32 s29  }
0x11b: {  	s29 =	sshra.s32 s30, $0x2;
	s30 =	sadd.s32 $0x40, s30;
	v2 =	vld.idx.msk [tilespmem:v3+s1+$0x0], $0xffff;
	[tilespmem:s28+$0xB100] =	vst v4  }
0x11c: {  	v3 =	vld [tilespmem:s29+$0x5100];
	_ =	sdelay $0x4  }
0x11d: {  	v1 =	vmul.f32 v1, v2  }
0x11e: {  	v4 =	vld [tilespmem:s29+$0x5900]  }
0x11f: {  	v2 =	vld [tilespmem:s29+$0x4900];
	[tilespmem:s28+$0xA900] =	vst v1  }
0x120: {  	v1 =	vld.idx.msk [tilespmem:v3+s1+$0x0], $0xffff;
	_ =	sdelay $0x4  }
0x121: {  	v1 =	vmul.f32 v2, v1  }
0x122: {  	[tilespmem:s29+$0xB100] =	vst v4  }
0x123: {  	[tilespmem:s29+$0xA900] =	vst v1  }
0x124: {  	[spmem:s14] =	stream.indirect.scatter.add.f32 [tilespmem:s18], [sflag:$0x9], $0x1, s20, s8, $0xb8;
	[tilespmem:$0xEB00] =	vst v63  }
0x125: {  	s30 =	simm.s32 $0x4900;
	s28 =	simm.s32 $0x0;
	s29 =	rddreg [dreg:$0x1d]  }
0x126: {  	[tilespmem:s30], [sflag:$0x4] =	stream.linear.gather [hbm4b:s29+s28], $0x7D0, $0x38;
	[tilespmem:$0xEB00] =	vst v63  }
0x127: {  	s29 =	rddreg [dreg:$0x1e]  }
0x128: {  	[tilespmem:s0], [sflag:$0x4] =	stream.linear.gather [hbm4b:s29+s28], $0x7D0, $0x38;
	[tilespmem:$0xEB00] =	vst v63  }
0x129: {  	s29 =	rddreg [dreg:$0x1f]  }
0x12a: {  	[tilespmem:s2], [sflag:$0x4] =	stream.linear.gather [hbm4b:s29+s28], $0x7D0, $0x38;
	[tilespmem:$0xEB00] =	vst v63  }
0x12b: {  	_ =	swait.ge [sflag:s21], $0x7D0  }
0x12c: {  	[sflag:s21] =	ssyncset.done $0x0  }
0x12d: {  	[sflag:s21] =	ssyncadd.s32 $0xFFFFF830  }
0x12e: {  	_ =	swait.ge [sflag:s21], $0x7D0  }
0x12f: {  	[sflag:s21] =	ssyncset.done $0x0  }
0x130: {  	[sflag:s21] =	ssyncadd.s32 $0xFFFFF830  }
0x131: {  	_ =	swait.ge [sflag:s21], $0x7D0  }
0x132: {  	[sflag:s21] =	ssyncset.done $0x0  }
0x133: {  	[sflag:s21] =	ssyncadd.s32 $0xFFFFF830  }
0x134: {  	_ =	swait.ge [sflag:s22], $0x7D0  }
0x135: {  	[sflag:s22] =	ssyncset.done $0x0  }
0x136: {  	s28 =	simm.s32 $0x0;
	[sflag:s22] =	ssyncadd.s32 $0xFFFFF830  }
0x137: {  	v2 =	vld [tilespmem:s28+$0x6900];
	_ =	sdelay $0x2  }
0x138: {  	v3 =	vld [tilespmem:s28+$0x7100];
	_ =	sdelay $0x3  }
0x139: {  	v1 =	vld [tilespmem:s28+$0x6100]  }
0x13a: {  	s30 =	simm.s32 $0x80;
	s29 =	simm.s32 $0x10;
	v2 =	vld.idx.msk [tilespmem:v2+s1+$0x0], $0xffff;
	[tilespmem:s28+$0x8100] =	vst v3  }
.LBB2_12:
0x13b: {  	p0 =	sne.s32 s30, $0x1F00;
	v3 =	vld [tilespmem:s29+$0x6900];
	_ =	sdelay $0x2  }
0x13c: {  	v4 =	vld [tilespmem:s29+$0x7100]  }
.Ltmp5:
0x13d: {  	(pc) =	sbr.rel @p0 .LBB2_12-.Ltmp5, $3  }
0x13e: {  	v2 =	vmul.f32 v1, v2;
	_ =	sdelay $0x1  }
0x13f: {  	v1 =	vld [tilespmem:s29+$0x6100];
	[tilespmem:s28+$0x7900] =	vst v2;
	s28 =	smov.u32 s29  }
0x140: {  	s29 =	sshra.s32 s30, $0x2;
	s30 =	sadd.s32 $0x40, s30;
	v2 =	vld.idx.msk [tilespmem:v3+s1+$0x0], $0xffff;
	[tilespmem:s28+$0x8100] =	vst v4  }
0x141: {  	v3 =	vld [tilespmem:s29+$0x6900];
	_ =	sdelay $0x4  }
0x142: {  	v1 =	vmul.f32 v1, v2  }
0x143: {  	v4 =	vld [tilespmem:s29+$0x7100]  }
0x144: {  	v2 =	vld [tilespmem:s29+$0x6100];
	[tilespmem:s28+$0x7900] =	vst v1  }
0x145: {  	v1 =	vld.idx.msk [tilespmem:v3+s1+$0x0], $0xffff;
	_ =	sdelay $0x4  }
0x146: {  	v1 =	vmul.f32 v2, v1  }
0x147: {  	[tilespmem:s29+$0x8100] =	vst v4  }
0x148: {  	[tilespmem:s29+$0x7900] =	vst v1;
	s29 =	sld [smem:$0x7C8]  }
0x149: {  	[spmem:s14] =	stream.indirect.scatter.add.f32 [tilespmem:s10], [sflag:$0x6], $0x1, s9, s8, $0xb8;
	[tilespmem:$0xEB00] =	vst v63  }
0x14a: {  	s28 =	simm.s32 $0x0  }
0x14b: {  	[tilespmem:s4], [sflag:$0x5] =	stream.linear.gather [hbm4b:s29+s28], $0x7D0, $0x38;
	[tilespmem:$0xEB00] =	vst v63  }
0x14c: {  	s29 =	sld [smem:$0x7C9];
	_ =	sdelay $0x2  }
0x14d: {  	[tilespmem:s5], [sflag:$0x5] =	stream.linear.gather [hbm4b:s29+s28], $0x7D0, $0x38;
	[tilespmem:$0xEB00] =	vst v63  }
0x14e: {  	s29 =	sld [smem:$0x7CA];
	_ =	sdelay $0x2  }
0x14f: {  	[tilespmem:s6], [sflag:$0x5] =	stream.linear.gather [hbm4b:s29+s28], $0x7D0, $0x38;
	[tilespmem:$0xEB00] =	vst v63  }
0x150: {  	_ =	swait.ge [sflag:s7], $0x7D0  }
0x151: {  	[sflag:s7] =	ssyncset.done $0x0  }
0x152: {  	[sflag:s7] =	ssyncadd.s32 $0xFFFFF830  }
0x153: {  	_ =	swait.ge [sflag:s7], $0x7D0  }
0x154: {  	[sflag:s7] =	ssyncset.done $0x0  }
0x155: {  	[sflag:s7] =	ssyncadd.s32 $0xFFFFF830  }
0x156: {  	_ =	swait.ge [sflag:s7], $0x7D0  }
0x157: {  	[sflag:s7] =	ssyncset.done $0x0  }
0x158: {  	[sflag:s7] =	ssyncadd.s32 $0xFFFFF830  }
0x159: {  	_ =	swait.ge [sflag:s23], $0x7D0  }
0x15a: {  	[sflag:s23] =	ssyncset.done $0x0  }
0x15b: {  	s28 =	simm.s32 $0x0;
	[sflag:s23] =	ssyncadd.s32 $0xFFFFF830  }
0x15c: {  	v2 =	vld [tilespmem:s28+$0x900];
	_ =	sdelay $0x2  }
0x15d: {  	v3 =	vld [tilespmem:s28+$0x1100];
	_ =	sdelay $0x3  }
0x15e: {  	v1 =	vld [tilespmem:s28+$0x100]  }
0x15f: {  	s30 =	simm.s32 $0x80;
	s29 =	simm.s32 $0x10;
	v2 =	vld.idx.msk [tilespmem:v2+s1+$0x0], $0xffff;
	[tilespmem:s28+$0x9100] =	vst v3  }
.LBB2_14:
0x160: {  	p0 =	sne.s32 s30, $0x1F00;
	v3 =	vld [tilespmem:s29+$0x900];
	_ =	sdelay $0x2  }
0x161: {  	v4 =	vld [tilespmem:s29+$0x1100]  }
.Ltmp6:
0x162: {  	(pc) =	sbr.rel @p0 .LBB2_14-.Ltmp6, $3  }
0x163: {  	v2 =	vmul.f32 v1, v2;
	_ =	sdelay $0x1  }
0x164: {  	v1 =	vld [tilespmem:s29+$0x100];
	[tilespmem:s28+$0x8900] =	vst v2;
	s28 =	smov.u32 s29  }
0x165: {  	s29 =	sshra.s32 s30, $0x2;
	s30 =	sadd.s32 $0x40, s30;
	v2 =	vld.idx.msk [tilespmem:v3+s1+$0x0], $0xffff;
	[tilespmem:s28+$0x9100] =	vst v4  }
0x166: {  	v3 =	vld [tilespmem:s29+$0x900];
	_ =	sdelay $0x4  }
0x167: {  	v1 =	vmul.f32 v1, v2  }
0x168: {  	v4 =	vld [tilespmem:s29+$0x1100]  }
0x169: {  	v2 =	vld [tilespmem:s29+$0x100];
	[tilespmem:s28+$0x8900] =	vst v1  }
0x16a: {  	v1 =	vld.idx.msk [tilespmem:v3+s1+$0x0], $0xffff;
	_ =	sdelay $0x4  }
0x16b: {  	v1 =	vmul.f32 v2, v1  }
0x16c: {  	[tilespmem:s29+$0x9100] =	vst v4  }
0x16d: {  	[tilespmem:s29+$0x8900] =	vst v1;
	s29 =	sld [smem:$0x7CB]  }
0x16e: {  	[spmem:s14] =	stream.indirect.scatter.add.f32 [tilespmem:s13], [sflag:$0x7], $0x1, s12, s8, $0xb8;
	[tilespmem:$0xEB00] =	vst v63  }
0x16f: {  	s28 =	simm.s32 $0x0  }
0x170: {  	[tilespmem:s31], [sflag:$0x1] =	stream.linear.gather [hbm4b:s29+s28], $0x7D0, $0x38;
	[tilespmem:$0xEB00] =	vst v63  }
0x171: {  	s29 =	sld [smem:$0x7CC];
	_ =	sdelay $0x1  }
0x172: {  	s30 =	simm.s32 $0x900  }
0x173: {  	[tilespmem:s30], [sflag:$0x1] =	stream.linear.gather [hbm4b:s29+s28], $0x7D0, $0x38;
	[tilespmem:$0xEB00] =	vst v63  }
0x174: {  	s29 =	sld [smem:$0x7CD];
	_ =	sdelay $0x1  }
0x175: {  	s30 =	simm.s32 $0x1100  }
0x176: {  	[tilespmem:s30], [sflag:$0x1] =	stream.linear.gather [hbm4b:s29+s28], $0x7D0, $0x38;
	[tilespmem:$0xEB00] =	vst v63  }
0x177: {  	_ =	swait.ge [sflag:s11], $0x7D0  }
0x178: {  	[sflag:s11] =	ssyncset.done $0x0  }
0x179: {  	[sflag:s11] =	ssyncadd.s32 $0xFFFFF830  }
0x17a: {  	_ =	swait.ge [sflag:s11], $0x7D0  }
0x17b: {  	[sflag:s11] =	ssyncset.done $0x0  }
0x17c: {  	[sflag:s11] =	ssyncadd.s32 $0xFFFFF830  }
0x17d: {  	_ =	swait.ge [sflag:s11], $0x7D0  }
0x17e: {  	[sflag:s11] =	ssyncset.done $0x0  }
0x17f: {  	[sflag:s11] =	ssyncadd.s32 $0xFFFFF830  }
0x180: {  	_ =	swait.ge [sflag:s24], $0x7D0  }
0x181: {  	[sflag:s24] =	ssyncset.done $0x0  }
0x182: {  	s28 =	simm.s32 $0x0;
	[sflag:s24] =	ssyncadd.s32 $0xFFFFF830  }
0x183: {  	v2 =	vld [tilespmem:s28+$0x2100];
	_ =	sdelay $0x2  }
0x184: {  	v3 =	vld [tilespmem:s28+$0x2900];
	_ =	sdelay $0x3  }
0x185: {  	v1 =	vld [tilespmem:s28+$0x1900]  }
0x186: {  	s29 =	simm.s32 $0x10;
	s30 =	simm.s32 $0x80;
	v2 =	vld.idx.msk [tilespmem:v2+s1+$0x0], $0xffff;
	[tilespmem:s28+$0xA100] =	vst v3  }
.LBB2_16:
0x187: {  	p0 =	sne.s32 s30, $0x1F00;
	v3 =	vld [tilespmem:s29+$0x2100];
	_ =	sdelay $0x2  }
0x188: {  	v4 =	vld [tilespmem:s29+$0x2900]  }
.Ltmp7:
0x189: {  	(pc) =	sbr.rel @p0 .LBB2_16-.Ltmp7, $3  }
0x18a: {  	v2 =	vmul.f32 v1, v2;
	_ =	sdelay $0x1  }
0x18b: {  	v1 =	vld [tilespmem:s29+$0x1900];
	[tilespmem:s28+$0x9900] =	vst v2;
	s28 =	smov.u32 s29  }
0x18c: {  	s29 =	sshra.s32 s30, $0x2;
	s30 =	sadd.s32 $0x40, s30;
	v2 =	vld.idx.msk [tilespmem:v3+s1+$0x0], $0xffff;
	[tilespmem:s28+$0xA100] =	vst v4  }
0x18d: {  	v3 =	vld [tilespmem:s29+$0x2100];
	_ =	sdelay $0x4  }
0x18e: {  	v1 =	vmul.f32 v1, v2  }
0x18f: {  	v4 =	vld [tilespmem:s29+$0x2900]  }
0x190: {  	v2 =	vld [tilespmem:s29+$0x1900];
	[tilespmem:s28+$0x9900] =	vst v1  }
0x191: {  	v1 =	vld.idx.msk [tilespmem:v3+s1+$0x0], $0xffff;
	_ =	sdelay $0x4  }
0x192: {  	v1 =	vmul.f32 v2, v1  }
0x193: {  	[tilespmem:s29+$0xA100] =	vst v4  }
0x194: {  	[tilespmem:s29+$0x9900] =	vst v1;
	s29 =	sld [smem:$0x7CE]  }
0x195: {  	[spmem:s14] =	stream.indirect.scatter.add.f32 [tilespmem:s17], [sflag:$0x8], $0x1, s16, s8, $0xb8;
	[tilespmem:$0xEB00] =	vst v63  }
0x196: {  	s30 =	simm.s32 $0x1900;
	s28 =	simm.s32 $0x0  }
0x197: {  	[tilespmem:s30], [sflag:$0x2] =	stream.linear.gather [hbm4b:s29+s28], $0x7D0, $0x38;
	[tilespmem:$0xEB00] =	vst v63  }
0x198: {  	s29 =	sld [smem:$0x7CF];
	_ =	sdelay $0x1  }
0x199: {  	s30 =	simm.s32 $0x2100  }
0x19a: {  	[tilespmem:s30], [sflag:$0x2] =	stream.linear.gather [hbm4b:s29+s28], $0x7D0, $0x38;
	[tilespmem:$0xEB00] =	vst v63  }
0x19b: {  	s29 =	sld [smem:$0x7D0];
	_ =	sdelay $0x1  }
0x19c: {  	s30 =	simm.s32 $0x2900  }
0x19d: {  	[tilespmem:s30], [sflag:$0x2] =	stream.linear.gather [hbm4b:s29+s28], $0x7D0, $0x38;
	[tilespmem:$0xEB00] =	vst v63  }
0x19e: {  	_ =	swait.ge [sflag:s15], $0x7D0  }
0x19f: {  	[sflag:s15] =	ssyncset.done $0x0  }
0x1a0: {  	[sflag:s15] =	ssyncadd.s32 $0xFFFFF830  }
0x1a1: {  	_ =	swait.ge [sflag:s15], $0x7D0  }
0x1a2: {  	[sflag:s15] =	ssyncset.done $0x0  }
0x1a3: {  	[sflag:s15] =	ssyncadd.s32 $0xFFFFF830  }
0x1a4: {  	_ =	swait.ge [sflag:s15], $0x7D0  }
0x1a5: {  	[sflag:s15] =	ssyncset.done $0x0  }
0x1a6: {  	[sflag:s15] =	ssyncadd.s32 $0xFFFFF830  }
0x1a7: {  	_ =	swait.ge [sflag:s25], $0x7D0  }
0x1a8: {  	[sflag:s25] =	ssyncset.done $0x0  }
0x1a9: {  	s28 =	simm.s32 $0x0;
	[sflag:s25] =	ssyncadd.s32 $0xFFFFF830  }
0x1aa: {  	v2 =	vld [tilespmem:s28+$0x3900];
	_ =	sdelay $0x2  }
0x1ab: {  	v3 =	vld [tilespmem:s28+$0x4100];
	_ =	sdelay $0x3  }
0x1ac: {  	v1 =	vld [tilespmem:s28+$0x3100]  }
0x1ad: {  	s29 =	simm.s32 $0x10;
	s30 =	simm.s32 $0x80;
	v2 =	vld.idx.msk [tilespmem:v2+s1+$0x0], $0xffff;
	[tilespmem:s28+$0xB100] =	vst v3  }
.LBB2_18:
0x1ae: {  	p0 =	sne.s32 s30, $0x1F00;
	v3 =	vld [tilespmem:s29+$0x3900];
	_ =	sdelay $0x2  }
0x1af: {  	v4 =	vld [tilespmem:s29+$0x4100]  }
.Ltmp8:
0x1b0: {  	(pc) =	sbr.rel @p0 .LBB2_18-.Ltmp8, $3  }
0x1b1: {  	v2 =	vmul.f32 v1, v2;
	_ =	sdelay $0x1  }
0x1b2: {  	v1 =	vld [tilespmem:s29+$0x3100];
	[tilespmem:s28+$0xA900] =	vst v2;
	s28 =	smov.u32 s29  }
0x1b3: {  	s29 =	sshra.s32 s30, $0x2;
	s30 =	sadd.s32 $0x40, s30;
	v2 =	vld.idx.msk [tilespmem:v3+s1+$0x0], $0xffff;
	[tilespmem:s28+$0xB100] =	vst v4  }
0x1b4: {  	v3 =	vld [tilespmem:s29+$0x3900];
	_ =	sdelay $0x4  }
0x1b5: {  	v1 =	vmul.f32 v1, v2  }
0x1b6: {  	v4 =	vld [tilespmem:s29+$0x4100]  }
0x1b7: {  	v2 =	vld [tilespmem:s29+$0x3100];
	[tilespmem:s28+$0xA900] =	vst v1  }
0x1b8: {  	v1 =	vld.idx.msk [tilespmem:v3+s1+$0x0], $0xffff;
	_ =	sdelay $0x4  }
0x1b9: {  	v1 =	vmul.f32 v2, v1  }
0x1ba: {  	[tilespmem:s29+$0xB100] =	vst v4  }
0x1bb: {  	[tilespmem:s29+$0xA900] =	vst v1;
	s29 =	sld [smem:$0x7D1]  }
0x1bc: {  	[spmem:s14] =	stream.indirect.scatter.add.f32 [tilespmem:s18], [sflag:$0x9], $0x1, s20, s8, $0xb8;
	[tilespmem:$0xEB00] =	vst v63  }
0x1bd: {  	s30 =	simm.s32 $0x3100;
	s28 =	simm.s32 $0x0  }
0x1be: {  	[tilespmem:s30], [sflag:$0x3] =	stream.linear.gather [hbm4b:s29+s28], $0x7D0, $0x38;
	[tilespmem:$0xEB00] =	vst v63  }
0x1bf: {  	s29 =	sld [smem:$0x7D2];
	_ =	sdelay $0x1  }
0x1c0: {  	s30 =	simm.s32 $0x3900  }
0x1c1: {  	[tilespmem:s30], [sflag:$0x3] =	stream.linear.gather [hbm4b:s29+s28], $0x7D0, $0x38;
	[tilespmem:$0xEB00] =	vst v63  }
0x1c2: {  	s29 =	sld [smem:$0x7D3];
	_ =	sdelay $0x1  }
0x1c3: {  	s30 =	simm.s32 $0x4100  }
0x1c4: {  	[tilespmem:s30], [sflag:$0x3] =	stream.linear.gather [hbm4b:s29+s28], $0x7D0, $0x38;
	[tilespmem:$0xEB00] =	vst v63  }
0x1c5: {  	_ =	swait.ge [sflag:s19], $0x7D0  }
0x1c6: {  	[sflag:s19] =	ssyncset.done $0x0  }
0x1c7: {  	[sflag:s19] =	ssyncadd.s32 $0xFFFFF830  }
0x1c8: {  	_ =	swait.ge [sflag:s19], $0x7D0  }
0x1c9: {  	[sflag:s19] =	ssyncset.done $0x0  }
0x1ca: {  	[sflag:s19] =	ssyncadd.s32 $0xFFFFF830  }
0x1cb: {  	_ =	swait.ge [sflag:s19], $0x7D0  }
0x1cc: {  	[sflag:s19] =	ssyncset.done $0x0  }
0x1cd: {  	[sflag:s19] =	ssyncadd.s32 $0xFFFFF830  }
0x1ce: {  	_ =	swait.ge [sflag:s22], $0x7D0  }
0x1cf: {  	[sflag:s22] =	ssyncset.done $0x0  }
0x1d0: {  	s28 =	simm.s32 $0x0;
	[sflag:s22] =	ssyncadd.s32 $0xFFFFF830  }
0x1d1: {  	v2 =	vld [tilespmem:s28+$0x5100];
	_ =	sdelay $0x2  }
0x1d2: {  	v3 =	vld [tilespmem:s28+$0x5900];
	_ =	sdelay $0x3  }
0x1d3: {  	v1 =	vld [tilespmem:s28+$0x4900]  }
0x1d4: {  	s29 =	simm.s32 $0x10;
	s30 =	simm.s32 $0x80;
	v2 =	vld.idx.msk [tilespmem:v2+s1+$0x0], $0xffff;
	[tilespmem:s28+$0x8100] =	vst v3  }
.LBB2_20:
0x1d5: {  	p0 =	sne.s32 s30, $0x1F00;
	v3 =	vld [tilespmem:s29+$0x5100];
	_ =	sdelay $0x2  }
0x1d6: {  	v4 =	vld [tilespmem:s29+$0x5900]  }
.Ltmp9:
0x1d7: {  	(pc) =	sbr.rel @p0 .LBB2_20-.Ltmp9, $3  }
0x1d8: {  	v2 =	vmul.f32 v1, v2;
	_ =	sdelay $0x1  }
0x1d9: {  	v1 =	vld [tilespmem:s29+$0x4900];
	[tilespmem:s28+$0x7900] =	vst v2;
	s28 =	smov.u32 s29  }
0x1da: {  	s29 =	sshra.s32 s30, $0x2;
	s30 =	sadd.s32 $0x40, s30;
	v2 =	vld.idx.msk [tilespmem:v3+s1+$0x0], $0xffff;
	[tilespmem:s28+$0x8100] =	vst v4  }
0x1db: {  	v3 =	vld [tilespmem:s29+$0x5100];
	_ =	sdelay $0x4  }
0x1dc: {  	v1 =	vmul.f32 v1, v2  }
0x1dd: {  	v4 =	vld [tilespmem:s29+$0x5900]  }
0x1de: {  	v2 =	vld [tilespmem:s29+$0x4900];
	[tilespmem:s28+$0x7900] =	vst v1  }
0x1df: {  	v1 =	vld.idx.msk [tilespmem:v3+s1+$0x0], $0xffff;
	_ =	sdelay $0x4  }
0x1e0: {  	v1 =	vmul.f32 v2, v1  }
0x1e1: {  	[tilespmem:s29+$0x8100] =	vst v4  }
0x1e2: {  	[tilespmem:s29+$0x7900] =	vst v1;
	s29 =	sld [smem:$0x7D4]  }
0x1e3: {  	[spmem:s14] =	stream.indirect.scatter.add.f32 [tilespmem:s10], [sflag:$0x6], $0x1, s9, s8, $0xb8;
	[tilespmem:$0xEB00] =	vst v63  }
0x1e4: {  	s30 =	simm.s32 $0x4900;
	s28 =	simm.s32 $0x0  }
0x1e5: {  	[tilespmem:s30], [sflag:$0x4] =	stream.linear.gather [hbm4b:s29+s28], $0x7D0, $0x38;
	[tilespmem:$0xEB00] =	vst v63  }
0x1e6: {  	s29 =	sld [smem:$0x7D5];
	_ =	sdelay $0x2  }
0x1e7: {  	[tilespmem:s0], [sflag:$0x4] =	stream.linear.gather [hbm4b:s29+s28], $0x7D0, $0x38;
	[tilespmem:$0xEB00] =	vst v63  }
0x1e8: {  	s29 =	sld [smem:$0x7D6];
	_ =	sdelay $0x2  }
0x1e9: {  	[tilespmem:s2], [sflag:$0x4] =	stream.linear.gather [hbm4b:s29+s28], $0x7D0, $0x38;
	[tilespmem:$0xEB00] =	vst v63  }
0x1ea: {  	_ =	swait.ge [sflag:s21], $0x7D0  }
0x1eb: {  	[sflag:s21] =	ssyncset.done $0x0  }
0x1ec: {  	[sflag:s21] =	ssyncadd.s32 $0xFFFFF830  }
0x1ed: {  	_ =	swait.ge [sflag:s21], $0x7D0  }
0x1ee: {  	[sflag:s21] =	ssyncset.done $0x0  }
0x1ef: {  	[sflag:s21] =	ssyncadd.s32 $0xFFFFF830  }
0x1f0: {  	_ =	swait.ge [sflag:s21], $0x7D0  }
0x1f1: {  	[sflag:s21] =	ssyncset.done $0x0  }
0x1f2: {  	[sflag:s21] =	ssyncadd.s32 $0xFFFFF830  }
0x1f3: {  	_ =	swait.ge [sflag:s23], $0x7D0  }
0x1f4: {  	[sflag:s23] =	ssyncset.done $0x0  }
0x1f5: {  	s28 =	simm.s32 $0x0;
	[sflag:s23] =	ssyncadd.s32 $0xFFFFF830  }
0x1f6: {  	v2 =	vld [tilespmem:s28+$0x6900];
	_ =	sdelay $0x2  }
0x1f7: {  	v3 =	vld [tilespmem:s28+$0x7100];
	_ =	sdelay $0x3  }
0x1f8: {  	v1 =	vld [tilespmem:s28+$0x6100]  }
0x1f9: {  	s30 =	simm.s32 $0x80;
	s29 =	simm.s32 $0x10;
	v2 =	vld.idx.msk [tilespmem:v2+s1+$0x0], $0xffff;
	[tilespmem:s28+$0x9100] =	vst v3  }
.LBB2_22:
0x1fa: {  	p0 =	sne.s32 s30, $0x1F00;
	v3 =	vld [tilespmem:s29+$0x6900];
	_ =	sdelay $0x2  }
0x1fb: {  	v4 =	vld [tilespmem:s29+$0x7100]  }
.Ltmp10:
0x1fc: {  	(pc) =	sbr.rel @p0 .LBB2_22-.Ltmp10, $3  }
0x1fd: {  	v2 =	vmul.f32 v1, v2;
	_ =	sdelay $0x1  }
0x1fe: {  	v1 =	vld [tilespmem:s29+$0x6100];
	[tilespmem:s28+$0x8900] =	vst v2;
	s28 =	smov.u32 s29  }
0x1ff: {  	s29 =	sshra.s32 s30, $0x2;
	s30 =	sadd.s32 $0x40, s30;
	v2 =	vld.idx.msk [tilespmem:v3+s1+$0x0], $0xffff;
	[tilespmem:s28+$0x9100] =	vst v4  }
0x200: {  	v3 =	vld [tilespmem:s29+$0x6900];
	_ =	sdelay $0x4  }
0x201: {  	v1 =	vmul.f32 v1, v2  }
0x202: {  	v4 =	vld [tilespmem:s29+$0x7100]  }
0x203: {  	v2 =	vld [tilespmem:s29+$0x6100];
	[tilespmem:s28+$0x8900] =	vst v1  }
0x204: {  	v1 =	vld.idx.msk [tilespmem:v3+s1+$0x0], $0xffff;
	_ =	sdelay $0x4  }
0x205: {  	v1 =	vmul.f32 v2, v1  }
0x206: {  	[tilespmem:s29+$0x9100] =	vst v4  }
0x207: {  	[tilespmem:s29+$0x8900] =	vst v1;
	s29 =	sld [smem:$0x7D7]  }
0x208: {  	[spmem:s14] =	stream.indirect.scatter.add.f32 [tilespmem:s13], [sflag:$0x7], $0x1, s12, s8, $0xb8;
	[tilespmem:$0xEB00] =	vst v63  }
0x209: {  	s28 =	simm.s32 $0x0  }
0x20a: {  	[tilespmem:s4], [sflag:$0x5] =	stream.linear.gather [hbm4b:s29+s28], $0x7D0, $0x38;
	[tilespmem:$0xEB00] =	vst v63  }
0x20b: {  	s29 =	sld [smem:$0x7D8];
	_ =	sdelay $0x2  }
0x20c: {  	[tilespmem:s5], [sflag:$0x5] =	stream.linear.gather [hbm4b:s29+s28], $0x7D0, $0x38;
	[tilespmem:$0xEB00] =	vst v63  }
0x20d: {  	s29 =	sld [smem:$0x7D9];
	_ =	sdelay $0x2  }
0x20e: {  	[tilespmem:s6], [sflag:$0x5] =	stream.linear.gather [hbm4b:s29+s28], $0x7D0, $0x38;
	[tilespmem:$0xEB00] =	vst v63  }
0x20f: {  	_ =	swait.ge [sflag:s7], $0x7D0  }
0x210: {  	[sflag:s7] =	ssyncset.done $0x0  }
0x211: {  	[sflag:s7] =	ssyncadd.s32 $0xFFFFF830  }
0x212: {  	_ =	swait.ge [sflag:s7], $0x7D0  }
0x213: {  	[sflag:s7] =	ssyncset.done $0x0  }
0x214: {  	[sflag:s7] =	ssyncadd.s32 $0xFFFFF830  }
0x215: {  	_ =	swait.ge [sflag:s7], $0x7D0  }
0x216: {  	[sflag:s7] =	ssyncset.done $0x0  }
0x217: {  	[sflag:s7] =	ssyncadd.s32 $0xFFFFF830  }
0x218: {  	_ =	swait.ge [sflag:s24], $0x7D0  }
0x219: {  	[sflag:s24] =	ssyncset.done $0x0  }
0x21a: {  	s28 =	simm.s32 $0x0;
	[sflag:s24] =	ssyncadd.s32 $0xFFFFF830  }
0x21b: {  	v2 =	vld [tilespmem:s28+$0x900];
	_ =	sdelay $0x2  }
0x21c: {  	v3 =	vld [tilespmem:s28+$0x1100];
	_ =	sdelay $0x3  }
0x21d: {  	v1 =	vld [tilespmem:s28+$0x100]  }
0x21e: {  	s30 =	simm.s32 $0x80;
	s29 =	simm.s32 $0x10;
	v2 =	vld.idx.msk [tilespmem:v2+s1+$0x0], $0xffff;
	[tilespmem:s28+$0xA100] =	vst v3  }
.LBB2_24:
0x21f: {  	p0 =	sne.s32 s30, $0x1F00;
	v3 =	vld [tilespmem:s29+$0x900];
	_ =	sdelay $0x2  }
0x220: {  	v4 =	vld [tilespmem:s29+$0x1100]  }
.Ltmp11:
0x221: {  	(pc) =	sbr.rel @p0 .LBB2_24-.Ltmp11, $3  }
0x222: {  	v2 =	vmul.f32 v1, v2;
	_ =	sdelay $0x1  }
0x223: {  	v1 =	vld [tilespmem:s29+$0x100];
	[tilespmem:s28+$0x9900] =	vst v2;
	s28 =	smov.u32 s29  }
0x224: {  	s29 =	sshra.s32 s30, $0x2;
	s30 =	sadd.s32 $0x40, s30;
	v2 =	vld.idx.msk [tilespmem:v3+s1+$0x0], $0xffff;
	[tilespmem:s28+$0xA100] =	vst v4  }
0x225: {  	v3 =	vld [tilespmem:s29+$0x900];
	_ =	sdelay $0x4  }
0x226: {  	v1 =	vmul.f32 v1, v2  }
0x227: {  	v4 =	vld [tilespmem:s29+$0x1100]  }
0x228: {  	v2 =	vld [tilespmem:s29+$0x100];
	[tilespmem:s28+$0x9900] =	vst v1  }
0x229: {  	v1 =	vld.idx.msk [tilespmem:v3+s1+$0x0], $0xffff;
	_ =	sdelay $0x4  }
0x22a: {  	v1 =	vmul.f32 v2, v1  }
0x22b: {  	[tilespmem:s29+$0xA100] =	vst v4  }
0x22c: {  	[tilespmem:s29+$0x9900] =	vst v1;
	s29 =	sld [smem:$0x7DA]  }
0x22d: {  	[spmem:s14] =	stream.indirect.scatter.add.f32 [tilespmem:s17], [sflag:$0x8], $0x1, s16, s8, $0xb8;
	[tilespmem:$0xEB00] =	vst v63  }
0x22e: {  	s28 =	simm.s32 $0x0  }
0x22f: {  	[tilespmem:s31], [sflag:$0x1] =	stream.linear.gather [hbm4b:s29+s28], $0x7D0, $0x38;
	[tilespmem:$0xEB00] =	vst v63  }
0x230: {  	s29 =	sld [smem:$0x7DB];
	_ =	sdelay $0x1  }
0x231: {  	s30 =	simm.s32 $0x900  }
0x232: {  	[tilespmem:s30], [sflag:$0x1] =	stream.linear.gather [hbm4b:s29+s28], $0x7D0, $0x38;
	[tilespmem:$0xEB00] =	vst v63  }
0x233: {  	s29 =	sld [smem:$0x7DC];
	_ =	sdelay $0x1  }
0x234: {  	s30 =	simm.s32 $0x1100  }
0x235: {  	[tilespmem:s30], [sflag:$0x1] =	stream.linear.gather [hbm4b:s29+s28], $0x7D0, $0x38;
	[tilespmem:$0xEB00] =	vst v63  }
0x236: {  	_ =	swait.ge [sflag:s11], $0x7D0  }
0x237: {  	[sflag:s11] =	ssyncset.done $0x0  }
0x238: {  	[sflag:s11] =	ssyncadd.s32 $0xFFFFF830  }
0x239: {  	_ =	swait.ge [sflag:s11], $0x7D0  }
0x23a: {  	[sflag:s11] =	ssyncset.done $0x0  }
0x23b: {  	[sflag:s11] =	ssyncadd.s32 $0xFFFFF830  }
0x23c: {  	_ =	swait.ge [sflag:s11], $0x7D0  }
0x23d: {  	[sflag:s11] =	ssyncset.done $0x0  }
0x23e: {  	[sflag:s11] =	ssyncadd.s32 $0xFFFFF830  }
0x23f: {  	_ =	swait.ge [sflag:s25], $0x7D0  }
0x240: {  	[sflag:s25] =	ssyncset.done $0x0  }
0x241: {  	s28 =	simm.s32 $0x0;
	[sflag:s25] =	ssyncadd.s32 $0xFFFFF830  }
0x242: {  	v2 =	vld [tilespmem:s28+$0x2100];
	_ =	sdelay $0x2  }
0x243: {  	v3 =	vld [tilespmem:s28+$0x2900];
	_ =	sdelay $0x3  }
0x244: {  	v1 =	vld [tilespmem:s28+$0x1900]  }
0x245: {  	s29 =	simm.s32 $0x10;
	s30 =	simm.s32 $0x80;
	v2 =	vld.idx.msk [tilespmem:v2+s1+$0x0], $0xffff;
	[tilespmem:s28+$0xB100] =	vst v3  }
.LBB2_26:
0x246: {  	p0 =	sne.s32 s30, $0x1F00;
	v3 =	vld [tilespmem:s29+$0x2100];
	_ =	sdelay $0x2  }
0x247: {  	v4 =	vld [tilespmem:s29+$0x2900]  }
.Ltmp12:
0x248: {  	(pc) =	sbr.rel @p0 .LBB2_26-.Ltmp12, $3  }
0x249: {  	v2 =	vmul.f32 v1, v2;
	_ =	sdelay $0x1  }
0x24a: {  	v1 =	vld [tilespmem:s29+$0x1900];
	[tilespmem:s28+$0xA900] =	vst v2;
	s28 =	smov.u32 s29  }
0x24b: {  	s29 =	sshra.s32 s30, $0x2;
	s30 =	sadd.s32 $0x40, s30;
	v2 =	vld.idx.msk [tilespmem:v3+s1+$0x0], $0xffff;
	[tilespmem:s28+$0xB100] =	vst v4  }
0x24c: {  	v3 =	vld [tilespmem:s29+$0x2100];
	_ =	sdelay $0x4  }
0x24d: {  	v1 =	vmul.f32 v1, v2  }
0x24e: {  	v4 =	vld [tilespmem:s29+$0x2900]  }
0x24f: {  	v2 =	vld [tilespmem:s29+$0x1900];
	[tilespmem:s28+$0xA900] =	vst v1  }
0x250: {  	v1 =	vld.idx.msk [tilespmem:v3+s1+$0x0], $0xffff;
	_ =	sdelay $0x4  }
0x251: {  	v1 =	vmul.f32 v2, v1  }
0x252: {  	[tilespmem:s29+$0xB100] =	vst v4  }
0x253: {  	[tilespmem:s29+$0xA900] =	vst v1;
	s29 =	sld [smem:$0x7DD]  }
0x254: {  	[spmem:s14] =	stream.indirect.scatter.add.f32 [tilespmem:s18], [sflag:$0x9], $0x1, s20, s8, $0xb8;
	[tilespmem:$0xEB00] =	vst v63  }
0x255: {  	s30 =	simm.s32 $0x1900;
	s28 =	simm.s32 $0x0  }
0x256: {  	[tilespmem:s30], [sflag:$0x2] =	stream.linear.gather [hbm4b:s29+s28], $0x7D0, $0x38;
	[tilespmem:$0xEB00] =	vst v63  }
0x257: {  	s29 =	sld [smem:$0x7DE];
	_ =	sdelay $0x1  }
0x258: {  	s30 =	simm.s32 $0x2100  }
0x259: {  	[tilespmem:s30], [sflag:$0x2] =	stream.linear.gather [hbm4b:s29+s28], $0x7D0, $0x38;
	[tilespmem:$0xEB00] =	vst v63  }
0x25a: {  	s29 =	sld [smem:$0x7DF];
	_ =	sdelay $0x1  }
0x25b: {  	s30 =	simm.s32 $0x2900  }
0x25c: {  	[tilespmem:s30], [sflag:$0x2] =	stream.linear.gather [hbm4b:s29+s28], $0x7D0, $0x38;
	[tilespmem:$0xEB00] =	vst v63  }
0x25d: {  	_ =	swait.ge [sflag:s15], $0x7D0  }
0x25e: {  	[sflag:s15] =	ssyncset.done $0x0  }
0x25f: {  	[sflag:s15] =	ssyncadd.s32 $0xFFFFF830  }
0x260: {  	_ =	swait.ge [sflag:s15], $0x7D0  }
0x261: {  	[sflag:s15] =	ssyncset.done $0x0  }
0x262: {  	[sflag:s15] =	ssyncadd.s32 $0xFFFFF830  }
0x263: {  	_ =	swait.ge [sflag:s15], $0x7D0  }
0x264: {  	[sflag:s15] =	ssyncset.done $0x0  }
0x265: {  	[sflag:s15] =	ssyncadd.s32 $0xFFFFF830  }
0x266: {  	_ =	swait.ge [sflag:s22], $0x7D0  }
0x267: {  	[sflag:s22] =	ssyncset.done $0x0  }
0x268: {  	s28 =	simm.s32 $0x0;
	[sflag:s22] =	ssyncadd.s32 $0xFFFFF830  }
0x269: {  	v2 =	vld [tilespmem:s28+$0x3900];
	_ =	sdelay $0x2  }
0x26a: {  	v3 =	vld [tilespmem:s28+$0x4100];
	_ =	sdelay $0x3  }
0x26b: {  	v1 =	vld [tilespmem:s28+$0x3100]  }
0x26c: {  	s29 =	simm.s32 $0x10;
	s30 =	simm.s32 $0x80;
	v2 =	vld.idx.msk [tilespmem:v2+s1+$0x0], $0xffff;
	[tilespmem:s28+$0x8100] =	vst v3  }
.LBB2_28:
0x26d: {  	p0 =	sne.s32 s30, $0x1F00;
	v3 =	vld [tilespmem:s29+$0x3900];
	_ =	sdelay $0x2  }
0x26e: {  	v4 =	vld [tilespmem:s29+$0x4100]  }
.Ltmp13:
0x26f: {  	(pc) =	sbr.rel @p0 .LBB2_28-.Ltmp13, $3  }
0x270: {  	v2 =	vmul.f32 v1, v2;
	_ =	sdelay $0x1  }
0x271: {  	v1 =	vld [tilespmem:s29+$0x3100];
	[tilespmem:s28+$0x7900] =	vst v2;
	s28 =	smov.u32 s29  }
0x272: {  	s29 =	sshra.s32 s30, $0x2;
	s30 =	sadd.s32 $0x40, s30;
	v2 =	vld.idx.msk [tilespmem:v3+s1+$0x0], $0xffff;
	[tilespmem:s28+$0x8100] =	vst v4  }
0x273: {  	v3 =	vld [tilespmem:s29+$0x3900];
	_ =	sdelay $0x4  }
0x274: {  	v1 =	vmul.f32 v1, v2  }
0x275: {  	v4 =	vld [tilespmem:s29+$0x4100]  }
0x276: {  	v2 =	vld [tilespmem:s29+$0x3100];
	[tilespmem:s28+$0x7900] =	vst v1  }
0x277: {  	v1 =	vld.idx.msk [tilespmem:v3+s1+$0x0], $0xffff;
	_ =	sdelay $0x4  }
0x278: {  	v1 =	vmul.f32 v2, v1  }
0x279: {  	[tilespmem:s29+$0x8100] =	vst v4  }
0x27a: {  	[tilespmem:s29+$0x7900] =	vst v1;
	s29 =	sld [smem:$0x7E0]  }
0x27b: {  	[spmem:s14] =	stream.indirect.scatter.add.f32 [tilespmem:s10], [sflag:$0x6], $0x1, s9, s8, $0xb8;
	[tilespmem:$0xEB00] =	vst v63  }
0x27c: {  	s30 =	simm.s32 $0x3100;
	s28 =	simm.s32 $0x0  }
0x27d: {  	[tilespmem:s30], [sflag:$0x3] =	stream.linear.gather [hbm4b:s29+s28], $0x7D0, $0x38;
	[tilespmem:$0xEB00] =	vst v63  }
0x27e: {  	s29 =	sld [smem:$0x7E1];
	_ =	sdelay $0x1  }
0x27f: {  	s30 =	simm.s32 $0x3900  }
0x280: {  	[tilespmem:s30], [sflag:$0x3] =	stream.linear.gather [hbm4b:s29+s28], $0x7D0, $0x38;
	[tilespmem:$0xEB00] =	vst v63  }
0x281: {  	s29 =	sld [smem:$0x7E2];
	_ =	sdelay $0x1  }
0x282: {  	s30 =	simm.s32 $0x4100  }
0x283: {  	[tilespmem:s30], [sflag:$0x3] =	stream.linear.gather [hbm4b:s29+s28], $0x7D0, $0x38;
	[tilespmem:$0xEB00] =	vst v63  }
0x284: {  	_ =	swait.ge [sflag:s19], $0x7D0  }
0x285: {  	[sflag:s19] =	ssyncset.done $0x0  }
0x286: {  	[sflag:s19] =	ssyncadd.s32 $0xFFFFF830  }
0x287: {  	_ =	swait.ge [sflag:s19], $0x7D0  }
0x288: {  	[sflag:s19] =	ssyncset.done $0x0  }
0x289: {  	[sflag:s19] =	ssyncadd.s32 $0xFFFFF830  }
0x28a: {  	_ =	swait.ge [sflag:s19], $0x7D0  }
0x28b: {  	[sflag:s19] =	ssyncset.done $0x0  }
0x28c: {  	[sflag:s19] =	ssyncadd.s32 $0xFFFFF830  }
0x28d: {  	_ =	swait.ge [sflag:s23], $0x7D0  }
0x28e: {  	[sflag:s23] =	ssyncset.done $0x0  }
0x28f: {  	s28 =	simm.s32 $0x0;
	[sflag:s23] =	ssyncadd.s32 $0xFFFFF830  }
0x290: {  	v2 =	vld [tilespmem:s28+$0x5100];
	_ =	sdelay $0x2  }
0x291: {  	v3 =	vld [tilespmem:s28+$0x5900];
	_ =	sdelay $0x3  }
0x292: {  	v1 =	vld [tilespmem:s28+$0x4900]  }
0x293: {  	s29 =	simm.s32 $0x10;
	s30 =	simm.s32 $0x80;
	v2 =	vld.idx.msk [tilespmem:v2+s1+$0x0], $0xffff;
	[tilespmem:s28+$0x9100] =	vst v3  }
.LBB2_30:
0x294: {  	p0 =	sne.s32 s30, $0x1F00;
	v3 =	vld [tilespmem:s29+$0x5100];
	_ =	sdelay $0x2  }
0x295: {  	v4 =	vld [tilespmem:s29+$0x5900]  }
.Ltmp14:
0x296: {  	(pc) =	sbr.rel @p0 .LBB2_30-.Ltmp14, $3  }
0x297: {  	v2 =	vmul.f32 v1, v2;
	_ =	sdelay $0x1  }
0x298: {  	v1 =	vld [tilespmem:s29+$0x4900];
	[tilespmem:s28+$0x8900] =	vst v2;
	s28 =	smov.u32 s29  }
0x299: {  	s29 =	sshra.s32 s30, $0x2;
	s30 =	sadd.s32 $0x40, s30;
	v2 =	vld.idx.msk [tilespmem:v3+s1+$0x0], $0xffff;
	[tilespmem:s28+$0x9100] =	vst v4  }
0x29a: {  	v3 =	vld [tilespmem:s29+$0x5100];
	_ =	sdelay $0x4  }
0x29b: {  	v1 =	vmul.f32 v1, v2  }
0x29c: {  	v4 =	vld [tilespmem:s29+$0x5900]  }
0x29d: {  	v2 =	vld [tilespmem:s29+$0x4900];
	[tilespmem:s28+$0x8900] =	vst v1  }
0x29e: {  	v1 =	vld.idx.msk [tilespmem:v3+s1+$0x0], $0xffff;
	_ =	sdelay $0x4  }
0x29f: {  	v1 =	vmul.f32 v2, v1  }
0x2a0: {  	[tilespmem:s29+$0x9100] =	vst v4  }
0x2a1: {  	[tilespmem:s29+$0x8900] =	vst v1;
	s29 =	sld [smem:$0x7E3]  }
0x2a2: {  	[spmem:s14] =	stream.indirect.scatter.add.f32 [tilespmem:s13], [sflag:$0x7], $0x1, s12, s8, $0xb8;
	[tilespmem:$0xEB00] =	vst v63  }
0x2a3: {  	s30 =	simm.s32 $0x4900;
	s28 =	simm.s32 $0x0  }
0x2a4: {  	[tilespmem:s30], [sflag:$0x4] =	stream.linear.gather [hbm4b:s29+s28], $0x7D0, $0x38;
	[tilespmem:$0xEB00] =	vst v63  }
0x2a5: {  	s29 =	sld [smem:$0x7E4];
	_ =	sdelay $0x2  }
0x2a6: {  	[tilespmem:s0], [sflag:$0x4] =	stream.linear.gather [hbm4b:s29+s28], $0x7D0, $0x38;
	[tilespmem:$0xEB00] =	vst v63  }
0x2a7: {  	s29 =	sld [smem:$0x7E5];
	_ =	sdelay $0x2  }
0x2a8: {  	[tilespmem:s2], [sflag:$0x4] =	stream.linear.gather [hbm4b:s29+s28], $0x7D0, $0x38;
	[tilespmem:$0xEB00] =	vst v63  }
0x2a9: {  	_ =	swait.ge [sflag:s21], $0x7D0  }
0x2aa: {  	[sflag:s21] =	ssyncset.done $0x0  }
0x2ab: {  	[sflag:s21] =	ssyncadd.s32 $0xFFFFF830  }
0x2ac: {  	_ =	swait.ge [sflag:s21], $0x7D0  }
0x2ad: {  	[sflag:s21] =	ssyncset.done $0x0  }
0x2ae: {  	[sflag:s21] =	ssyncadd.s32 $0xFFFFF830  }
0x2af: {  	_ =	swait.ge [sflag:s21], $0x7D0  }
0x2b0: {  	[sflag:s21] =	ssyncset.done $0x0  }
0x2b1: {  	[sflag:s21] =	ssyncadd.s32 $0xFFFFF830  }
0x2b2: {  	_ =	swait.ge [sflag:s24], $0x7D0  }
0x2b3: {  	[sflag:s24] =	ssyncset.done $0x0  }
0x2b4: {  	s28 =	simm.s32 $0x0;
	[sflag:s24] =	ssyncadd.s32 $0xFFFFF830  }
0x2b5: {  	v2 =	vld [tilespmem:s28+$0x6900];
	_ =	sdelay $0x2  }
0x2b6: {  	v3 =	vld [tilespmem:s28+$0x7100];
	_ =	sdelay $0x3  }
0x2b7: {  	v1 =	vld [tilespmem:s28+$0x6100]  }
0x2b8: {  	s30 =	simm.s32 $0x80;
	s29 =	simm.s32 $0x10;
	v2 =	vld.idx.msk [tilespmem:v2+s1+$0x0], $0xffff;
	[tilespmem:s28+$0xA100] =	vst v3  }
.LBB2_32:
0x2b9: {  	p0 =	sne.s32 s30, $0x1F00;
	v3 =	vld [tilespmem:s29+$0x6900];
	_ =	sdelay $0x2  }
0x2ba: {  	v4 =	vld [tilespmem:s29+$0x7100]  }
.Ltmp15:
0x2bb: {  	(pc) =	sbr.rel @p0 .LBB2_32-.Ltmp15, $3  }
0x2bc: {  	v2 =	vmul.f32 v1, v2;
	_ =	sdelay $0x1  }
0x2bd: {  	v1 =	vld [tilespmem:s29+$0x6100];
	[tilespmem:s28+$0x9900] =	vst v2;
	s28 =	smov.u32 s29  }
0x2be: {  	s29 =	sshra.s32 s30, $0x2;
	s30 =	sadd.s32 $0x40, s30;
	v2 =	vld.idx.msk [tilespmem:v3+s1+$0x0], $0xffff;
	[tilespmem:s28+$0xA100] =	vst v4  }
0x2bf: {  	v3 =	vld [tilespmem:s29+$0x6900];
	_ =	sdelay $0x4  }
0x2c0: {  	v1 =	vmul.f32 v1, v2  }
0x2c1: {  	v4 =	vld [tilespmem:s29+$0x7100]  }
0x2c2: {  	v2 =	vld [tilespmem:s29+$0x6100];
	[tilespmem:s28+$0x9900] =	vst v1  }
0x2c3: {  	v1 =	vld.idx.msk [tilespmem:v3+s1+$0x0], $0xffff;
	_ =	sdelay $0x4  }
0x2c4: {  	v1 =	vmul.f32 v2, v1  }
0x2c5: {  	[tilespmem:s29+$0xA100] =	vst v4  }
0x2c6: {  	[tilespmem:s29+$0x9900] =	vst v1;
	s29 =	sld [smem:$0x7E6]  }
0x2c7: {  	[spmem:s14] =	stream.indirect.scatter.add.f32 [tilespmem:s17], [sflag:$0x8], $0x1, s16, s8, $0xb8;
	[tilespmem:$0xEB00] =	vst v63  }
0x2c8: {  	s28 =	simm.s32 $0x0  }
0x2c9: {  	[tilespmem:s4], [sflag:$0x5] =	stream.linear.gather [hbm4b:s29+s28], $0x7D0, $0x38;
	[tilespmem:$0xEB00] =	vst v63  }
0x2ca: {  	s29 =	sld [smem:$0x7E7];
	_ =	sdelay $0x2  }
0x2cb: {  	[tilespmem:s5], [sflag:$0x5] =	stream.linear.gather [hbm4b:s29+s28], $0x7D0, $0x38;
	[tilespmem:$0xEB00] =	vst v63  }
0x2cc: {  	s29 =	sld [smem:$0x7E8];
	_ =	sdelay $0x2  }
0x2cd: {  	[tilespmem:s6], [sflag:$0x5] =	stream.linear.gather [hbm4b:s29+s28], $0x7D0, $0x38;
	[tilespmem:$0xEB00] =	vst v63  }
0x2ce: {  	_ =	swait.ge [sflag:s7], $0x7D0  }
0x2cf: {  	[sflag:s7] =	ssyncset.done $0x0  }
0x2d0: {  	[sflag:s7] =	ssyncadd.s32 $0xFFFFF830  }
0x2d1: {  	_ =	swait.ge [sflag:s7], $0x7D0  }
0x2d2: {  	[sflag:s7] =	ssyncset.done $0x0  }
0x2d3: {  	[sflag:s7] =	ssyncadd.s32 $0xFFFFF830  }
0x2d4: {  	_ =	swait.ge [sflag:s7], $0x7D0  }
0x2d5: {  	[sflag:s7] =	ssyncset.done $0x0  }
0x2d6: {  	[sflag:s7] =	ssyncadd.s32 $0xFFFFF830  }
0x2d7: {  	_ =	swait.ge [sflag:s25], $0x7D0  }
0x2d8: {  	[sflag:s25] =	ssyncset.done $0x0  }
0x2d9: {  	s28 =	simm.s32 $0x0;
	[sflag:s25] =	ssyncadd.s32 $0xFFFFF830  }
0x2da: {  	v2 =	vld [tilespmem:s28+$0x900];
	_ =	sdelay $0x2  }
0x2db: {  	v3 =	vld [tilespmem:s28+$0x1100];
	_ =	sdelay $0x3  }
0x2dc: {  	v1 =	vld [tilespmem:s28+$0x100]  }
0x2dd: {  	s30 =	simm.s32 $0x80;
	s29 =	simm.s32 $0x10;
	v2 =	vld.idx.msk [tilespmem:v2+s1+$0x0], $0xffff;
	[tilespmem:s28+$0xB100] =	vst v3  }
.LBB2_34:
0x2de: {  	p0 =	sne.s32 s30, $0x1F00;
	v3 =	vld [tilespmem:s29+$0x900];
	_ =	sdelay $0x2  }
0x2df: {  	v4 =	vld [tilespmem:s29+$0x1100]  }
.Ltmp16:
0x2e0: {  	(pc) =	sbr.rel @p0 .LBB2_34-.Ltmp16, $3  }
0x2e1: {  	v2 =	vmul.f32 v1, v2;
	_ =	sdelay $0x1  }
0x2e2: {  	v1 =	vld [tilespmem:s29+$0x100];
	[tilespmem:s28+$0xA900] =	vst v2;
	s28 =	smov.u32 s29  }
0x2e3: {  	s29 =	sshra.s32 s30, $0x2;
	s30 =	sadd.s32 $0x40, s30;
	v2 =	vld.idx.msk [tilespmem:v3+s1+$0x0], $0xffff;
	[tilespmem:s28+$0xB100] =	vst v4  }
0x2e4: {  	v3 =	vld [tilespmem:s29+$0x900];
	_ =	sdelay $0x4  }
0x2e5: {  	v1 =	vmul.f32 v1, v2  }
0x2e6: {  	v4 =	vld [tilespmem:s29+$0x1100]  }
0x2e7: {  	v2 =	vld [tilespmem:s29+$0x100];
	[tilespmem:s28+$0xA900] =	vst v1  }
0x2e8: {  	v1 =	vld.idx.msk [tilespmem:v3+s1+$0x0], $0xffff;
	_ =	sdelay $0x4  }
0x2e9: {  	v1 =	vmul.f32 v2, v1  }
0x2ea: {  	[tilespmem:s29+$0xB100] =	vst v4  }
0x2eb: {  	[tilespmem:s29+$0xA900] =	vst v1;
	s29 =	sld [smem:$0x7E9]  }
0x2ec: {  	[spmem:s14] =	stream.indirect.scatter.add.f32 [tilespmem:s18], [sflag:$0x9], $0x1, s20, s8, $0xb8;
	[tilespmem:$0xEB00] =	vst v63  }
0x2ed: {  	s28 =	simm.s32 $0x0  }
0x2ee: {  	[tilespmem:s31], [sflag:$0x1] =	stream.linear.gather [hbm4b:s29+s28], $0x7D0, $0x38;
	[tilespmem:$0xEB00] =	vst v63  }
0x2ef: {  	s29 =	sld [smem:$0x7EA];
	_ =	sdelay $0x1  }
0x2f0: {  	s30 =	simm.s32 $0x900  }
0x2f1: {  	[tilespmem:s30], [sflag:$0x1] =	stream.linear.gather [hbm4b:s29+s28], $0x7D0, $0x38;
	[tilespmem:$0xEB00] =	vst v63  }
0x2f2: {  	s29 =	sld [smem:$0x7EB];
	_ =	sdelay $0x1  }
0x2f3: {  	s30 =	simm.s32 $0x1100  }
0x2f4: {  	[tilespmem:s30], [sflag:$0x1] =	stream.linear.gather [hbm4b:s29+s28], $0x7D0, $0x38;
	[tilespmem:$0xEB00] =	vst v63  }
0x2f5: {  	_ =	swait.ge [sflag:s11], $0x7D0  }
0x2f6: {  	[sflag:s11] =	ssyncset.done $0x0  }
0x2f7: {  	[sflag:s11] =	ssyncadd.s32 $0xFFFFF830  }
0x2f8: {  	_ =	swait.ge [sflag:s11], $0x7D0  }
0x2f9: {  	[sflag:s11] =	ssyncset.done $0x0  }
0x2fa: {  	[sflag:s11] =	ssyncadd.s32 $0xFFFFF830  }
0x2fb: {  	_ =	swait.ge [sflag:s11], $0x7D0  }
0x2fc: {  	[sflag:s11] =	ssyncset.done $0x0  }
0x2fd: {  	[sflag:s11] =	ssyncadd.s32 $0xFFFFF830  }
0x2fe: {  	_ =	swait.ge [sflag:s22], $0x7D0  }
0x2ff: {  	[sflag:s22] =	ssyncset.done $0x0  }
0x300: {  	s28 =	simm.s32 $0x0;
	[sflag:s22] =	ssyncadd.s32 $0xFFFFF830  }
0x301: {  	v2 =	vld [tilespmem:s28+$0x2100];
	_ =	sdelay $0x2  }
0x302: {  	v3 =	vld [tilespmem:s28+$0x2900];
	_ =	sdelay $0x3  }
0x303: {  	v1 =	vld [tilespmem:s28+$0x1900]  }
0x304: {  	s29 =	simm.s32 $0x10;
	s30 =	simm.s32 $0x80;
	v2 =	vld.idx.msk [tilespmem:v2+s1+$0x0], $0xffff;
	[tilespmem:s28+$0x8100] =	vst v3  }
.LBB2_36:
0x305: {  	p0 =	sne.s32 s30, $0x1F00;
	v3 =	vld [tilespmem:s29+$0x2100];
	_ =	sdelay $0x2  }
0x306: {  	v4 =	vld [tilespmem:s29+$0x2900]  }
.Ltmp17:
0x307: {  	(pc) =	sbr.rel @p0 .LBB2_36-.Ltmp17, $3  }
0x308: {  	v2 =	vmul.f32 v1, v2;
	_ =	sdelay $0x1  }
0x309: {  	v1 =	vld [tilespmem:s29+$0x1900];
	[tilespmem:s28+$0x7900] =	vst v2;
	s28 =	smov.u32 s29  }
0x30a: {  	s29 =	sshra.s32 s30, $0x2;
	s30 =	sadd.s32 $0x40, s30;
	v2 =	vld.idx.msk [tilespmem:v3+s1+$0x0], $0xffff;
	[tilespmem:s28+$0x8100] =	vst v4  }
0x30b: {  	v3 =	vld [tilespmem:s29+$0x2100];
	_ =	sdelay $0x4  }
0x30c: {  	v1 =	vmul.f32 v1, v2  }
0x30d: {  	v4 =	vld [tilespmem:s29+$0x2900]  }
0x30e: {  	v2 =	vld [tilespmem:s29+$0x1900];
	[tilespmem:s28+$0x7900] =	vst v1  }
0x30f: {  	v1 =	vld.idx.msk [tilespmem:v3+s1+$0x0], $0xffff;
	_ =	sdelay $0x4  }
0x310: {  	v1 =	vmul.f32 v2, v1  }
0x311: {  	[tilespmem:s29+$0x8100] =	vst v4  }
0x312: {  	[tilespmem:s29+$0x7900] =	vst v1;
	s29 =	sld [smem:$0x7EC]  }
0x313: {  	[spmem:s14] =	stream.indirect.scatter.add.f32 [tilespmem:s10], [sflag:$0x6], $0x1, s9, s8, $0xb8;
	[tilespmem:$0xEB00] =	vst v63  }
0x314: {  	s30 =	simm.s32 $0x1900;
	s28 =	simm.s32 $0x0  }
0x315: {  	[tilespmem:s30], [sflag:$0x2] =	stream.linear.gather [hbm4b:s29+s28], $0x7D0, $0x38;
	[tilespmem:$0xEB00] =	vst v63  }
0x316: {  	s29 =	sld [smem:$0x7ED];
	_ =	sdelay $0x1  }
0x317: {  	s30 =	simm.s32 $0x2100  }
0x318: {  	[tilespmem:s30], [sflag:$0x2] =	stream.linear.gather [hbm4b:s29+s28], $0x7D0, $0x38;
	[tilespmem:$0xEB00] =	vst v63  }
0x319: {  	s29 =	sld [smem:$0x7EE];
	_ =	sdelay $0x1  }
0x31a: {  	s30 =	simm.s32 $0x2900  }
0x31b: {  	[tilespmem:s30], [sflag:$0x2] =	stream.linear.gather [hbm4b:s29+s28], $0x7D0, $0x38;
	[tilespmem:$0xEB00] =	vst v63  }
0x31c: {  	_ =	swait.ge [sflag:s15], $0x7D0  }
0x31d: {  	[sflag:s15] =	ssyncset.done $0x0  }
0x31e: {  	[sflag:s15] =	ssyncadd.s32 $0xFFFFF830  }
0x31f: {  	_ =	swait.ge [sflag:s15], $0x7D0  }
0x320: {  	[sflag:s15] =	ssyncset.done $0x0  }
0x321: {  	[sflag:s15] =	ssyncadd.s32 $0xFFFFF830  }
0x322: {  	_ =	swait.ge [sflag:s15], $0x7D0  }
0x323: {  	[sflag:s15] =	ssyncset.done $0x0  }
0x324: {  	[sflag:s15] =	ssyncadd.s32 $0xFFFFF830  }
0x325: {  	_ =	swait.ge [sflag:s23], $0x7D0  }
0x326: {  	[sflag:s23] =	ssyncset.done $0x0  }
0x327: {  	s28 =	simm.s32 $0x0;
	[sflag:s23] =	ssyncadd.s32 $0xFFFFF830  }
0x328: {  	v2 =	vld [tilespmem:s28+$0x3900];
	_ =	sdelay $0x2  }
0x329: {  	v3 =	vld [tilespmem:s28+$0x4100];
	_ =	sdelay $0x3  }
0x32a: {  	v1 =	vld [tilespmem:s28+$0x3100]  }
0x32b: {  	s29 =	simm.s32 $0x10;
	s30 =	simm.s32 $0x80;
	v2 =	vld.idx.msk [tilespmem:v2+s1+$0x0], $0xffff;
	[tilespmem:s28+$0x9100] =	vst v3  }
.LBB2_38:
0x32c: {  	p0 =	sne.s32 s30, $0x1F00;
	v3 =	vld [tilespmem:s29+$0x3900];
	_ =	sdelay $0x2  }
0x32d: {  	v4 =	vld [tilespmem:s29+$0x4100]  }
.Ltmp18:
0x32e: {  	(pc) =	sbr.rel @p0 .LBB2_38-.Ltmp18, $3  }
0x32f: {  	v2 =	vmul.f32 v1, v2;
	_ =	sdelay $0x1  }
0x330: {  	v1 =	vld [tilespmem:s29+$0x3100];
	[tilespmem:s28+$0x8900] =	vst v2;
	s28 =	smov.u32 s29  }
0x331: {  	s29 =	sshra.s32 s30, $0x2;
	s30 =	sadd.s32 $0x40, s30;
	v2 =	vld.idx.msk [tilespmem:v3+s1+$0x0], $0xffff;
	[tilespmem:s28+$0x9100] =	vst v4  }
0x332: {  	v3 =	vld [tilespmem:s29+$0x3900];
	_ =	sdelay $0x4  }
0x333: {  	v1 =	vmul.f32 v1, v2  }
0x334: {  	v4 =	vld [tilespmem:s29+$0x4100]  }
0x335: {  	v2 =	vld [tilespmem:s29+$0x3100];
	[tilespmem:s28+$0x8900] =	vst v1  }
0x336: {  	v1 =	vld.idx.msk [tilespmem:v3+s1+$0x0], $0xffff;
	_ =	sdelay $0x4  }
0x337: {  	v1 =	vmul.f32 v2, v1  }
0x338: {  	[tilespmem:s29+$0x9100] =	vst v4  }
0x339: {  	[tilespmem:s29+$0x8900] =	vst v1;
	s29 =	sld [smem:$0x7EF]  }
0x33a: {  	[spmem:s14] =	stream.indirect.scatter.add.f32 [tilespmem:s13], [sflag:$0x7], $0x1, s12, s8, $0xb8;
	[tilespmem:$0xEB00] =	vst v63  }
0x33b: {  	s30 =	simm.s32 $0x3100;
	s28 =	simm.s32 $0x0  }
0x33c: {  	[tilespmem:s30], [sflag:$0x3] =	stream.linear.gather [hbm4b:s29+s28], $0x7D0, $0x38;
	[tilespmem:$0xEB00] =	vst v63  }
0x33d: {  	s29 =	sld [smem:$0x7F0];
	_ =	sdelay $0x1  }
0x33e: {  	s30 =	simm.s32 $0x3900  }
0x33f: {  	[tilespmem:s30], [sflag:$0x3] =	stream.linear.gather [hbm4b:s29+s28], $0x7D0, $0x38;
	[tilespmem:$0xEB00] =	vst v63  }
0x340: {  	s29 =	sld [smem:$0x7F1];
	_ =	sdelay $0x1  }
0x341: {  	s30 =	simm.s32 $0x4100  }
0x342: {  	[tilespmem:s30], [sflag:$0x3] =	stream.linear.gather [hbm4b:s29+s28], $0x7D0, $0x38;
	[tilespmem:$0xEB00] =	vst v63  }
0x343: {  	_ =	swait.ge [sflag:s19], $0x7D0  }
0x344: {  	[sflag:s19] =	ssyncset.done $0x0  }
0x345: {  	[sflag:s19] =	ssyncadd.s32 $0xFFFFF830  }
0x346: {  	_ =	swait.ge [sflag:s19], $0x7D0  }
0x347: {  	[sflag:s19] =	ssyncset.done $0x0  }
0x348: {  	[sflag:s19] =	ssyncadd.s32 $0xFFFFF830  }
0x349: {  	_ =	swait.ge [sflag:s19], $0x7D0  }
0x34a: {  	[sflag:s19] =	ssyncset.done $0x0  }
0x34b: {  	[sflag:s19] =	ssyncadd.s32 $0xFFFFF830  }
0x34c: {  	_ =	swait.ge [sflag:s24], $0x7D0  }
0x34d: {  	[sflag:s24] =	ssyncset.done $0x0  }
0x34e: {  	s28 =	simm.s32 $0x0;
	[sflag:s24] =	ssyncadd.s32 $0xFFFFF830  }
0x34f: {  	v2 =	vld [tilespmem:s28+$0x5100];
	_ =	sdelay $0x2  }
0x350: {  	v3 =	vld [tilespmem:s28+$0x5900];
	_ =	sdelay $0x3  }
0x351: {  	v1 =	vld [tilespmem:s28+$0x4900]  }
0x352: {  	s29 =	simm.s32 $0x10;
	s30 =	simm.s32 $0x80;
	v2 =	vld.idx.msk [tilespmem:v2+s1+$0x0], $0xffff;
	[tilespmem:s28+$0xA100] =	vst v3  }
.LBB2_40:
0x353: {  	p0 =	sne.s32 s30, $0x1F00;
	v3 =	vld [tilespmem:s29+$0x5100];
	_ =	sdelay $0x2  }
0x354: {  	v4 =	vld [tilespmem:s29+$0x5900]  }
.Ltmp19:
0x355: {  	(pc) =	sbr.rel @p0 .LBB2_40-.Ltmp19, $3  }
0x356: {  	v2 =	vmul.f32 v1, v2;
	_ =	sdelay $0x1  }
0x357: {  	v1 =	vld [tilespmem:s29+$0x4900];
	[tilespmem:s28+$0x9900] =	vst v2;
	s28 =	smov.u32 s29  }
0x358: {  	s29 =	sshra.s32 s30, $0x2;
	s30 =	sadd.s32 $0x40, s30;
	v2 =	vld.idx.msk [tilespmem:v3+s1+$0x0], $0xffff;
	[tilespmem:s28+$0xA100] =	vst v4  }
0x359: {  	v3 =	vld [tilespmem:s29+$0x5100];
	_ =	sdelay $0x4  }
0x35a: {  	v1 =	vmul.f32 v1, v2  }
0x35b: {  	v4 =	vld [tilespmem:s29+$0x5900]  }
0x35c: {  	v2 =	vld [tilespmem:s29+$0x4900];
	[tilespmem:s28+$0x9900] =	vst v1  }
0x35d: {  	v1 =	vld.idx.msk [tilespmem:v3+s1+$0x0], $0xffff;
	_ =	sdelay $0x4  }
0x35e: {  	v1 =	vmul.f32 v2, v1  }
0x35f: {  	[tilespmem:s29+$0xA100] =	vst v4  }
0x360: {  	[tilespmem:s29+$0x9900] =	vst v1;
	s29 =	sld [smem:$0x7F2]  }
0x361: {  	[spmem:s14] =	stream.indirect.scatter.add.f32 [tilespmem:s17], [sflag:$0x8], $0x1, s16, s8, $0xb8;
	[tilespmem:$0xEB00] =	vst v63  }
0x362: {  	s30 =	simm.s32 $0x4900;
	s28 =	simm.s32 $0x0  }
0x363: {  	[tilespmem:s30], [sflag:$0x4] =	stream.linear.gather [hbm4b:s29+s28], $0x7D0, $0x38;
	[tilespmem:$0xEB00] =	vst v63  }
0x364: {  	s29 =	sld [smem:$0x7F3];
	_ =	sdelay $0x2  }
0x365: {  	[tilespmem:s0], [sflag:$0x4] =	stream.linear.gather [hbm4b:s29+s28], $0x7D0, $0x38;
	[tilespmem:$0xEB00] =	vst v63  }
0x366: {  	s29 =	sld [smem:$0x7F4];
	_ =	sdelay $0x2  }
0x367: {  	[tilespmem:s2], [sflag:$0x4] =	stream.linear.gather [hbm4b:s29+s28], $0x7D0, $0x38;
	[tilespmem:$0xEB00] =	vst v63  }
0x368: {  	_ =	swait.ge [sflag:s21], $0x7D0  }
0x369: {  	[sflag:s21] =	ssyncset.done $0x0  }
0x36a: {  	[sflag:s21] =	ssyncadd.s32 $0xFFFFF830  }
0x36b: {  	_ =	swait.ge [sflag:s21], $0x7D0  }
0x36c: {  	[sflag:s21] =	ssyncset.done $0x0  }
0x36d: {  	[sflag:s21] =	ssyncadd.s32 $0xFFFFF830  }
0x36e: {  	_ =	swait.ge [sflag:s21], $0x7D0  }
0x36f: {  	[sflag:s21] =	ssyncset.done $0x0  }
0x370: {  	[sflag:s21] =	ssyncadd.s32 $0xFFFFF830  }
0x371: {  	_ =	swait.ge [sflag:s25], $0x7D0  }
0x372: {  	[sflag:s25] =	ssyncset.done $0x0  }
0x373: {  	s28 =	simm.s32 $0x0;
	[sflag:s25] =	ssyncadd.s32 $0xFFFFF830  }
0x374: {  	v2 =	vld [tilespmem:s28+$0x6900];
	_ =	sdelay $0x2  }
0x375: {  	v3 =	vld [tilespmem:s28+$0x7100];
	_ =	sdelay $0x3  }
0x376: {  	v1 =	vld [tilespmem:s28+$0x6100]  }
0x377: {  	s30 =	simm.s32 $0x80;
	s29 =	simm.s32 $0x10;
	v2 =	vld.idx.msk [tilespmem:v2+s1+$0x0], $0xffff;
	[tilespmem:s28+$0xB100] =	vst v3  }
.LBB2_42:
0x378: {  	p0 =	sne.s32 s30, $0x1F00;
	v3 =	vld [tilespmem:s29+$0x6900];
	_ =	sdelay $0x2  }
0x379: {  	v4 =	vld [tilespmem:s29+$0x7100]  }
.Ltmp20:
0x37a: {  	(pc) =	sbr.rel @p0 .LBB2_42-.Ltmp20, $3  }
0x37b: {  	v2 =	vmul.f32 v1, v2;
	_ =	sdelay $0x1  }
0x37c: {  	v1 =	vld [tilespmem:s29+$0x6100];
	[tilespmem:s28+$0xA900] =	vst v2;
	s28 =	smov.u32 s29  }
0x37d: {  	s29 =	sshra.s32 s30, $0x2;
	s30 =	sadd.s32 $0x40, s30;
	v2 =	vld.idx.msk [tilespmem:v3+s1+$0x0], $0xffff;
	[tilespmem:s28+$0xB100] =	vst v4  }
0x37e: {  	v3 =	vld [tilespmem:s29+$0x6900];
	_ =	sdelay $0x4  }
0x37f: {  	v1 =	vmul.f32 v1, v2  }
0x380: {  	v4 =	vld [tilespmem:s29+$0x7100]  }
0x381: {  	v2 =	vld [tilespmem:s29+$0x6100];
	[tilespmem:s28+$0xA900] =	vst v1  }
0x382: {  	v1 =	vld.idx.msk [tilespmem:v3+s1+$0x0], $0xffff;
	_ =	sdelay $0x4  }
0x383: {  	v1 =	vmul.f32 v2, v1  }
0x384: {  	[tilespmem:s29+$0xB100] =	vst v4  }
0x385: {  	[tilespmem:s29+$0xA900] =	vst v1;
	s29 =	sld [smem:$0x7F8]  }
0x386: {  	[spmem:s14] =	stream.indirect.scatter.add.f32 [tilespmem:s18], [sflag:$0x9], $0x1, s20, s8, $0xb8;
	[tilespmem:$0xEB00] =	vst v63  }
0x387: {  	s28 =	simm.s32 $0x0  }
0x388: {  	[tilespmem:s4], [sflag:$0x5] =	stream.linear.gather [hbm4b:s29+s28], $0x7D0, $0x38;
	[tilespmem:$0xEB00] =	vst v63  }
0x389: {  	s29 =	sld [smem:$0x7F9];
	_ =	sdelay $0x2  }
0x38a: {  	[tilespmem:s5], [sflag:$0x5] =	stream.linear.gather [hbm4b:s29+s28], $0x7D0, $0x38;
	[tilespmem:$0xEB00] =	vst v63  }
0x38b: {  	s29 =	sld [smem:$0x7FA];
	_ =	sdelay $0x2  }
0x38c: {  	[tilespmem:s6], [sflag:$0x5] =	stream.linear.gather [hbm4b:s29+s28], $0x7D0, $0x38;
	[tilespmem:$0xEB00] =	vst v63  }
0x38d: {  	_ =	swait.ge [sflag:s7], $0x7D0  }
0x38e: {  	[sflag:s7] =	ssyncset.done $0x0  }
0x38f: {  	[sflag:s7] =	ssyncadd.s32 $0xFFFFF830  }
0x390: {  	_ =	swait.ge [sflag:s7], $0x7D0  }
0x391: {  	[sflag:s7] =	ssyncset.done $0x0  }
0x392: {  	[sflag:s7] =	ssyncadd.s32 $0xFFFFF830  }
0x393: {  	_ =	swait.ge [sflag:s7], $0x7D0  }
0x394: {  	[sflag:s7] =	ssyncset.done $0x0  }
0x395: {  	[sflag:s7] =	ssyncadd.s32 $0xFFFFF830  }
0x396: {  	_ =	swait.ge [sflag:s22], $0x7D0  }
0x397: {  	[sflag:s22] =	ssyncset.done $0x0  }
0x398: {  	s28 =	simm.s32 $0x0;
	[sflag:s22] =	ssyncadd.s32 $0xFFFFF830  }
0x399: {  	v2 =	vld [tilespmem:s28+$0x900];
	_ =	sdelay $0x2  }
0x39a: {  	v3 =	vld [tilespmem:s28+$0x1100];
	_ =	sdelay $0x3  }
0x39b: {  	v1 =	vld [tilespmem:s28+$0x100]  }
0x39c: {  	s30 =	simm.s32 $0x80;
	s29 =	simm.s32 $0x10;
	v2 =	vld.idx.msk [tilespmem:v2+s1+$0x0], $0xffff;
	[tilespmem:s28+$0x8100] =	vst v3  }
.LBB2_44:
0x39d: {  	p0 =	sne.s32 s30, $0x1F00;
	v3 =	vld [tilespmem:s29+$0x900];
	_ =	sdelay $0x2  }
0x39e: {  	v4 =	vld [tilespmem:s29+$0x1100]  }
.Ltmp21:
0x39f: {  	(pc) =	sbr.rel @p0 .LBB2_44-.Ltmp21, $3  }
0x3a0: {  	v2 =	vmul.f32 v1, v2;
	_ =	sdelay $0x1  }
0x3a1: {  	v1 =	vld [tilespmem:s29+$0x100];
	[tilespmem:s28+$0x7900] =	vst v2;
	s28 =	smov.u32 s29  }
0x3a2: {  	s29 =	sshra.s32 s30, $0x2;
	s30 =	sadd.s32 $0x40, s30;
	v2 =	vld.idx.msk [tilespmem:v3+s1+$0x0], $0xffff;
	[tilespmem:s28+$0x8100] =	vst v4  }
0x3a3: {  	v3 =	vld [tilespmem:s29+$0x900];
	_ =	sdelay $0x4  }
0x3a4: {  	v1 =	vmul.f32 v1, v2  }
0x3a5: {  	v4 =	vld [tilespmem:s29+$0x1100]  }
0x3a6: {  	v2 =	vld [tilespmem:s29+$0x100];
	[tilespmem:s28+$0x7900] =	vst v1  }
0x3a7: {  	v1 =	vld.idx.msk [tilespmem:v3+s1+$0x0], $0xffff;
	_ =	sdelay $0x4  }
0x3a8: {  	v1 =	vmul.f32 v2, v1  }
0x3a9: {  	[tilespmem:s29+$0x8100] =	vst v4  }
0x3aa: {  	[tilespmem:s29+$0x7900] =	vst v1  }
0x3ab: {  	[spmem:s14] =	stream.indirect.scatter.add.f32 [tilespmem:s10], [sflag:$0x6], $0x1, s9, s8, $0xb8;
	[tilespmem:$0xEB00] =	vst v63  }
0x3ac: {  	_ =	swait.ge [sflag:s11], $0x7D0  }
0x3ad: {  	[sflag:s11] =	ssyncset.done $0x0  }
0x3ae: {  	[sflag:s11] =	ssyncadd.s32 $0xFFFFF830  }
0x3af: {  	_ =	swait.ge [sflag:s11], $0x7D0  }
0x3b0: {  	[sflag:s11] =	ssyncset.done $0x0  }
0x3b1: {  	[sflag:s11] =	ssyncadd.s32 $0xFFFFF830  }
0x3b2: {  	_ =	swait.ge [sflag:s11], $0x7D0  }
0x3b3: {  	[sflag:s11] =	ssyncset.done $0x0  }
0x3b4: {  	[sflag:s11] =	ssyncadd.s32 $0xFFFFF830  }
0x3b5: {  	_ =	swait.ge [sflag:s23], $0x7D0  }
0x3b6: {  	[sflag:s23] =	ssyncset.done $0x0  }
0x3b7: {  	s28 =	simm.s32 $0x0;
	[sflag:s23] =	ssyncadd.s32 $0xFFFFF830  }
0x3b8: {  	v2 =	vld [tilespmem:s28+$0x2100];
	_ =	sdelay $0x2  }
0x3b9: {  	v3 =	vld [tilespmem:s28+$0x2900];
	_ =	sdelay $0x3  }
0x3ba: {  	v1 =	vld [tilespmem:s28+$0x1900]  }
0x3bb: {  	s30 =	simm.s32 $0x80;
	s29 =	simm.s32 $0x10;
	v2 =	vld.idx.msk [tilespmem:v2+s1+$0x0], $0xffff;
	[tilespmem:s28+$0x9100] =	vst v3  }
.LBB2_46:
0x3bc: {  	p0 =	sne.s32 s30, $0x1F00;
	v3 =	vld [tilespmem:s29+$0x2100];
	_ =	sdelay $0x2  }
0x3bd: {  	v4 =	vld [tilespmem:s29+$0x2900]  }
.Ltmp22:
0x3be: {  	(pc) =	sbr.rel @p0 .LBB2_46-.Ltmp22, $3  }
0x3bf: {  	v2 =	vmul.f32 v1, v2;
	_ =	sdelay $0x1  }
0x3c0: {  	v1 =	vld [tilespmem:s29+$0x1900];
	[tilespmem:s28+$0x8900] =	vst v2;
	s28 =	smov.u32 s29  }
0x3c1: {  	s29 =	sshra.s32 s30, $0x2;
	s30 =	sadd.s32 $0x40, s30;
	v2 =	vld.idx.msk [tilespmem:v3+s1+$0x0], $0xffff;
	[tilespmem:s28+$0x9100] =	vst v4  }
0x3c2: {  	v3 =	vld [tilespmem:s29+$0x2100];
	_ =	sdelay $0x4  }
0x3c3: {  	v1 =	vmul.f32 v1, v2  }
0x3c4: {  	v4 =	vld [tilespmem:s29+$0x2900]  }
0x3c5: {  	v2 =	vld [tilespmem:s29+$0x1900];
	[tilespmem:s28+$0x8900] =	vst v1  }
0x3c6: {  	v1 =	vld.idx.msk [tilespmem:v3+s1+$0x0], $0xffff;
	_ =	sdelay $0x4  }
0x3c7: {  	v1 =	vmul.f32 v2, v1  }
0x3c8: {  	[tilespmem:s29+$0x9100] =	vst v4  }
0x3c9: {  	[tilespmem:s29+$0x8900] =	vst v1  }
0x3ca: {  	[spmem:s14] =	stream.indirect.scatter.add.f32 [tilespmem:s13], [sflag:$0x7], $0x1, s12, s8, $0xb8;
	[tilespmem:$0xEB00] =	vst v63  }
0x3cb: {  	_ =	swait.ge [sflag:s15], $0x7D0  }
0x3cc: {  	[sflag:s15] =	ssyncset.done $0x0  }
0x3cd: {  	[sflag:s15] =	ssyncadd.s32 $0xFFFFF830  }
0x3ce: {  	_ =	swait.ge [sflag:s15], $0x7D0  }
0x3cf: {  	[sflag:s15] =	ssyncset.done $0x0  }
0x3d0: {  	[sflag:s15] =	ssyncadd.s32 $0xFFFFF830  }
0x3d1: {  	_ =	swait.ge [sflag:s15], $0x7D0  }
0x3d2: {  	[sflag:s15] =	ssyncset.done $0x0  }
0x3d3: {  	[sflag:s15] =	ssyncadd.s32 $0xFFFFF830  }
0x3d4: {  	_ =	swait.ge [sflag:s24], $0x7D0  }
0x3d5: {  	[sflag:s24] =	ssyncset.done $0x0  }
0x3d6: {  	s28 =	simm.s32 $0x0;
	[sflag:s24] =	ssyncadd.s32 $0xFFFFF830  }
0x3d7: {  	v2 =	vld [tilespmem:s28+$0x3900];
	_ =	sdelay $0x2  }
0x3d8: {  	v3 =	vld [tilespmem:s28+$0x4100];
	_ =	sdelay $0x3  }
0x3d9: {  	v1 =	vld [tilespmem:s28+$0x3100]  }
0x3da: {  	s30 =	simm.s32 $0x80;
	s29 =	simm.s32 $0x10;
	v2 =	vld.idx.msk [tilespmem:v2+s1+$0x0], $0xffff;
	[tilespmem:s28+$0xA100] =	vst v3  }
.LBB2_48:
0x3db: {  	p0 =	sne.s32 s30, $0x1F00;
	v3 =	vld [tilespmem:s29+$0x3900];
	_ =	sdelay $0x2  }
0x3dc: {  	v4 =	vld [tilespmem:s29+$0x4100]  }
.Ltmp23:
0x3dd: {  	(pc) =	sbr.rel @p0 .LBB2_48-.Ltmp23, $3  }
0x3de: {  	v2 =	vmul.f32 v1, v2;
	_ =	sdelay $0x1  }
0x3df: {  	v1 =	vld [tilespmem:s29+$0x3100];
	[tilespmem:s28+$0x9900] =	vst v2;
	s28 =	smov.u32 s29  }
0x3e0: {  	s29 =	sshra.s32 s30, $0x2;
	s30 =	sadd.s32 $0x40, s30;
	v2 =	vld.idx.msk [tilespmem:v3+s1+$0x0], $0xffff;
	[tilespmem:s28+$0xA100] =	vst v4  }
0x3e1: {  	v3 =	vld [tilespmem:s29+$0x3900];
	_ =	sdelay $0x4  }
0x3e2: {  	v1 =	vmul.f32 v1, v2  }
0x3e3: {  	v4 =	vld [tilespmem:s29+$0x4100]  }
0x3e4: {  	v2 =	vld [tilespmem:s29+$0x3100];
	[tilespmem:s28+$0x9900] =	vst v1  }
0x3e5: {  	v1 =	vld.idx.msk [tilespmem:v3+s1+$0x0], $0xffff;
	_ =	sdelay $0x4  }
0x3e6: {  	v1 =	vmul.f32 v2, v1  }
0x3e7: {  	[tilespmem:s29+$0xA100] =	vst v4  }
0x3e8: {  	[tilespmem:s29+$0x9900] =	vst v1  }
0x3e9: {  	[spmem:s14] =	stream.indirect.scatter.add.f32 [tilespmem:s17], [sflag:$0x8], $0x1, s16, s8, $0xb8;
	[tilespmem:$0xEB00] =	vst v63  }
0x3ea: {  	_ =	swait.ge [sflag:s19], $0x7D0  }
0x3eb: {  	[sflag:s19] =	ssyncset.done $0x0  }
0x3ec: {  	[sflag:s19] =	ssyncadd.s32 $0xFFFFF830  }
0x3ed: {  	_ =	swait.ge [sflag:s19], $0x7D0  }
0x3ee: {  	[sflag:s19] =	ssyncset.done $0x0  }
0x3ef: {  	[sflag:s19] =	ssyncadd.s32 $0xFFFFF830  }
0x3f0: {  	_ =	swait.ge [sflag:s19], $0x7D0  }
0x3f1: {  	[sflag:s19] =	ssyncset.done $0x0  }
0x3f2: {  	[sflag:s19] =	ssyncadd.s32 $0xFFFFF830  }
0x3f3: {  	_ =	swait.ge [sflag:s25], $0x7D0  }
0x3f4: {  	[sflag:s25] =	ssyncset.done $0x0  }
0x3f5: {  	s28 =	simm.s32 $0x0;
	[sflag:s25] =	ssyncadd.s32 $0xFFFFF830  }
0x3f6: {  	v2 =	vld [tilespmem:s28+$0x5100];
	_ =	sdelay $0x2  }
0x3f7: {  	v3 =	vld [tilespmem:s28+$0x5900];
	_ =	sdelay $0x3  }
0x3f8: {  	v1 =	vld [tilespmem:s28+$0x4900]  }
0x3f9: {  	s30 =	simm.s32 $0x80;
	s29 =	simm.s32 $0x10;
	v2 =	vld.idx.msk [tilespmem:v2+s1+$0x0], $0xffff;
	[tilespmem:s28+$0xB100] =	vst v3  }
.LBB2_50:
0x3fa: {  	p0 =	sne.s32 s30, $0x1F00;
	v3 =	vld [tilespmem:s29+$0x5100];
	_ =	sdelay $0x2  }
0x3fb: {  	v4 =	vld [tilespmem:s29+$0x5900]  }
.Ltmp24:
0x3fc: {  	(pc) =	sbr.rel @p0 .LBB2_50-.Ltmp24, $3  }
0x3fd: {  	v2 =	vmul.f32 v1, v2;
	_ =	sdelay $0x1  }
0x3fe: {  	v1 =	vld [tilespmem:s29+$0x4900];
	[tilespmem:s28+$0xA900] =	vst v2;
	s28 =	smov.u32 s29  }
0x3ff: {  	s29 =	sshra.s32 s30, $0x2;
	s30 =	sadd.s32 $0x40, s30;
	v2 =	vld.idx.msk [tilespmem:v3+s1+$0x0], $0xffff;
	[tilespmem:s28+$0xB100] =	vst v4  }
0x400: {  	v3 =	vld [tilespmem:s29+$0x5100];
	_ =	sdelay $0x4  }
0x401: {  	v1 =	vmul.f32 v1, v2  }
0x402: {  	v4 =	vld [tilespmem:s29+$0x5900]  }
0x403: {  	v2 =	vld [tilespmem:s29+$0x4900];
	[tilespmem:s28+$0xA900] =	vst v1  }
0x404: {  	v1 =	vld.idx.msk [tilespmem:v3+s1+$0x0], $0xffff;
	_ =	sdelay $0x4  }
0x405: {  	v1 =	vmul.f32 v2, v1  }
0x406: {  	[tilespmem:s29+$0xB100] =	vst v4  }
0x407: {  	[tilespmem:s29+$0xA900] =	vst v1  }
0x408: {  	[spmem:s14] =	stream.indirect.scatter.add.f32 [tilespmem:s18], [sflag:$0x9], $0x1, s20, s8, $0xb8;
	[tilespmem:$0xEB00] =	vst v63  }
0x409: {  	_ =	swait.ge [sflag:s21], $0x7D0  }
0x40a: {  	[sflag:s21] =	ssyncset.done $0x0  }
0x40b: {  	[sflag:s21] =	ssyncadd.s32 $0xFFFFF830  }
0x40c: {  	_ =	swait.ge [sflag:s21], $0x7D0  }
0x40d: {  	[sflag:s21] =	ssyncset.done $0x0  }
0x40e: {  	[sflag:s21] =	ssyncadd.s32 $0xFFFFF830  }
0x40f: {  	_ =	swait.ge [sflag:s21], $0x7D0  }
0x410: {  	[sflag:s21] =	ssyncset.done $0x0  }
0x411: {  	[sflag:s21] =	ssyncadd.s32 $0xFFFFF830  }
0x412: {  	_ =	swait.ge [sflag:s22], $0x7D0  }
0x413: {  	[sflag:s22] =	ssyncset.done $0x0  }
0x414: {  	s28 =	simm.s32 $0x0;
	[sflag:s22] =	ssyncadd.s32 $0xFFFFF830  }
0x415: {  	v2 =	vld [tilespmem:s28+$0x6900];
	_ =	sdelay $0x2  }
0x416: {  	v3 =	vld [tilespmem:s28+$0x7100];
	_ =	sdelay $0x3  }
0x417: {  	v1 =	vld [tilespmem:s28+$0x6100]  }
0x418: {  	s30 =	simm.s32 $0x80;
	s29 =	simm.s32 $0x10;
	v2 =	vld.idx.msk [tilespmem:v2+s1+$0x0], $0xffff;
	[tilespmem:s28+$0x8100] =	vst v3  }
.LBB2_52:
0x419: {  	p0 =	sne.s32 s30, $0x1F00;
	v3 =	vld [tilespmem:s29+$0x6900];
	_ =	sdelay $0x2  }
0x41a: {  	v4 =	vld [tilespmem:s29+$0x7100]  }
.Ltmp25:
0x41b: {  	(pc) =	sbr.rel @p0 .LBB2_52-.Ltmp25, $3  }
0x41c: {  	v2 =	vmul.f32 v1, v2;
	_ =	sdelay $0x1  }
0x41d: {  	v1 =	vld [tilespmem:s29+$0x6100];
	[tilespmem:s28+$0x7900] =	vst v2;
	s28 =	smov.u32 s29  }
0x41e: {  	s29 =	sshra.s32 s30, $0x2;
	s30 =	sadd.s32 $0x40, s30;
	v2 =	vld.idx.msk [tilespmem:v3+s1+$0x0], $0xffff;
	[tilespmem:s28+$0x8100] =	vst v4  }
0x41f: {  	v3 =	vld [tilespmem:s29+$0x6900];
	_ =	sdelay $0x4  }
0x420: {  	v1 =	vmul.f32 v1, v2  }
0x421: {  	v4 =	vld [tilespmem:s29+$0x7100]  }
0x422: {  	v2 =	vld [tilespmem:s29+$0x6100];
	[tilespmem:s28+$0x7900] =	vst v1  }
0x423: {  	v1 =	vld.idx.msk [tilespmem:v3+s1+$0x0], $0xffff;
	_ =	sdelay $0x4  }
0x424: {  	v1 =	vmul.f32 v2, v1  }
0x425: {  	[tilespmem:s29+$0x8100] =	vst v4  }
0x426: {  	[tilespmem:s29+$0x7900] =	vst v1  }
0x427: {  	[spmem:s14] =	stream.indirect.scatter.add.f32 [tilespmem:s10], [sflag:$0x6], $0x1, s9, s8, $0xb8;
	[tilespmem:$0xEB00] =	vst v63  }
0x428: {  	_ =	swait.ge [sflag:s22], $0x7D0  }
0x429: {  	[sflag:s22] =	ssyncset.done $0x0  }
0x42a: {  	[sflag:s22] =	ssyncadd.s32 $0xFFFFF830  }
0x42b: {  	_ =	swait.ge [sflag:s23], $0x7D0  }
0x42c: {  	[sflag:s23] =	ssyncset.done $0x0  }
0x42d: {  	[sflag:s23] =	ssyncadd.s32 $0xFFFFF830  }
0x42e: {  	_ =	swait.ge [sflag:s24], $0x7D0  }
0x42f: {  	[sflag:s24] =	ssyncset.done $0x0  }
0x430: {  	[sflag:s24] =	ssyncadd.s32 $0xFFFFF830  }
0x431: {  	_ =	swait.ge [sflag:s25], $0x7D0  }
0x432: {  	[sflag:s25] =	ssyncset.done $0x0  }
0x433: {  	[sflag:s25] =	ssyncadd.s32 $0xFFFFF830  }
0x434: {  	[bflag:$0x0] =	sbarrier.arrive $0xFFFF  }
0x435: {  	s30 =	sld [smem:$0x7FD]  }
0x436: {  	s2 =	stileid.u32;
	s31 =	sld [smem:$0x7FB]  }
0x437: {  	s0 =	simm.s32 $0x20;
	s28 =	sshll.u32 s2, $0x6  }
0x438: {  	s2 =	simm.s32 $0x10;
	s28 =	sor.u32 $0x1C0A, s28;
	s29 =	sshrl.u32 s30, $0x3  }
0x439: {  	[hbm:s31@s0], [sflag:s28] =	dma.strided [spmem:s29@s2], $0x320, s7, $0x10   }
0x43a: {  	_ =	swait.ge [sflag:s3], $0x320  }
0x43b: {  	s29 =	sld [smem:$0x7FC];
	_ =	sdelay $0x1  }
0x43c: {  	s26 =	sadd.s32 $0x1, s26  }
0x43d: {  	p0 =	sne.s32 s26, s29  }
.Ltmp26:
0x43e: {  	_ = 	snop;
	(pc) =	sbr.rel @p0 .LBB2_1-.Ltmp26, $3  }
0x43f: {  	_ =	sdelay $0x1  }
0x440: {  	s31 =	simm.s32 $0x100;
	[sflag:s3] =	ssyncset.done $0x0  }
0x441: {  	s0 =	simm.s32 $0x5100;
	s2 =	simm.s32 $0x5900;
	[sflag:s3] =	ssyncadd.s32 $0xFFFFFCE0  }
0x442: {  	_ =	sfence.sel $0x180000  }
0x443: {  	[bflag:$0x0] =	sbarrier.arrive $0xFFFF  }
0x444: {  	_ =	strace $0x90000047  }
0x445: {  	s0 =	stileid.u32;
	[bflag:$0x2] =	sbarrier.arrive $0xFFFF  }
0x446: {  	p0 =	sne.s32 s0, $0x0;
	s0 =	rddreg [dreg:$0x7]  }
0x447: {  	s0 =	sadd.s32 @!p0 $0x100000, s0  }
0x448: {  	[sflag:s0] =	ssyncadd.tile.s32 @!p0 $0x1;
	_ =	shalt  }
.Lfunc_end2:
_tile_overlayer_lowered:
.L_overlay_start_2:
0x449: {  	(tag) =	ssettag $0x2  }
0x44a: {  	s0 =	rddreg [dreg:$0x0];
	s2 =	stileid.u32  }
0x44b: {  	s1 =	rddreg [dreg:$0x1];
	p0 =	sne.s32 s2, $0x0  }
0x44c: {  	s3 =	rddreg [dreg:$0x2];
	[bflag:$0x3] =	sbarrier.arrive $0xFFFF;
	s2 =	simm.s32 @!p0 $0x1C0A  }
0x44d: {  	[timem:s3], [sflag:s2] =	dma.local @!p0 [hbm:s0], s1  }
0x44e: {  	s0 =	simm.s32 @!p0 $0xA  }
0x44f: {  	_ =	swait.ge @!p0 [sflag:s0], s1  }
0x450: {  	s1 =	ssub.s32 @!p0 $0x0, s1;
	[sflag:s0] =	ssyncset.done @!p0 $0x0  }
0x451: {  	[sflag:s0] =	ssyncadd.s32 @!p0 s1  }
0x452: {  	[bflag:$0x3] =	sbarrier.arrive $0xFFFF  }
0x453: {  	_ =	shalt  }

</sc_bundles>
